<compile_context>
chip_gen: v7x
topology: tpu7x:2x2x1
jax: 0.10.2.dev20260603
libtpu: 0.0.44.dev20260713+nightly
codegen_flags: <defaults>
</compile_context>

<pallas_src>
import functools

import jax
import jax.numpy as jnp
import numpy as np
from jax import lax
from jax.experimental import pallas as pl
from jax.experimental.pallas import tpu as pltpu
from jax.experimental.pallas import tpu_sc as plsc

N = 10000
E = 320000
D = 128
BN_EPS = 1e-3

NC = 2
NS = 16
NW = NC * NS
EPW = E // NW
CH = 80
NFULL = EPW // CH
NB = 3
WB = 640

BE = 2000
BNODE = 2000

_PERM = np.arange(D).reshape(D // 32, 2, 16).transpose(0, 2, 1).reshape(D)


def _he_body(ea_ref, w_ref, b_ref, out_ref):
    out_ref[...] = (
        jnp.dot(ea_ref[...], w_ref[...], preferred_element_type=jnp.float32)
        + b_ref[...]
    ).astype(jnp.bfloat16)


def _compute_he(edge_attr, w, b):
    return pl.pallas_call(
        _he_body,
        grid=(E // BE,),
        in_specs=[
            pl.BlockSpec((BE, 16), lambda i: (i, 0)),
            pl.BlockSpec((16, D), lambda i: (0, 0)),
            pl.BlockSpec((1, D), lambda i: (0, 0)),
        ],
        out_specs=pl.BlockSpec((BE, D), lambda i: (i, 0)),
        out_shape=jax.ShapeDtypeStruct((E, D), jnp.bfloat16),
    )(edge_attr, w, b)


def _sc_pool_body(idx_hbm, he_hbm, x_hbm, out_hbm,
                  idx_v, xr_v, he_v0, he_v1, he_v2, pooled_sh,
                  isem0, isem1, isem2, gsem0, gsem1, gsem2,
                  hsem0, hsem1, hsem2):
    cid = lax.axis_index("c")
    sid = lax.axis_index("s")
    wid = sid * NC + cid
    he_vs = (he_v0, he_v1, he_v2)
    isems = (isem0, isem1, isem2)
    gsems = (gsem0, gsem1, gsem2)
    hsems = (hsem0, hsem1, hsem2)

    def zrow(r, carry):
        for c in range(D // 16):
            xr_v[0, r, pl.ds(c * 16, 16)] = jnp.zeros((16,), jnp.float32)
        return carry
    lax.fori_loop(0, CH, zrow, 0)
    for k in range(WB // CH):
        r0 = sid * WB + k * CH

        @pl.when(r0 + CH <= N)
        def _():
            pltpu.sync_copy(xr_v.at[0], pooled_sh.at[pl.ds(r0, CH)])

    plsc.subcore_barrier()

    cbase = wid * NFULL

    def start_idx(c, b):
        pltpu.async_copy(idx_hbm.at[cbase + c], idx_v.at[b], isems[b])

    def wait_idx(b):
        pltpu.make_async_copy(idx_hbm.at[cbase], idx_v.at[b],
                              isems[b]).wait()

    def start_data(c, b):
        pltpu.async_copy(x_hbm.at[idx_v.at[b, 0]], xr_v.at[b], gsems[b])
        pltpu.async_copy(
            he_hbm.at[pl.ds((cbase + c) * (CH * D // 2), CH * D // 2)],
            he_vs[b], hsems[b])

    def process_chunk(c, b):
        b2 = (b + 2) % NB
        pltpu.make_async_copy(x_hbm.at[idx_v.at[b, 0]], xr_v.at[b],
                              gsems[b]).wait()
        pltpu.make_async_copy(he_hbm.at[pl.ds(0, CH * D // 2)], he_vs[b],
                              hsems[b]).wait()

        @pl.when(c + 2 < NFULL)
        def _():
            wait_idx(b2)
            start_data(c + 2, b2)

        def row(r, c2):
            rH = r * (D // 2)
            for k in range(D // 32):
                s = k * 32
                hw = he_vs[b][pl.ds(rH + k * 16, 16)]
                lo = lax.bitcast_convert_type(hw << 16, jnp.float32)
                hi = lax.bitcast_convert_type(hw & jnp.int32(-65536),
                                              jnp.float32)
                xr_v[b, r, pl.ds(s, 16)] = jnp.maximum(
                    xr_v[b, r, pl.ds(s, 16)] + lo, 0.0)
                xr_v[b, r, pl.ds(s + 16, 16)] = jnp.maximum(
                    xr_v[b, r, pl.ds(s + 16, 16)] + hi, 0.0)
            return c2
        lax.fori_loop(0, CH, row, 0)
        pltpu.sync_copy(xr_v.at[b], pooled_sh.at[idx_v.at[b, 1]], add=True)

        @pl.when(c + NB < NFULL)
        def _():
            start_idx(c + NB, b)

    start_idx(0, 0)
    start_idx(1, 1)
    start_idx(2, 2)
    wait_idx(0)
    start_data(0, 0)
    wait_idx(1)
    start_data(1, 1)

    def triple(j3, carry):
        process_chunk(3 * j3, 0)
        process_chunk(3 * j3 + 1, 1)
        process_chunk(3 * j3 + 2, 2)
        return carry
    lax.fori_loop(0, NFULL // 3, triple, 0)
    process_chunk(NFULL - 2, (NFULL - 2) % NB)
    process_chunk(NFULL - 1, (NFULL - 1) % NB)

    plsc.subcore_barrier()
    for k in range(WB // CH):
        r0 = sid * WB + k * CH

        @pl.when(r0 + CH <= N)
        def _():
            pltpu.sync_copy(pooled_sh.at[pl.ds(r0, CH)],
                            out_hbm.at[cid, pl.ds(r0, CH)])


def _sc_pool(idx3, he, x):
    mesh = plsc.VectorSubcoreMesh(core_axis_name="c", subcore_axis_name="s")
    f = pl.kernel(
        _sc_pool_body,
        out_type=jax.ShapeDtypeStruct((NC, N, D), jnp.float32),
        mesh=mesh,
        scratch_types=[
            pltpu.VMEM((NB, 2, CH), jnp.int32),
            pltpu.VMEM((NB, CH, D), jnp.float32),
            pltpu.VMEM((CH * D // 2,), jnp.int32),
            pltpu.VMEM((CH * D // 2,), jnp.int32),
            pltpu.VMEM((CH * D // 2,), jnp.int32),
            pltpu.VMEM_SHARED((N, D), jnp.float32),
        ] + [pltpu.SemaphoreType.DMA] * 9,
    )
    return f(idx3, he, x)


def _node_body(eps_ref, x_ref, p_ref, w1_ref, b1_ref, w2_ref, b2_ref, out_ref):
    z = eps_ref[0, 0] * x_ref[...] + p_ref[0] + p_ref[1]
    h = jnp.maximum(
        jnp.dot(z, w1_ref[...], preferred_element_type=jnp.float32)
        + b1_ref[...], 0.0)
    out_ref[...] = (
        jnp.dot(h, w2_ref[...], preferred_element_type=jnp.float32)
        + b2_ref[...]
    )


def _node_update(epsp, x, pooled2, w1, b1, w2, b2):
    return pl.pallas_call(
        _node_body,
        grid=(N // BNODE,),
        in_specs=[
            pl.BlockSpec(memory_space=pltpu.SMEM),
            pl.BlockSpec((BNODE, D), lambda i: (i, 0)),
            pl.BlockSpec((NC, BNODE, D), lambda i: (0, i, 0)),
            pl.BlockSpec((D, 2 * D), lambda i: (0, 0)),
            pl.BlockSpec((1, 2 * D), lambda i: (0, 0)),
            pl.BlockSpec((2 * D, D), lambda i: (0, 0)),
            pl.BlockSpec((1, D), lambda i: (0, 0)),
        ],
        out_specs=pl.BlockSpec((BNODE, D), lambda i: (i, 0)),
        out_shape=jax.ShapeDtypeStruct((N, D), jnp.float32),
    )(epsp, x, pooled2, w1, b1, w2, b2)


def kernel(x, edge_index, edge_attr, We1, be1, We2, be2, eps, Wm1, bm1,
           gamma1, beta1, mu1, var1, Wm2, bm2, gamma2, beta2, mu2, var2):
    w_e = (We1 @ We2)[:, _PERM]
    b_e = (be1 @ We2 + be2)[_PERM]
    scale1 = gamma1 / jnp.sqrt(var1 + BN_EPS)
    w1 = Wm1 * scale1[None, :]
    b1 = (bm1 - mu1) * scale1 + beta1
    scale2 = gamma2 / jnp.sqrt(var2 + BN_EPS)
    w2 = Wm2 * scale2[None, :]
    b2 = (bm2 - mu2) * scale2 + beta2
    epsp = (1.0 + eps).reshape(1, 1)

    idx3 = jnp.stack([edge_index[0].reshape(NW * NFULL, CH),
                      edge_index[1].reshape(NW * NFULL, CH)], axis=1)

    he = lax.bitcast_convert_type(
        _compute_he(edge_attr, w_e, b_e[None, :]).reshape(E * D // 2, 2),
        jnp.int32)
    pooled2 = _sc_pool(idx3, he, x)
    return _node_update(epsp, x, pooled2, w1, b1[None, :], w2, b2[None, :])

# --- scband reference (transcript-rebuilt; emitter-appended) ---
"""Pipeline reference for scband-gin-36799279792140 (READ-ONLY COPY).

The authoritative reference and input builder live on the scoring server;
editing this copy changes nothing except your own understanding.
"""

import jax, jax.numpy as jnp
import numpy as np

N = 10000
E = 320000
D = 128
DE = 16
BN_EPS = 1e-3

def setup_inputs(seed: int = 0):
    key = jax.random.key(seed)
    ks = jax.random.split(key, 12)
    x = jax.random.normal(ks[0], (N, D), dtype=jnp.float32)
    edge_index = jax.random.randint(ks[1], (2, E), 0, N)
    edge_attr = jax.random.normal(ks[2], (E, DE), dtype=jnp.float32)
    # EdgeEncoder: Dense(2*D) -> Dense(D)
    We1 = jax.random.normal(ks[3], (DE, 2 * D), dtype=jnp.float32) * 0.05
    be1 = jnp.zeros((2 * D,), dtype=jnp.float32)
    We2 = jax.random.normal(ks[4], (2 * D, D), dtype=jnp.float32) * 0.05
    be2 = jnp.zeros((D,), dtype=jnp.float32)
    # GINNodeUpdate eps (learned, RandomNormal init)
    eps = jax.random.normal(ks[5], (1,), dtype=jnp.float32) * 0.05
    # MLP: Dense(2*D) -> BN -> relu -> Dense(D)
    Wm1 = jax.random.normal(ks[6], (D, 2 * D), dtype=jnp.float32) * 0.05
    bm1 = jnp.zeros((2 * D,), dtype=jnp.float32)
    gamma1 = jnp.ones((2 * D,), dtype=jnp.float32)
    beta1 = jnp.zeros((2 * D,), dtype=jnp.float32)
    mu1 = jnp.zeros((2 * D,), dtype=jnp.float32)
    var1 = jnp.ones((2 * D,), dtype=jnp.float32)
    Wm2 = jax.random.normal(ks[7], (2 * D, D), dtype=jnp.float32) * 0.05
    bm2 = jnp.zeros((D,), dtype=jnp.float32)
    # outer BN in GINNodeUpdate
    gamma2 = jnp.ones((D,), dtype=jnp.float32)
    beta2 = jnp.zeros((D,), dtype=jnp.float32)
    mu2 = jnp.zeros((D,), dtype=jnp.float32)
    var2 = jnp.ones((D,), dtype=jnp.float32)
    return dict(x=x, edge_index=edge_index, edge_attr=edge_attr,
                We1=We1, be1=be1, We2=We2, be2=be2, eps=eps,
                Wm1=Wm1, bm1=bm1, gamma1=gamma1, beta1=beta1, mu1=mu1, var1=var1,
                Wm2=Wm2, bm2=bm2, gamma2=gamma2, beta2=beta2, mu2=mu2, var2=var2)

def reference(x, edge_index, edge_attr, We1, be1, We2, be2, eps,
              Wm1, bm1, gamma1, beta1, mu1, var1, Wm2, bm2,
              gamma2, beta2, mu2, var2):
    src = edge_index[0]
    dst = edge_index[1]
    # EdgeEncoder on sender edge features
    he = edge_attr @ We1 + be1
    he = he @ We2 + be2
    # combine_type='sum': encoded edge feature + broadcast sender node feature
    combined = he + jnp.take(x, src, axis=0)
    # message_fn = relu
    messages = jax.nn.relu(combined)
    # pool to receiver (TARGET) with reduce_type='sum'
    pooled = jax.ops.segment_sum(messages, dst, num_segments=N)
    # GINNodeUpdate: h = MLP((1+eps)*node + pooled); then BN (inference stats)
    z = (1.0 + eps) * x + pooled
    h = z @ Wm1 + bm1
    h = (h - mu1) / jnp.sqrt(var1 + BN_EPS) * gamma1 + beta1
    h = jax.nn.relu(h)
    h = h @ Wm2 + bm2
    out = (h - mu2) / jnp.sqrt(var2 + BN_EPS) * gamma2 + beta2
    return out

if __name__ == "__main__":
    import jax
    _d = setup_inputs()
    print(jax.jit(kernel)(*tuple(_d.values())))

</pallas_src>

<mosaic_0001>
#map = affine_map<(d0, d1) -> (0, 0, 0)>
#map1 = affine_map<(d0, d1) -> (0)>
#map2 = affine_map<(d0, d1) -> (0, 0)>
module attributes {stable_mosaic.version = 14 : i64} {
  func.func @_sc_pool_body(%arg0: i32, %arg1: i32, %arg2: memref<4000x2x80xi32, #tpu.memory_space<hbm>>, %arg3: memref<20480000xi32, #tpu.memory_space<hbm>>, %arg4: memref<10000x128xf32, #tpu.memory_space<hbm>>, %arg5: memref<2x10000x128xf32, #tpu.memory_space<hbm>>, %arg6: memref<3x2x80xi32, #tpu.memory_space<vmem>>, %arg7: memref<3x80x128xf32, #tpu.memory_space<vmem>>, %arg8: memref<5120xi32, #tpu.memory_space<vmem>>, %arg9: memref<5120xi32, #tpu.memory_space<vmem>>, %arg10: memref<5120xi32, #tpu.memory_space<vmem>>, %arg11: memref<10000x128xf32, #tpu.memory_space<vmem_shared>>, %arg12: memref<!tpu.dma_semaphore, #tpu.memory_space<semaphore_mem>>, %arg13: memref<!tpu.dma_semaphore, #tpu.memory_space<semaphore_mem>>, %arg14: memref<!tpu.dma_semaphore, #tpu.memory_space<semaphore_mem>>, %arg15: memref<!tpu.dma_semaphore, #tpu.memory_space<semaphore_mem>>, %arg16: memref<!tpu.dma_semaphore, #tpu.memory_space<semaphore_mem>>, %arg17: memref<!tpu.dma_semaphore, #tpu.memory_space<semaphore_mem>>, %arg18: memref<!tpu.dma_semaphore, #tpu.memory_space<semaphore_mem>>, %arg19: memref<!tpu.dma_semaphore, #tpu.memory_space<semaphore_mem>>, %arg20: memref<!tpu.dma_semaphore, #tpu.memory_space<semaphore_mem>>) attributes {dimension_semantics = [#tpu.dimension_semantics<core_parallel>, #tpu.dimension_semantics<subcore_parallel>], iteration_bounds = array<i64: 2, 16>, scalar_prefetch = 0 : i64, scratch_operands = 15 : i64, tpu.core_type = #tpu.core_type<sc_vector_subcore>, window_params = [{transform_indices = #map}, {transform_indices = #map1}, {transform_indices = #map2}, {transform_indices = #map}]} {
    %mul3A = arith.constant 2 : i32
    %mul3A_0 = arith.muli %arg1, %mul3A : i32
    %add3A = arith.addi %mul3A_0, %arg0 : i32
    %scan3A = arith.constant 0 : i32
    %scan3A_1 = arith.constant 0 : i32
    %scan3A_2 = arith.constant 80 : i32
    %scan3A_3 = arith.addi %scan3A_1, %scan3A_2 : i32
    %scan3A_4 = arith.constant 1 : i32
    scf.for %scan3A_366 = %scan3A_1 to %scan3A_3 step %scan3A_4  : i32 {
      %broadcast_in_dim3A = arith.constant 0.000000e+00 : f32
      %broadcast_in_dim3A_367 = vector.broadcast %broadcast_in_dim3A : f32 to vector<16xf32>
      %swap3A = arith.constant 0 : i32
      %swap3A_368 = arith.index_cast %swap3A : i32 to index
      %swap3A_369 = arith.index_cast %scan3A_366 : i32 to index
      %swap3A_370 = arith.constant 0 : index
      %swap3A_371 = tpu.vector_load %arg7[%swap3A_368, %swap3A_369, %swap3A_370] {strides = array<i32>} : memref<3x80x128xf32, #tpu.memory_space<vmem>>, vector<1x1x16xf32>,
      %swap3A_372 = vector.shape_cast %swap3A_371 : vector<1x1x16xf32> to vector<16xf32>
      %swap3A_373 = vector.shape_cast %broadcast_in_dim3A_367 : vector<16xf32> to vector<1x1x16xf32>
      tpu.vector_store %arg7[%swap3A_368, %swap3A_369, %swap3A_370], %swap3A_373 {strides = array<i32>} : memref<3x80x128xf32, #tpu.memory_space<vmem>>, vector<1x1x16xf32>,
      %broadcast_in_dim3A_374 = arith.constant 0.000000e+00 : f32
      %broadcast_in_dim3A_375 = vector.broadcast %broadcast_in_dim3A_374 : f32 to vector<16xf32>
      %swap3A_376 = arith.constant 0 : i32
      %swap3A_377 = arith.index_cast %swap3A_376 : i32 to index
      %swap3A_378 = arith.index_cast %scan3A_366 : i32 to index
      %swap3A_379 = arith.constant 16 : index
      %swap3A_380 = tpu.vector_load %arg7[%swap3A_377, %swap3A_378, %swap3A_379] {strides = array<i32>} : memref<3x80x128xf32, #tpu.memory_space<vmem>>, vector<1x1x16xf32>,
      %swap3A_381 = vector.shape_cast %swap3A_380 : vector<1x1x16xf32> to vector<16xf32>
      %swap3A_382 = vector.shape_cast %broadcast_in_dim3A_375 : vector<16xf32> to vector<1x1x16xf32>
      tpu.vector_store %arg7[%swap3A_377, %swap3A_378, %swap3A_379], %swap3A_382 {strides = array<i32>} : memref<3x80x128xf32, #tpu.memory_space<vmem>>, vector<1x1x16xf32>,
      %broadcast_in_dim3A_383 = arith.constant 0.000000e+00 : f32
      %broadcast_in_dim3A_384 = vector.broadcast %broadcast_in_dim3A_383 : f32 to vector<16xf32>
      %swap3A_385 = arith.constant 0 : i32
      %swap3A_386 = arith.index_cast %swap3A_385 : i32 to index
      %swap3A_387 = arith.index_cast %scan3A_366 : i32 to index
      %swap3A_388 = arith.constant 32 : index
      %swap3A_389 = tpu.vector_load %arg7[%swap3A_386, %swap3A_387, %swap3A_388] {strides = array<i32>} : memref<3x80x128xf32, #tpu.memory_space<vmem>>, vector<1x1x16xf32>,
      %swap3A_390 = vector.shape_cast %swap3A_389 : vector<1x1x16xf32> to vector<16xf32>
      %swap3A_391 = vector.shape_cast %broadcast_in_dim3A_384 : vector<16xf32> to vector<1x1x16xf32>
      tpu.vector_store %arg7[%swap3A_386, %swap3A_387, %swap3A_388], %swap3A_391 {strides = array<i32>} : memref<3x80x128xf32, #tpu.memory_space<vmem>>, vector<1x1x16xf32>,
      %broadcast_in_dim3A_392 = arith.constant 0.000000e+00 : f32
      %broadcast_in_dim3A_393 = vector.broadcast %broadcast_in_dim3A_392 : f32 to vector<16xf32>
      %swap3A_394 = arith.constant 0 : i32
      %swap3A_395 = arith.index_cast %swap3A_394 : i32 to index
      %swap3A_396 = arith.index_cast %scan3A_366 : i32 to index
      %swap3A_397 = arith.constant 48 : index
      %swap3A_398 = tpu.vector_load %arg7[%swap3A_395, %swap3A_396, %swap3A_397] {strides = array<i32>} : memref<3x80x128xf32, #tpu.memory_space<vmem>>, vector<1x1x16xf32>,
      %swap3A_399 = vector.shape_cast %swap3A_398 : vector<1x1x16xf32> to vector<16xf32>
      %swap3A_400 = vector.shape_cast %broadcast_in_dim3A_393 : vector<16xf32> to vector<1x1x16xf32>
      tpu.vector_store %arg7[%swap3A_395, %swap3A_396, %swap3A_397], %swap3A_400 {strides = array<i32>} : memref<3x80x128xf32, #tpu.memory_space<vmem>>, vector<1x1x16xf32>,
      %broadcast_in_dim3A_401 = arith.constant 0.000000e+00 : f32
      %broadcast_in_dim3A_402 = vector.broadcast %broadcast_in_dim3A_401 : f32 to vector<16xf32>
      %swap3A_403 = arith.constant 0 : i32
      %swap3A_404 = arith.index_cast %swap3A_403 : i32 to index
      %swap3A_405 = arith.index_cast %scan3A_366 : i32 to index
      %swap3A_406 = arith.constant 64 : index
      %swap3A_407 = tpu.vector_load %arg7[%swap3A_404, %swap3A_405, %swap3A_406] {strides = array<i32>} : memref<3x80x128xf32, #tpu.memory_space<vmem>>, vector<1x1x16xf32>,
      %swap3A_408 = vector.shape_cast %swap3A_407 : vector<1x1x16xf32> to vector<16xf32>
      %swap3A_409 = vector.shape_cast %broadcast_in_dim3A_402 : vector<16xf32> to vector<1x1x16xf32>
      tpu.vector_store %arg7[%swap3A_404, %swap3A_405, %swap3A_406], %swap3A_409 {strides = array<i32>} : memref<3x80x128xf32, #tpu.memory_space<vmem>>, vector<1x1x16xf32>,
      %broadcast_in_dim3A_410 = arith.constant 0.000000e+00 : f32
      %broadcast_in_dim3A_411 = vector.broadcast %broadcast_in_dim3A_410 : f32 to vector<16xf32>
      %swap3A_412 = arith.constant 0 : i32
      %swap3A_413 = arith.index_cast %swap3A_412 : i32 to index
      %swap3A_414 = arith.index_cast %scan3A_366 : i32 to index
      %swap3A_415 = arith.constant 80 : index
      %swap3A_416 = tpu.vector_load %arg7[%swap3A_413, %swap3A_414, %swap3A_415] {strides = array<i32>} : memref<3x80x128xf32, #tpu.memory_space<vmem>>, vector<1x1x16xf32>,
      %swap3A_417 = vector.shape_cast %swap3A_416 : vector<1x1x16xf32> to vector<16xf32>
      %swap3A_418 = vector.shape_cast %broadcast_in_dim3A_411 : vector<16xf32> to vector<1x1x16xf32>
      tpu.vector_store %arg7[%swap3A_413, %swap3A_414, %swap3A_415], %swap3A_418 {strides = array<i32>} : memref<3x80x128xf32, #tpu.memory_space<vmem>>, vector<1x1x16xf32>,
      %broadcast_in_dim3A_419 = arith.constant 0.000000e+00 : f32
      %broadcast_in_dim3A_420 = vector.broadcast %broadcast_in_dim3A_419 : f32 to vector<16xf32>
      %swap3A_421 = arith.constant 0 : i32
      %swap3A_422 = arith.index_cast %swap3A_421 : i32 to index
      %swap3A_423 = arith.index_cast %scan3A_366 : i32 to index
      %swap3A_424 = arith.constant 96 : index
      %swap3A_425 = tpu.vector_load %arg7[%swap3A_422, %swap3A_423, %swap3A_424] {strides = array<i32>} : memref<3x80x128xf32, #tpu.memory_space<vmem>>, vector<1x1x16xf32>,
      %swap3A_426 = vector.shape_cast %swap3A_425 : vector<1x1x16xf32> to vector<16xf32>
      %swap3A_427 = vector.shape_cast %broadcast_in_dim3A_420 : vector<16xf32> to vector<1x1x16xf32>
      tpu.vector_store %arg7[%swap3A_422, %swap3A_423, %swap3A_424], %swap3A_427 {strides = array<i32>} : memref<3x80x128xf32, #tpu.memory_space<vmem>>, vector<1x1x16xf32>,
      %broadcast_in_dim3A_428 = arith.constant 0.000000e+00 : f32
      %broadcast_in_dim3A_429 = vector.broadcast %broadcast_in_dim3A_428 : f32 to vector<16xf32>
      %swap3A_430 = arith.constant 0 : i32
      %swap3A_431 = arith.index_cast %swap3A_430 : i32 to index
      %swap3A_432 = arith.index_cast %scan3A_366 : i32 to index
      %swap3A_433 = arith.constant 112 : index
      %swap3A_434 = tpu.vector_load %arg7[%swap3A_431, %swap3A_432, %swap3A_433] {strides = array<i32>} : memref<3x80x128xf32, #tpu.memory_space<vmem>>, vector<1x1x16xf32>,
      %swap3A_435 = vector.shape_cast %swap3A_434 : vector<1x1x16xf32> to vector<16xf32>
      %swap3A_436 = vector.shape_cast %broadcast_in_dim3A_429 : vector<16xf32> to vector<1x1x16xf32>
      tpu.vector_store %arg7[%swap3A_431, %swap3A_432, %swap3A_433], %swap3A_436 {strides = array<i32>} : memref<3x80x128xf32, #tpu.memory_space<vmem>>, vector<1x1x16xf32>,
    }
    %scan3A_5 = arith.constant 80 : i32
    %mul3A_6 = arith.constant 640 : i32
    %mul3A_7 = arith.muli %arg1, %mul3A_6 : i32
    %add3A_8 = arith.constant 0 : i32
    %add3A_9 = arith.addi %mul3A_7, %add3A_8 : i32
    %add3A_10 = arith.constant 80 : i32
    %add3A_11 = arith.addi %add3A_9, %add3A_10 : i32
    %le3A = arith.constant 10000 : i32
    %le3A_12 = arith.cmpi sle, %add3A_11, %le3A : i32
    %convert_element_type3A = arith.extui %le3A_12 : i1 to i32
    %cond3A = arith.constant 0 : i32
    %cond3A_13 = arith.cmpi ne, %convert_element_type3A, %cond3A : i32
    scf.if %cond3A_13 {
      %run_scoped3A_366 = arith.constant 0 : i32
      "tpu.region"() ({
        %run_scoped3A_367 = tpu.sem_alloc : memref<!tpu.dma_semaphore, #tpu.memory_space<semaphore_mem>>
        %dma_start3A_368 = arith.constant 0 : i32
        %dma_start3A_369 = arith.constant 0 : i32
        %dma_start3A_370 = tpu.memref_slice %arg7[%run_scoped3A_366, %dma_start3A_368, %dma_start3A_369] : memref<3x80x128xf32, #tpu.memory_space<vmem>> -> memref<1x80x128xf32, #tpu.memory_space<vmem>>
        %dma_start3A_371 = tpu.memref_squeeze %dma_start3A_370 : memref<1x80x128xf32, #tpu.memory_space<vmem>> -> memref<80x128xf32, #tpu.memory_space<vmem>>
        %dma_start3A_372 = arith.constant 0 : i32
        %dma_start3A_373 = tpu.memref_slice %arg11[%add3A_9, %dma_start3A_372] : memref<10000x128xf32, #tpu.memory_space<vmem_shared>> -> memref<80x128xf32, #tpu.memory_space<vmem_shared>>
        %dma_start3A_374 = arith.constant 0 : i32
        %dma_start3A_375 = tpu.memref_slice %arg11[%add3A_9, %dma_start3A_374] : memref<10000x128xf32, #tpu.memory_space<vmem_shared>> -> memref<80x128xf32, #tpu.memory_space<vmem_shared>>
        %dma_start3A_376 = arith.constant 0 : i32
        %dma_start3A_377 = arith.constant 0 : i32
        %dma_start3A_378 = tpu.memref_slice %arg7[%run_scoped3A_366, %dma_start3A_376, %dma_start3A_377] : memref<3x80x128xf32, #tpu.memory_space<vmem>> -> memref<1x80x128xf32, #tpu.memory_space<vmem>>
        %dma_start3A_379 = tpu.memref_squeeze %dma_start3A_378 : memref<1x80x128xf32, #tpu.memory_space<vmem>> -> memref<80x128xf32, #tpu.memory_space<vmem>>
        tpu.enqueue_dma source(%dma_start3A_379 : memref<80x128xf32, #tpu.memory_space<vmem>>) target(%dma_start3A_375 : memref<80x128xf32, #tpu.memory_space<vmem_shared>>) target_semaphore(%run_scoped3A_367 : memref<!tpu.dma_semaphore, #tpu.memory_space<semaphore_mem>>)
        %dma_wait3A_380 = arith.constant 0 : i32
        %dma_wait3A_381 = arith.constant 0 : i32
        %dma_wait3A_382 = tpu.memref_slice %arg7[%run_scoped3A_366, %dma_wait3A_380, %dma_wait3A_381] : memref<3x80x128xf32, #tpu.memory_space<vmem>> -> memref<1x80x128xf32, #tpu.memory_space<vmem>>
        %dma_wait3A_383 = tpu.memref_squeeze %dma_wait3A_382 : memref<1x80x128xf32, #tpu.memory_space<vmem>> -> memref<80x128xf32, #tpu.memory_space<vmem>>
        %dma_wait3A_384 = arith.constant 0 : i32
        %dma_wait3A_385 = tpu.memref_slice %arg11[%add3A_9, %dma_wait3A_384] : memref<10000x128xf32, #tpu.memory_space<vmem_shared>> -> memref<80x128xf32, #tpu.memory_space<vmem_shared>>
        %dma_wait3A_386 = arith.constant 0 : i32
        %dma_wait3A_387 = tpu.memref_slice %arg11[%add3A_9, %dma_wait3A_386] : memref<10000x128xf32, #tpu.memory_space<vmem_shared>> -> memref<80x128xf32, #tpu.memory_space<vmem_shared>>
        %dma_wait3A_388 = arith.constant 0 : i32
        %dma_wait3A_389 = arith.constant 0 : i32
        %dma_wait3A_390 = tpu.memref_slice %arg7[%run_scoped3A_366, %dma_wait3A_388, %dma_wait3A_389] : memref<3x80x128xf32, #tpu.memory_space<vmem>> -> memref<1x80x128xf32, #tpu.memory_space<vmem>>
        %dma_wait3A_391 = tpu.memref_squeeze %dma_wait3A_390 : memref<1x80x128xf32, #tpu.memory_space<vmem>> -> memref<80x128xf32, #tpu.memory_space<vmem>>
        tpu.wait_dma2 semaphore(%run_scoped3A_367 : memref<!tpu.dma_semaphore, #tpu.memory_space<semaphore_mem>>) src(%dma_wait3A_391 : memref<80x128xf32, #tpu.memory_space<vmem>>) dst(%dma_wait3A_387 : memref<80x128xf32, #tpu.memory_space<vmem_shared>>)
        tpu.yield
      }) : () -> ()
    } else {
    }
    %mul3A_14 = arith.constant 640 : i32
    %mul3A_15 = arith.muli %arg1, %mul3A_14 : i32
    %add3A_16 = arith.constant 80 : i32
    %add3A_17 = arith.addi %mul3A_15, %add3A_16 : i32
    %add3A_18 = arith.constant 80 : i32
    %add3A_19 = arith.addi %add3A_17, %add3A_18 : i32
    %le3A_20 = arith.constant 10000 : i32
    %le3A_21 = arith.cmpi sle, %add3A_19, %le3A_20 : i32
    %convert_element_type3A_22 = arith.extui %le3A_21 : i1 to i32
    %cond3A_23 = arith.constant 0 : i32
    %cond3A_24 = arith.cmpi ne, %convert_element_type3A_22, %cond3A_23 : i32
    scf.if %cond3A_24 {
      %run_scoped3A_366 = arith.constant 0 : i32
      "tpu.region"() ({
        %run_scoped3A_367 = tpu.sem_alloc : memref<!tpu.dma_semaphore, #tpu.memory_space<semaphore_mem>>
        %dma_start3A_368 = arith.constant 0 : i32
        %dma_start3A_369 = arith.constant 0 : i32
        %dma_start3A_370 = tpu.memref_slice %arg7[%run_scoped3A_366, %dma_start3A_368, %dma_start3A_369] : memref<3x80x128xf32, #tpu.memory_space<vmem>> -> memref<1x80x128xf32, #tpu.memory_space<vmem>>
        %dma_start3A_371 = tpu.memref_squeeze %dma_start3A_370 : memref<1x80x128xf32, #tpu.memory_space<vmem>> -> memref<80x128xf32, #tpu.memory_space<vmem>>
        %dma_start3A_372 = arith.constant 0 : i32
        %dma_start3A_373 = tpu.memref_slice %arg11[%add3A_17, %dma_start3A_372] : memref<10000x128xf32, #tpu.memory_space<vmem_shared>> -> memref<80x128xf32, #tpu.memory_space<vmem_shared>>
        %dma_start3A_374 = arith.constant 0 : i32
        %dma_start3A_375 = tpu.memref_slice %arg11[%add3A_17, %dma_start3A_374] : memref<10000x128xf32, #tpu.memory_space<vmem_shared>> -> memref<80x128xf32, #tpu.memory_space<vmem_shared>>
        %dma_start3A_376 = arith.constant 0 : i32
        %dma_start3A_377 = arith.constant 0 : i32
        %dma_start3A_378 = tpu.memref_slice %arg7[%run_scoped3A_366, %dma_start3A_376, %dma_start3A_377] : memref<3x80x128xf32, #tpu.memory_space<vmem>> -> memref<1x80x128xf32, #tpu.memory_space<vmem>>
        %dma_start3A_379 = tpu.memref_squeeze %dma_start3A_378 : memref<1x80x128xf32, #tpu.memory_space<vmem>> -> memref<80x128xf32, #tpu.memory_space<vmem>>
        tpu.enqueue_dma source(%dma_start3A_379 : memref<80x128xf32, #tpu.memory_space<vmem>>) target(%dma_start3A_375 : memref<80x128xf32, #tpu.memory_space<vmem_shared>>) target_semaphore(%run_scoped3A_367 : memref<!tpu.dma_semaphore, #tpu.memory_space<semaphore_mem>>)
        %dma_wait3A_380 = arith.constant 0 : i32
        %dma_wait3A_381 = arith.constant 0 : i32
        %dma_wait3A_382 = tpu.memref_slice %arg7[%run_scoped3A_366, %dma_wait3A_380, %dma_wait3A_381] : memref<3x80x128xf32, #tpu.memory_space<vmem>> -> memref<1x80x128xf32, #tpu.memory_space<vmem>>
        %dma_wait3A_383 = tpu.memref_squeeze %dma_wait3A_382 : memref<1x80x128xf32, #tpu.memory_space<vmem>> -> memref<80x128xf32, #tpu.memory_space<vmem>>
        %dma_wait3A_384 = arith.constant 0 : i32
        %dma_wait3A_385 = tpu.memref_slice %arg11[%add3A_17, %dma_wait3A_384] : memref<10000x128xf32, #tpu.memory_space<vmem_shared>> -> memref<80x128xf32, #tpu.memory_space<vmem_shared>>
        %dma_wait3A_386 = arith.constant 0 : i32
        %dma_wait3A_387 = tpu.memref_slice %arg11[%add3A_17, %dma_wait3A_386] : memref<10000x128xf32, #tpu.memory_space<vmem_shared>> -> memref<80x128xf32, #tpu.memory_space<vmem_shared>>
        %dma_wait3A_388 = arith.constant 0 : i32
        %dma_wait3A_389 = arith.constant 0 : i32
        %dma_wait3A_390 = tpu.memref_slice %arg7[%run_scoped3A_366, %dma_wait3A_388, %dma_wait3A_389] : memref<3x80x128xf32, #tpu.memory_space<vmem>> -> memref<1x80x128xf32, #tpu.memory_space<vmem>>
        %dma_wait3A_391 = tpu.memref_squeeze %dma_wait3A_390 : memref<1x80x128xf32, #tpu.memory_space<vmem>> -> memref<80x128xf32, #tpu.memory_space<vmem>>
        tpu.wait_dma2 semaphore(%run_scoped3A_367 : memref<!tpu.dma_semaphore, #tpu.memory_space<semaphore_mem>>) src(%dma_wait3A_391 : memref<80x128xf32, #tpu.memory_space<vmem>>) dst(%dma_wait3A_387 : memref<80x128xf32, #tpu.memory_space<vmem_shared>>)
        tpu.yield
      }) : () -> ()
    } else {
    }
    %mul3A_25 = arith.constant 640 : i32
    %mul3A_26 = arith.muli %arg1, %mul3A_25 : i32
    %add3A_27 = arith.constant 160 : i32
    %add3A_28 = arith.addi %mul3A_26, %add3A_27 : i32
    %add3A_29 = arith.constant 80 : i32
    %add3A_30 = arith.addi %add3A_28, %add3A_29 : i32
    %le3A_31 = arith.constant 10000 : i32
    %le3A_32 = arith.cmpi sle, %add3A_30, %le3A_31 : i32
    %convert_element_type3A_33 = arith.extui %le3A_32 : i1 to i32
    %cond3A_34 = arith.constant 0 : i32
    %cond3A_35 = arith.cmpi ne, %convert_element_type3A_33, %cond3A_34 : i32
    scf.if %cond3A_35 {
      %run_scoped3A_366 = arith.constant 0 : i32
      "tpu.region"() ({
        %run_scoped3A_367 = tpu.sem_alloc : memref<!tpu.dma_semaphore, #tpu.memory_space<semaphore_mem>>
        %dma_start3A_368 = arith.constant 0 : i32
        %dma_start3A_369 = arith.constant 0 : i32
        %dma_start3A_370 = tpu.memref_slice %arg7[%run_scoped3A_366, %dma_start3A_368, %dma_start3A_369] : memref<3x80x128xf32, #tpu.memory_space<vmem>> -> memref<1x80x128xf32, #tpu.memory_space<vmem>>
        %dma_start3A_371 = tpu.memref_squeeze %dma_start3A_370 : memref<1x80x128xf32, #tpu.memory_space<vmem>> -> memref<80x128xf32, #tpu.memory_space<vmem>>
        %dma_start3A_372 = arith.constant 0 : i32
        %dma_start3A_373 = tpu.memref_slice %arg11[%add3A_28, %dma_start3A_372] : memref<10000x128xf32, #tpu.memory_space<vmem_shared>> -> memref<80x128xf32, #tpu.memory_space<vmem_shared>>
        %dma_start3A_374 = arith.constant 0 : i32
        %dma_start3A_375 = tpu.memref_slice %arg11[%add3A_28, %dma_start3A_374] : memref<10000x128xf32, #tpu.memory_space<vmem_shared>> -> memref<80x128xf32, #tpu.memory_space<vmem_shared>>
        %dma_start3A_376 = arith.constant 0 : i32
        %dma_start3A_377 = arith.constant 0 : i32
        %dma_start3A_378 = tpu.memref_slice %arg7[%run_scoped3A_366, %dma_start3A_376, %dma_start3A_377] : memref<3x80x128xf32, #tpu.memory_space<vmem>> -> memref<1x80x128xf32, #tpu.memory_space<vmem>>
        %dma_start3A_379 = tpu.memref_squeeze %dma_start3A_378 : memref<1x80x128xf32, #tpu.memory_space<vmem>> -> memref<80x128xf32, #tpu.memory_space<vmem>>
        tpu.enqueue_dma source(%dma_start3A_379 : memref<80x128xf32, #tpu.memory_space<vmem>>) target(%dma_start3A_375 : memref<80x128xf32, #tpu.memory_space<vmem_shared>>) target_semaphore(%run_scoped3A_367 : memref<!tpu.dma_semaphore, #tpu.memory_space<semaphore_mem>>)
        %dma_wait3A_380 = arith.constant 0 : i32
        %dma_wait3A_381 = arith.constant 0 : i32
        %dma_wait3A_382 = tpu.memref_slice %arg7[%run_scoped3A_366, %dma_wait3A_380, %dma_wait3A_381] : memref<3x80x128xf32, #tpu.memory_space<vmem>> -> memref<1x80x128xf32, #tpu.memory_space<vmem>>
        %dma_wait3A_383 = tpu.memref_squeeze %dma_wait3A_382 : memref<1x80x128xf32, #tpu.memory_space<vmem>> -> memref<80x128xf32, #tpu.memory_space<vmem>>
        %dma_wait3A_384 = arith.constant 0 : i32
        %dma_wait3A_385 = tpu.memref_slice %arg11[%add3A_28, %dma_wait3A_384] : memref<10000x128xf32, #tpu.memory_space<vmem_shared>> -> memref<80x128xf32, #tpu.memory_space<vmem_shared>>
        %dma_wait3A_386 = arith.constant 0 : i32
        %dma_wait3A_387 = tpu.memref_slice %arg11[%add3A_28, %dma_wait3A_386] : memref<10000x128xf32, #tpu.memory_space<vmem_shared>> -> memref<80x128xf32, #tpu.memory_space<vmem_shared>>
        %dma_wait3A_388 = arith.constant 0 : i32
        %dma_wait3A_389 = arith.constant 0 : i32
        %dma_wait3A_390 = tpu.memref_slice %arg7[%run_scoped3A_366, %dma_wait3A_388, %dma_wait3A_389] : memref<3x80x128xf32, #tpu.memory_space<vmem>> -> memref<1x80x128xf32, #tpu.memory_space<vmem>>
        %dma_wait3A_391 = tpu.memref_squeeze %dma_wait3A_390 : memref<1x80x128xf32, #tpu.memory_space<vmem>> -> memref<80x128xf32, #tpu.memory_space<vmem>>
        tpu.wait_dma2 semaphore(%run_scoped3A_367 : memref<!tpu.dma_semaphore, #tpu.memory_space<semaphore_mem>>) src(%dma_wait3A_391 : memref<80x128xf32, #tpu.memory_space<vmem>>) dst(%dma_wait3A_387 : memref<80x128xf32, #tpu.memory_space<vmem_shared>>)
        tpu.yield
      }) : () -> ()
    } else {
    }
    %mul3A_36 = arith.constant 640 : i32
    %mul3A_37 = arith.muli %arg1, %mul3A_36 : i32
    %add3A_38 = arith.constant 240 : i32
    %add3A_39 = arith.addi %mul3A_37, %add3A_38 : i32
    %add3A_40 = arith.constant 80 : i32
    %add3A_41 = arith.addi %add3A_39, %add3A_40 : i32
    %le3A_42 = arith.constant 10000 : i32
    %le3A_43 = arith.cmpi sle, %add3A_41, %le3A_42 : i32
    %convert_element_type3A_44 = arith.extui %le3A_43 : i1 to i32
    %cond3A_45 = arith.constant 0 : i32
    %cond3A_46 = arith.cmpi ne, %convert_element_type3A_44, %cond3A_45 : i32
    scf.if %cond3A_46 {
      %run_scoped3A_366 = arith.constant 0 : i32
      "tpu.region"() ({
        %run_scoped3A_367 = tpu.sem_alloc : memref<!tpu.dma_semaphore, #tpu.memory_space<semaphore_mem>>
        %dma_start3A_368 = arith.constant 0 : i32
        %dma_start3A_369 = arith.constant 0 : i32
        %dma_start3A_370 = tpu.memref_slice %arg7[%run_scoped3A_366, %dma_start3A_368, %dma_start3A_369] : memref<3x80x128xf32, #tpu.memory_space<vmem>> -> memref<1x80x128xf32, #tpu.memory_space<vmem>>
        %dma_start3A_371 = tpu.memref_squeeze %dma_start3A_370 : memref<1x80x128xf32, #tpu.memory_space<vmem>> -> memref<80x128xf32, #tpu.memory_space<vmem>>
        %dma_start3A_372 = arith.constant 0 : i32
        %dma_start3A_373 = tpu.memref_slice %arg11[%add3A_39, %dma_start3A_372] : memref<10000x128xf32, #tpu.memory_space<vmem_shared>> -> memref<80x128xf32, #tpu.memory_space<vmem_shared>>
        %dma_start3A_374 = arith.constant 0 : i32
        %dma_start3A_375 = tpu.memref_slice %arg11[%add3A_39, %dma_start3A_374] : memref<10000x128xf32, #tpu.memory_space<vmem_shared>> -> memref<80x128xf32, #tpu.memory_space<vmem_shared>>
        %dma_start3A_376 = arith.constant 0 : i32
        %dma_start3A_377 = arith.constant 0 : i32
        %dma_start3A_378 = tpu.memref_slice %arg7[%run_scoped3A_366, %dma_start3A_376, %dma_start3A_377] : memref<3x80x128xf32, #tpu.memory_space<vmem>> -> memref<1x80x128xf32, #tpu.memory_space<vmem>>
        %dma_start3A_379 = tpu.memref_squeeze %dma_start3A_378 : memref<1x80x128xf32, #tpu.memory_space<vmem>> -> memref<80x128xf32, #tpu.memory_space<vmem>>
        tpu.enqueue_dma source(%dma_start3A_379 : memref<80x128xf32, #tpu.memory_space<vmem>>) target(%dma_start3A_375 : memref<80x128xf32, #tpu.memory_space<vmem_shared>>) target_semaphore(%run_scoped3A_367 : memref<!tpu.dma_semaphore, #tpu.memory_space<semaphore_mem>>)
        %dma_wait3A_380 = arith.constant 0 : i32
        %dma_wait3A_381 = arith.constant 0 : i32
        %dma_wait3A_382 = tpu.memref_slice %arg7[%run_scoped3A_366, %dma_wait3A_380, %dma_wait3A_381] : memref<3x80x128xf32, #tpu.memory_space<vmem>> -> memref<1x80x128xf32, #tpu.memory_space<vmem>>
        %dma_wait3A_383 = tpu.memref_squeeze %dma_wait3A_382 : memref<1x80x128xf32, #tpu.memory_space<vmem>> -> memref<80x128xf32, #tpu.memory_space<vmem>>
        %dma_wait3A_384 = arith.constant 0 : i32
        %dma_wait3A_385 = tpu.memref_slice %arg11[%add3A_39, %dma_wait3A_384] : memref<10000x128xf32, #tpu.memory_space<vmem_shared>> -> memref<80x128xf32, #tpu.memory_space<vmem_shared>>
        %dma_wait3A_386 = arith.constant 0 : i32
        %dma_wait3A_387 = tpu.memref_slice %arg11[%add3A_39, %dma_wait3A_386] : memref<10000x128xf32, #tpu.memory_space<vmem_shared>> -> memref<80x128xf32, #tpu.memory_space<vmem_shared>>
        %dma_wait3A_388 = arith.constant 0 : i32
        %dma_wait3A_389 = arith.constant 0 : i32
        %dma_wait3A_390 = tpu.memref_slice %arg7[%run_scoped3A_366, %dma_wait3A_388, %dma_wait3A_389] : memref<3x80x128xf32, #tpu.memory_space<vmem>> -> memref<1x80x128xf32, #tpu.memory_space<vmem>>
        %dma_wait3A_391 = tpu.memref_squeeze %dma_wait3A_390 : memref<1x80x128xf32, #tpu.memory_space<vmem>> -> memref<80x128xf32, #tpu.memory_space<vmem>>
        tpu.wait_dma2 semaphore(%run_scoped3A_367 : memref<!tpu.dma_semaphore, #tpu.memory_space<semaphore_mem>>) src(%dma_wait3A_391 : memref<80x128xf32, #tpu.memory_space<vmem>>) dst(%dma_wait3A_387 : memref<80x128xf32, #tpu.memory_space<vmem_shared>>)
        tpu.yield
      }) : () -> ()
    } else {
    }
    %mul3A_47 = arith.constant 640 : i32
    %mul3A_48 = arith.muli %arg1, %mul3A_47 : i32
    %add3A_49 = arith.constant 320 : i32
    %add3A_50 = arith.addi %mul3A_48, %add3A_49 : i32
    %add3A_51 = arith.constant 80 : i32
    %add3A_52 = arith.addi %add3A_50, %add3A_51 : i32
    %le3A_53 = arith.constant 10000 : i32
    %le3A_54 = arith.cmpi sle, %add3A_52, %le3A_53 : i32
    %convert_element_type3A_55 = arith.extui %le3A_54 : i1 to i32
    %cond3A_56 = arith.constant 0 : i32
    %cond3A_57 = arith.cmpi ne, %convert_element_type3A_55, %cond3A_56 : i32
    scf.if %cond3A_57 {
      %run_scoped3A_366 = arith.constant 0 : i32
      "tpu.region"() ({
        %run_scoped3A_367 = tpu.sem_alloc : memref<!tpu.dma_semaphore, #tpu.memory_space<semaphore_mem>>
        %dma_start3A_368 = arith.constant 0 : i32
        %dma_start3A_369 = arith.constant 0 : i32
        %dma_start3A_370 = tpu.memref_slice %arg7[%run_scoped3A_366, %dma_start3A_368, %dma_start3A_369] : memref<3x80x128xf32, #tpu.memory_space<vmem>> -> memref<1x80x128xf32, #tpu.memory_space<vmem>>
        %dma_start3A_371 = tpu.memref_squeeze %dma_start3A_370 : memref<1x80x128xf32, #tpu.memory_space<vmem>> -> memref<80x128xf32, #tpu.memory_space<vmem>>
        %dma_start3A_372 = arith.constant 0 : i32
        %dma_start3A_373 = tpu.memref_slice %arg11[%add3A_50, %dma_start3A_372] : memref<10000x128xf32, #tpu.memory_space<vmem_shared>> -> memref<80x128xf32, #tpu.memory_space<vmem_shared>>
        %dma_start3A_374 = arith.constant 0 : i32
        %dma_start3A_375 = tpu.memref_slice %arg11[%add3A_50, %dma_start3A_374] : memref<10000x128xf32, #tpu.memory_space<vmem_shared>> -> memref<80x128xf32, #tpu.memory_space<vmem_shared>>
        %dma_start3A_376 = arith.constant 0 : i32
        %dma_start3A_377 = arith.constant 0 : i32
        %dma_start3A_378 = tpu.memref_slice %arg7[%run_scoped3A_366, %dma_start3A_376, %dma_start3A_377] : memref<3x80x128xf32, #tpu.memory_space<vmem>> -> memref<1x80x128xf32, #tpu.memory_space<vmem>>
        %dma_start3A_379 = tpu.memref_squeeze %dma_start3A_378 : memref<1x80x128xf32, #tpu.memory_space<vmem>> -> memref<80x128xf32, #tpu.memory_space<vmem>>
        tpu.enqueue_dma source(%dma_start3A_379 : memref<80x128xf32, #tpu.memory_space<vmem>>) target(%dma_start3A_375 : memref<80x128xf32, #tpu.memory_space<vmem_shared>>) target_semaphore(%run_scoped3A_367 : memref<!tpu.dma_semaphore, #tpu.memory_space<semaphore_mem>>)
        %dma_wait3A_380 = arith.constant 0 : i32
        %dma_wait3A_381 = arith.constant 0 : i32
        %dma_wait3A_382 = tpu.memref_slice %arg7[%run_scoped3A_366, %dma_wait3A_380, %dma_wait3A_381] : memref<3x80x128xf32, #tpu.memory_space<vmem>> -> memref<1x80x128xf32, #tpu.memory_space<vmem>>
        %dma_wait3A_383 = tpu.memref_squeeze %dma_wait3A_382 : memref<1x80x128xf32, #tpu.memory_space<vmem>> -> memref<80x128xf32, #tpu.memory_space<vmem>>
        %dma_wait3A_384 = arith.constant 0 : i32
        %dma_wait3A_385 = tpu.memref_slice %arg11[%add3A_50, %dma_wait3A_384] : memref<10000x128xf32, #tpu.memory_space<vmem_shared>> -> memref<80x128xf32, #tpu.memory_space<vmem_shared>>
        %dma_wait3A_386 = arith.constant 0 : i32
        %dma_wait3A_387 = tpu.memref_slice %arg11[%add3A_50, %dma_wait3A_386] : memref<10000x128xf32, #tpu.memory_space<vmem_shared>> -> memref<80x128xf32, #tpu.memory_space<vmem_shared>>
        %dma_wait3A_388 = arith.constant 0 : i32
        %dma_wait3A_389 = arith.constant 0 : i32
        %dma_wait3A_390 = tpu.memref_slice %arg7[%run_scoped3A_366, %dma_wait3A_388, %dma_wait3A_389] : memref<3x80x128xf32, #tpu.memory_space<vmem>> -> memref<1x80x128xf32, #tpu.memory_space<vmem>>
        %dma_wait3A_391 = tpu.memref_squeeze %dma_wait3A_390 : memref<1x80x128xf32, #tpu.memory_space<vmem>> -> memref<80x128xf32, #tpu.memory_space<vmem>>
        tpu.wait_dma2 semaphore(%run_scoped3A_367 : memref<!tpu.dma_semaphore, #tpu.memory_space<semaphore_mem>>) src(%dma_wait3A_391 : memref<80x128xf32, #tpu.memory_space<vmem>>) dst(%dma_wait3A_387 : memref<80x128xf32, #tpu.memory_space<vmem_shared>>)
        tpu.yield
      }) : () -> ()
    } else {
    }
    %mul3A_58 = arith.constant 640 : i32
    %mul3A_59 = arith.muli %arg1, %mul3A_58 : i32
    %add3A_60 = arith.constant 400 : i32
    %add3A_61 = arith.addi %mul3A_59, %add3A_60 : i32
    %add3A_62 = arith.constant 80 : i32
    %add3A_63 = arith.addi %add3A_61, %add3A_62 : i32
    %le3A_64 = arith.constant 10000 : i32
    %le3A_65 = arith.cmpi sle, %add3A_63, %le3A_64 : i32
    %convert_element_type3A_66 = arith.extui %le3A_65 : i1 to i32
    %cond3A_67 = arith.constant 0 : i32
    %cond3A_68 = arith.cmpi ne, %convert_element_type3A_66, %cond3A_67 : i32
    scf.if %cond3A_68 {
      %run_scoped3A_366 = arith.constant 0 : i32
      "tpu.region"() ({
        %run_scoped3A_367 = tpu.sem_alloc : memref<!tpu.dma_semaphore, #tpu.memory_space<semaphore_mem>>
        %dma_start3A_368 = arith.constant 0 : i32
        %dma_start3A_369 = arith.constant 0 : i32
        %dma_start3A_370 = tpu.memref_slice %arg7[%run_scoped3A_366, %dma_start3A_368, %dma_start3A_369] : memref<3x80x128xf32, #tpu.memory_space<vmem>> -> memref<1x80x128xf32, #tpu.memory_space<vmem>>
        %dma_start3A_371 = tpu.memref_squeeze %dma_start3A_370 : memref<1x80x128xf32, #tpu.memory_space<vmem>> -> memref<80x128xf32, #tpu.memory_space<vmem>>
        %dma_start3A_372 = arith.constant 0 : i32
        %dma_start3A_373 = tpu.memref_slice %arg11[%add3A_61, %dma_start3A_372] : memref<10000x128xf32, #tpu.memory_space<vmem_shared>> -> memref<80x128xf32, #tpu.memory_space<vmem_shared>>
        %dma_start3A_374 = arith.constant 0 : i32
        %dma_start3A_375 = tpu.memref_slice %arg11[%add3A_61, %dma_start3A_374] : memref<10000x128xf32, #tpu.memory_space<vmem_shared>> -> memref<80x128xf32, #tpu.memory_space<vmem_shared>>
        %dma_start3A_376 = arith.constant 0 : i32
        %dma_start3A_377 = arith.constant 0 : i32
        %dma_start3A_378 = tpu.memref_slice %arg7[%run_scoped3A_366, %dma_start3A_376, %dma_start3A_377] : memref<3x80x128xf32, #tpu.memory_space<vmem>> -> memref<1x80x128xf32, #tpu.memory_space<vmem>>
        %dma_start3A_379 = tpu.memref_squeeze %dma_start3A_378 : memref<1x80x128xf32, #tpu.memory_space<vmem>> -> memref<80x128xf32, #tpu.memory_space<vmem>>
        tpu.enqueue_dma source(%dma_start3A_379 : memref<80x128xf32, #tpu.memory_space<vmem>>) target(%dma_start3A_375 : memref<80x128xf32, #tpu.memory_space<vmem_shared>>) target_semaphore(%run_scoped3A_367 : memref<!tpu.dma_semaphore, #tpu.memory_space<semaphore_mem>>)
        %dma_wait3A_380 = arith.constant 0 : i32
        %dma_wait3A_381 = arith.constant 0 : i32
        %dma_wait3A_382 = tpu.memref_slice %arg7[%run_scoped3A_366, %dma_wait3A_380, %dma_wait3A_381] : memref<3x80x128xf32, #tpu.memory_space<vmem>> -> memref<1x80x128xf32, #tpu.memory_space<vmem>>
        %dma_wait3A_383 = tpu.memref_squeeze %dma_wait3A_382 : memref<1x80x128xf32, #tpu.memory_space<vmem>> -> memref<80x128xf32, #tpu.memory_space<vmem>>
        %dma_wait3A_384 = arith.constant 0 : i32
        %dma_wait3A_385 = tpu.memref_slice %arg11[%add3A_61, %dma_wait3A_384] : memref<10000x128xf32, #tpu.memory_space<vmem_shared>> -> memref<80x128xf32, #tpu.memory_space<vmem_shared>>
        %dma_wait3A_386 = arith.constant 0 : i32
        %dma_wait3A_387 = tpu.memref_slice %arg11[%add3A_61, %dma_wait3A_386] : memref<10000x128xf32, #tpu.memory_space<vmem_shared>> -> memref<80x128xf32, #tpu.memory_space<vmem_shared>>
        %dma_wait3A_388 = arith.constant 0 : i32
        %dma_wait3A_389 = arith.constant 0 : i32
        %dma_wait3A_390 = tpu.memref_slice %arg7[%run_scoped3A_366, %dma_wait3A_388, %dma_wait3A_389] : memref<3x80x128xf32, #tpu.memory_space<vmem>> -> memref<1x80x128xf32, #tpu.memory_space<vmem>>
        %dma_wait3A_391 = tpu.memref_squeeze %dma_wait3A_390 : memref<1x80x128xf32, #tpu.memory_space<vmem>> -> memref<80x128xf32, #tpu.memory_space<vmem>>
        tpu.wait_dma2 semaphore(%run_scoped3A_367 : memref<!tpu.dma_semaphore, #tpu.memory_space<semaphore_mem>>) src(%dma_wait3A_391 : memref<80x128xf32, #tpu.memory_space<vmem>>) dst(%dma_wait3A_387 : memref<80x128xf32, #tpu.memory_space<vmem_shared>>)
        tpu.yield
      }) : () -> ()
    } else {
    }
    %mul3A_69 = arith.constant 640 : i32
    %mul3A_70 = arith.muli %arg1, %mul3A_69 : i32
    %add3A_71 = arith.constant 480 : i32
    %add3A_72 = arith.addi %mul3A_70, %add3A_71 : i32
    %add3A_73 = arith.constant 80 : i32
    %add3A_74 = arith.addi %add3A_72, %add3A_73 : i32
    %le3A_75 = arith.constant 10000 : i32
    %le3A_76 = arith.cmpi sle, %add3A_74, %le3A_75 : i32
    %convert_element_type3A_77 = arith.extui %le3A_76 : i1 to i32
    %cond3A_78 = arith.constant 0 : i32
    %cond3A_79 = arith.cmpi ne, %convert_element_type3A_77, %cond3A_78 : i32
    scf.if %cond3A_79 {
      %run_scoped3A_366 = arith.constant 0 : i32
      "tpu.region"() ({
        %run_scoped3A_367 = tpu.sem_alloc : memref<!tpu.dma_semaphore, #tpu.memory_space<semaphore_mem>>
        %dma_start3A_368 = arith.constant 0 : i32
        %dma_start3A_369 = arith.constant 0 : i32
        %dma_start3A_370 = tpu.memref_slice %arg7[%run_scoped3A_366, %dma_start3A_368, %dma_start3A_369] : memref<3x80x128xf32, #tpu.memory_space<vmem>> -> memref<1x80x128xf32, #tpu.memory_space<vmem>>
        %dma_start3A_371 = tpu.memref_squeeze %dma_start3A_370 : memref<1x80x128xf32, #tpu.memory_space<vmem>> -> memref<80x128xf32, #tpu.memory_space<vmem>>
        %dma_start3A_372 = arith.constant 0 : i32
        %dma_start3A_373 = tpu.memref_slice %arg11[%add3A_72, %dma_start3A_372] : memref<10000x128xf32, #tpu.memory_space<vmem_shared>> -> memref<80x128xf32, #tpu.memory_space<vmem_shared>>
        %dma_start3A_374 = arith.constant 0 : i32
        %dma_start3A_375 = tpu.memref_slice %arg11[%add3A_72, %dma_start3A_374] : memref<10000x128xf32, #tpu.memory_space<vmem_shared>> -> memref<80x128xf32, #tpu.memory_space<vmem_shared>>
        %dma_start3A_376 = arith.constant 0 : i32
        %dma_start3A_377 = arith.constant 0 : i32
        %dma_start3A_378 = tpu.memref_slice %arg7[%run_scoped3A_366, %dma_start3A_376, %dma_start3A_377] : memref<3x80x128xf32, #tpu.memory_space<vmem>> -> memref<1x80x128xf32, #tpu.memory_space<vmem>>
        %dma_start3A_379 = tpu.memref_squeeze %dma_start3A_378 : memref<1x80x128xf32, #tpu.memory_space<vmem>> -> memref<80x128xf32, #tpu.memory_space<vmem>>
        tpu.enqueue_dma source(%dma_start3A_379 : memref<80x128xf32, #tpu.memory_space<vmem>>) target(%dma_start3A_375 : memref<80x128xf32, #tpu.memory_space<vmem_shared>>) target_semaphore(%run_scoped3A_367 : memref<!tpu.dma_semaphore, #tpu.memory_space<semaphore_mem>>)
        %dma_wait3A_380 = arith.constant 0 : i32
        %dma_wait3A_381 = arith.constant 0 : i32
        %dma_wait3A_382 = tpu.memref_slice %arg7[%run_scoped3A_366, %dma_wait3A_380, %dma_wait3A_381] : memref<3x80x128xf32, #tpu.memory_space<vmem>> -> memref<1x80x128xf32, #tpu.memory_space<vmem>>
        %dma_wait3A_383 = tpu.memref_squeeze %dma_wait3A_382 : memref<1x80x128xf32, #tpu.memory_space<vmem>> -> memref<80x128xf32, #tpu.memory_space<vmem>>
        %dma_wait3A_384 = arith.constant 0 : i32
        %dma_wait3A_385 = tpu.memref_slice %arg11[%add3A_72, %dma_wait3A_384] : memref<10000x128xf32, #tpu.memory_space<vmem_shared>> -> memref<80x128xf32, #tpu.memory_space<vmem_shared>>
        %dma_wait3A_386 = arith.constant 0 : i32
        %dma_wait3A_387 = tpu.memref_slice %arg11[%add3A_72, %dma_wait3A_386] : memref<10000x128xf32, #tpu.memory_space<vmem_shared>> -> memref<80x128xf32, #tpu.memory_space<vmem_shared>>
        %dma_wait3A_388 = arith.constant 0 : i32
        %dma_wait3A_389 = arith.constant 0 : i32
        %dma_wait3A_390 = tpu.memref_slice %arg7[%run_scoped3A_366, %dma_wait3A_388, %dma_wait3A_389] : memref<3x80x128xf32, #tpu.memory_space<vmem>> -> memref<1x80x128xf32, #tpu.memory_space<vmem>>
        %dma_wait3A_391 = tpu.memref_squeeze %dma_wait3A_390 : memref<1x80x128xf32, #tpu.memory_space<vmem>> -> memref<80x128xf32, #tpu.memory_space<vmem>>
        tpu.wait_dma2 semaphore(%run_scoped3A_367 : memref<!tpu.dma_semaphore, #tpu.memory_space<semaphore_mem>>) src(%dma_wait3A_391 : memref<80x128xf32, #tpu.memory_space<vmem>>) dst(%dma_wait3A_387 : memref<80x128xf32, #tpu.memory_space<vmem_shared>>)
        tpu.yield
      }) : () -> ()
    } else {
    }
    %mul3A_80 = arith.constant 640 : i32
    %mul3A_81 = arith.muli %arg1, %mul3A_80 : i32
    %add3A_82 = arith.constant 560 : i32
    %add3A_83 = arith.addi %mul3A_81, %add3A_82 : i32
    %add3A_84 = arith.constant 80 : i32
    %add3A_85 = arith.addi %add3A_83, %add3A_84 : i32
    %le3A_86 = arith.constant 10000 : i32
    %le3A_87 = arith.cmpi sle, %add3A_85, %le3A_86 : i32
    %convert_element_type3A_88 = arith.extui %le3A_87 : i1 to i32
    %cond3A_89 = arith.constant 0 : i32
    %cond3A_90 = arith.cmpi ne, %convert_element_type3A_88, %cond3A_89 : i32
    scf.if %cond3A_90 {
      %run_scoped3A_366 = arith.constant 0 : i32
      "tpu.region"() ({
        %run_scoped3A_367 = tpu.sem_alloc : memref<!tpu.dma_semaphore, #tpu.memory_space<semaphore_mem>>
        %dma_start3A_368 = arith.constant 0 : i32
        %dma_start3A_369 = arith.constant 0 : i32
        %dma_start3A_370 = tpu.memref_slice %arg7[%run_scoped3A_366, %dma_start3A_368, %dma_start3A_369] : memref<3x80x128xf32, #tpu.memory_space<vmem>> -> memref<1x80x128xf32, #tpu.memory_space<vmem>>
        %dma_start3A_371 = tpu.memref_squeeze %dma_start3A_370 : memref<1x80x128xf32, #tpu.memory_space<vmem>> -> memref<80x128xf32, #tpu.memory_space<vmem>>
        %dma_start3A_372 = arith.constant 0 : i32
        %dma_start3A_373 = tpu.memref_slice %arg11[%add3A_83, %dma_start3A_372] : memref<10000x128xf32, #tpu.memory_space<vmem_shared>> -> memref<80x128xf32, #tpu.memory_space<vmem_shared>>
        %dma_start3A_374 = arith.constant 0 : i32
        %dma_start3A_375 = tpu.memref_slice %arg11[%add3A_83, %dma_start3A_374] : memref<10000x128xf32, #tpu.memory_space<vmem_shared>> -> memref<80x128xf32, #tpu.memory_space<vmem_shared>>
        %dma_start3A_376 = arith.constant 0 : i32
        %dma_start3A_377 = arith.constant 0 : i32
        %dma_start3A_378 = tpu.memref_slice %arg7[%run_scoped3A_366, %dma_start3A_376, %dma_start3A_377] : memref<3x80x128xf32, #tpu.memory_space<vmem>> -> memref<1x80x128xf32, #tpu.memory_space<vmem>>
        %dma_start3A_379 = tpu.memref_squeeze %dma_start3A_378 : memref<1x80x128xf32, #tpu.memory_space<vmem>> -> memref<80x128xf32, #tpu.memory_space<vmem>>
        tpu.enqueue_dma source(%dma_start3A_379 : memref<80x128xf32, #tpu.memory_space<vmem>>) target(%dma_start3A_375 : memref<80x128xf32, #tpu.memory_space<vmem_shared>>) target_semaphore(%run_scoped3A_367 : memref<!tpu.dma_semaphore, #tpu.memory_space<semaphore_mem>>)
        %dma_wait3A_380 = arith.constant 0 : i32
        %dma_wait3A_381 = arith.constant 0 : i32
        %dma_wait3A_382 = tpu.memref_slice %arg7[%run_scoped3A_366, %dma_wait3A_380, %dma_wait3A_381] : memref<3x80x128xf32, #tpu.memory_space<vmem>> -> memref<1x80x128xf32, #tpu.memory_space<vmem>>
        %dma_wait3A_383 = tpu.memref_squeeze %dma_wait3A_382 : memref<1x80x128xf32, #tpu.memory_space<vmem>> -> memref<80x128xf32, #tpu.memory_space<vmem>>
        %dma_wait3A_384 = arith.constant 0 : i32
        %dma_wait3A_385 = tpu.memref_slice %arg11[%add3A_83, %dma_wait3A_384] : memref<10000x128xf32, #tpu.memory_space<vmem_shared>> -> memref<80x128xf32, #tpu.memory_space<vmem_shared>>
        %dma_wait3A_386 = arith.constant 0 : i32
        %dma_wait3A_387 = tpu.memref_slice %arg11[%add3A_83, %dma_wait3A_386] : memref<10000x128xf32, #tpu.memory_space<vmem_shared>> -> memref<80x128xf32, #tpu.memory_space<vmem_shared>>
        %dma_wait3A_388 = arith.constant 0 : i32
        %dma_wait3A_389 = arith.constant 0 : i32
        %dma_wait3A_390 = tpu.memref_slice %arg7[%run_scoped3A_366, %dma_wait3A_388, %dma_wait3A_389] : memref<3x80x128xf32, #tpu.memory_space<vmem>> -> memref<1x80x128xf32, #tpu.memory_space<vmem>>
        %dma_wait3A_391 = tpu.memref_squeeze %dma_wait3A_390 : memref<1x80x128xf32, #tpu.memory_space<vmem>> -> memref<80x128xf32, #tpu.memory_space<vmem>>
        tpu.wait_dma2 semaphore(%run_scoped3A_367 : memref<!tpu.dma_semaphore, #tpu.memory_space<semaphore_mem>>) src(%dma_wait3A_391 : memref<80x128xf32, #tpu.memory_space<vmem>>) dst(%dma_wait3A_387 : memref<80x128xf32, #tpu.memory_space<vmem_shared>>)
        tpu.yield
      }) : () -> ()
    } else {
    }
    %barrier3A = arith.constant 0 : index
    tpu.barrier barrier_id(%barrier3A)
    %mul3A_91 = arith.constant 125 : i32
    %mul3A_92 = arith.muli %add3A, %mul3A_91 : i32
    %add3A_93 = arith.constant 0 : i32
    %add3A_94 = arith.addi %mul3A_92, %add3A_93 : i32
    %dma_start3A = arith.constant 0 : i32
    %dma_start3A_95 = arith.constant 0 : i32
    %dma_start3A_96 = arith.constant 0 : i32
    %dma_start3A_97 = tpu.memref_slice %arg6[%dma_start3A, %dma_start3A_95, %dma_start3A_96] : memref<3x2x80xi32, #tpu.memory_space<vmem>> -> memref<1x2x80xi32, #tpu.memory_space<vmem>>
    %dma_start3A_98 = tpu.memref_squeeze %dma_start3A_97 : memref<1x2x80xi32, #tpu.memory_space<vmem>> -> memref<2x80xi32, #tpu.memory_space<vmem>>
    %dma_start3A_99 = arith.constant 0 : i32
    %dma_start3A_100 = arith.constant 0 : i32
    %dma_start3A_101 = tpu.memref_slice %arg2[%add3A_94, %dma_start3A_99, %dma_start3A_100] : memref<4000x2x80xi32, #tpu.memory_space<hbm>> -> memref<1x2x80xi32, #tpu.memory_space<hbm>>
    %dma_start3A_102 = tpu.memref_squeeze %dma_start3A_101 : memref<1x2x80xi32, #tpu.memory_space<hbm>> -> memref<2x80xi32, #tpu.memory_space<hbm>>
    %dma_start3A_103 = arith.constant 0 : i32
    %dma_start3A_104 = arith.constant 0 : i32
    %dma_start3A_105 = tpu.memref_slice %arg6[%dma_start3A, %dma_start3A_103, %dma_start3A_104] : memref<3x2x80xi32, #tpu.memory_space<vmem>> -> memref<1x2x80xi32, #tpu.memory_space<vmem>>
    %dma_start3A_106 = tpu.memref_squeeze %dma_start3A_105 : memref<1x2x80xi32, #tpu.memory_space<vmem>> -> memref<2x80xi32, #tpu.memory_space<vmem>>
    %dma_start3A_107 = arith.constant 0 : i32
    %dma_start3A_108 = arith.constant 0 : i32
    %dma_start3A_109 = tpu.memref_slice %arg2[%add3A_94, %dma_start3A_107, %dma_start3A_108] : memref<4000x2x80xi32, #tpu.memory_space<hbm>> -> memref<1x2x80xi32, #tpu.memory_space<hbm>>
    %dma_start3A_110 = tpu.memref_squeeze %dma_start3A_109 : memref<1x2x80xi32, #tpu.memory_space<hbm>> -> memref<2x80xi32, #tpu.memory_space<hbm>>
    tpu.enqueue_dma source(%dma_start3A_110 : memref<2x80xi32, #tpu.memory_space<hbm>>) target(%dma_start3A_106 : memref<2x80xi32, #tpu.memory_space<vmem>>) target_semaphore(%arg12 : memref<!tpu.dma_semaphore, #tpu.memory_space<semaphore_mem>>)
    %add3A_111 = arith.constant 1 : i32
    %add3A_112 = arith.addi %mul3A_92, %add3A_111 : i32
    %dma_start3A_113 = arith.constant 1 : i32
    %dma_start3A_114 = arith.constant 0 : i32
    %dma_start3A_115 = arith.constant 0 : i32
    %dma_start3A_116 = tpu.memref_slice %arg6[%dma_start3A_113, %dma_start3A_114, %dma_start3A_115] : memref<3x2x80xi32, #tpu.memory_space<vmem>> -> memref<1x2x80xi32, #tpu.memory_space<vmem>>
    %dma_start3A_117 = tpu.memref_squeeze %dma_start3A_116 : memref<1x2x80xi32, #tpu.memory_space<vmem>> -> memref<2x80xi32, #tpu.memory_space<vmem>>
    %dma_start3A_118 = arith.constant 0 : i32
    %dma_start3A_119 = arith.constant 0 : i32
    %dma_start3A_120 = tpu.memref_slice %arg2[%add3A_112, %dma_start3A_118, %dma_start3A_119] : memref<4000x2x80xi32, #tpu.memory_space<hbm>> -> memref<1x2x80xi32, #tpu.memory_space<hbm>>
    %dma_start3A_121 = tpu.memref_squeeze %dma_start3A_120 : memref<1x2x80xi32, #tpu.memory_space<hbm>> -> memref<2x80xi32, #tpu.memory_space<hbm>>
    %dma_start3A_122 = arith.constant 0 : i32
    %dma_start3A_123 = arith.constant 0 : i32
    %dma_start3A_124 = tpu.memref_slice %arg6[%dma_start3A_113, %dma_start3A_122, %dma_start3A_123] : memref<3x2x80xi32, #tpu.memory_space<vmem>> -> memref<1x2x80xi32, #tpu.memory_space<vmem>>
    %dma_start3A_125 = tpu.memref_squeeze %dma_start3A_124 : memref<1x2x80xi32, #tpu.memory_space<vmem>> -> memref<2x80xi32, #tpu.memory_space<vmem>>
    %dma_start3A_126 = arith.constant 0 : i32
    %dma_start3A_127 = arith.constant 0 : i32
    %dma_start3A_128 = tpu.memref_slice %arg2[%add3A_112, %dma_start3A_126, %dma_start3A_127] : memref<4000x2x80xi32, #tpu.memory_space<hbm>> -> memref<1x2x80xi32, #tpu.memory_space<hbm>>
    %dma_start3A_129 = tpu.memref_squeeze %dma_start3A_128 : memref<1x2x80xi32, #tpu.memory_space<hbm>> -> memref<2x80xi32, #tpu.memory_space<hbm>>
    tpu.enqueue_dma source(%dma_start3A_129 : memref<2x80xi32, #tpu.memory_space<hbm>>) target(%dma_start3A_125 : memref<2x80xi32, #tpu.memory_space<vmem>>) target_semaphore(%arg13 : memref<!tpu.dma_semaphore, #tpu.memory_space<semaphore_mem>>)
    %add3A_130 = arith.constant 2 : i32
    %add3A_131 = arith.addi %mul3A_92, %add3A_130 : i32
    %dma_start3A_132 = arith.constant 2 : i32
    %dma_start3A_133 = arith.constant 0 : i32
    %dma_start3A_134 = arith.constant 0 : i32
    %dma_start3A_135 = tpu.memref_slice %arg6[%dma_start3A_132, %dma_start3A_133, %dma_start3A_134] : memref<3x2x80xi32, #tpu.memory_space<vmem>> -> memref<1x2x80xi32, #tpu.memory_space<vmem>>
    %dma_start3A_136 = tpu.memref_squeeze %dma_start3A_135 : memref<1x2x80xi32, #tpu.memory_space<vmem>> -> memref<2x80xi32, #tpu.memory_space<vmem>>
    %dma_start3A_137 = arith.constant 0 : i32
    %dma_start3A_138 = arith.constant 0 : i32
    %dma_start3A_139 = tpu.memref_slice %arg2[%add3A_131, %dma_start3A_137, %dma_start3A_138] : memref<4000x2x80xi32, #tpu.memory_space<hbm>> -> memref<1x2x80xi32, #tpu.memory_space<hbm>>
    %dma_start3A_140 = tpu.memref_squeeze %dma_start3A_139 : memref<1x2x80xi32, #tpu.memory_space<hbm>> -> memref<2x80xi32, #tpu.memory_space<hbm>>
    %dma_start3A_141 = arith.constant 0 : i32
    %dma_start3A_142 = arith.constant 0 : i32
    %dma_start3A_143 = tpu.memref_slice %arg6[%dma_start3A_132, %dma_start3A_141, %dma_start3A_142] : memref<3x2x80xi32, #tpu.memory_space<vmem>> -> memref<1x2x80xi32, #tpu.memory_space<vmem>>
    %dma_start3A_144 = tpu.memref_squeeze %dma_start3A_143 : memref<1x2x80xi32, #tpu.memory_space<vmem>> -> memref<2x80xi32, #tpu.memory_space<vmem>>
    %dma_start3A_145 = arith.constant 0 : i32
    %dma_start3A_146 = arith.constant 0 : i32
    %dma_start3A_147 = tpu.memref_slice %arg2[%add3A_131, %dma_start3A_145, %dma_start3A_146] : memref<4000x2x80xi32, #tpu.memory_space<hbm>> -> memref<1x2x80xi32, #tpu.memory_space<hbm>>
    %dma_start3A_148 = tpu.memref_squeeze %dma_start3A_147 : memref<1x2x80xi32, #tpu.memory_space<hbm>> -> memref<2x80xi32, #tpu.memory_space<hbm>>
    tpu.enqueue_dma source(%dma_start3A_148 : memref<2x80xi32, #tpu.memory_space<hbm>>) target(%dma_start3A_144 : memref<2x80xi32, #tpu.memory_space<vmem>>) target_semaphore(%arg14 : memref<!tpu.dma_semaphore, #tpu.memory_space<semaphore_mem>>)
    %dma_wait3A = arith.constant 0 : i32
    %dma_wait3A_149 = arith.constant 0 : i32
    %dma_wait3A_150 = arith.constant 0 : i32
    %dma_wait3A_151 = tpu.memref_slice %arg6[%dma_wait3A, %dma_wait3A_149, %dma_wait3A_150] : memref<3x2x80xi32, #tpu.memory_space<vmem>> -> memref<1x2x80xi32, #tpu.memory_space<vmem>>
    %dma_wait3A_152 = tpu.memref_squeeze %dma_wait3A_151 : memref<1x2x80xi32, #tpu.memory_space<vmem>> -> memref<2x80xi32, #tpu.memory_space<vmem>>
    %dma_wait3A_153 = arith.constant 0 : i32
    %dma_wait3A_154 = arith.constant 0 : i32
    %dma_wait3A_155 = tpu.memref_slice %arg2[%mul3A_92, %dma_wait3A_153, %dma_wait3A_154] : memref<4000x2x80xi32, #tpu.memory_space<hbm>> -> memref<1x2x80xi32, #tpu.memory_space<hbm>>
    %dma_wait3A_156 = tpu.memref_squeeze %dma_wait3A_155 : memref<1x2x80xi32, #tpu.memory_space<hbm>> -> memref<2x80xi32, #tpu.memory_space<hbm>>
    %dma_wait3A_157 = arith.constant 0 : i32
    %dma_wait3A_158 = arith.constant 0 : i32
    %dma_wait3A_159 = tpu.memref_slice %arg6[%dma_wait3A, %dma_wait3A_157, %dma_wait3A_158] : memref<3x2x80xi32, #tpu.memory_space<vmem>> -> memref<1x2x80xi32, #tpu.memory_space<vmem>>
    %dma_wait3A_160 = tpu.memref_squeeze %dma_wait3A_159 : memref<1x2x80xi32, #tpu.memory_space<vmem>> -> memref<2x80xi32, #tpu.memory_space<vmem>>
    %dma_wait3A_161 = arith.constant 0 : i32
    %dma_wait3A_162 = arith.constant 0 : i32
    %dma_wait3A_163 = tpu.memref_slice %arg2[%mul3A_92, %dma_wait3A_161, %dma_wait3A_162] : memref<4000x2x80xi32, #tpu.memory_space<hbm>> -> memref<1x2x80xi32, #tpu.memory_space<hbm>>
    %dma_wait3A_164 = tpu.memref_squeeze %dma_wait3A_163 : memref<1x2x80xi32, #tpu.memory_space<hbm>> -> memref<2x80xi32, #tpu.memory_space<hbm>>
    tpu.wait_dma2 semaphore(%arg12 : memref<!tpu.dma_semaphore, #tpu.memory_space<semaphore_mem>>) src(%dma_wait3A_164 : memref<2x80xi32, #tpu.memory_space<hbm>>) dst(%dma_wait3A_160 : memref<2x80xi32, #tpu.memory_space<vmem>>)
    %dma_start3A_165 = arith.constant 0 : i32
    %dma_start3A_166 = arith.constant 0 : i32
    %dma_start3A_167 = arith.constant 0 : i32
    %dma_start3A_168 = arith.constant 0 : i32
    %dma_start3A_169 = arith.constant 0 : i32
    %dma_start3A_170 = tpu.memref_slice %arg7[%dma_start3A_167, %dma_start3A_168, %dma_start3A_169] : memref<3x80x128xf32, #tpu.memory_space<vmem>> -> memref<1x80x128xf32, #tpu.memory_space<vmem>>
    %dma_start3A_171 = tpu.memref_squeeze %dma_start3A_170 : memref<1x80x128xf32, #tpu.memory_space<vmem>> -> memref<80x128xf32, #tpu.memory_space<vmem>>
    %dma_start3A_172 = arith.constant 0 : i32
    %dma_start3A_173 = tpu.memref_slice %arg6[%dma_start3A_165, %dma_start3A_166, %dma_start3A_172] : memref<3x2x80xi32, #tpu.memory_space<vmem>> -> memref<1x1x80xi32, #tpu.memory_space<vmem>>
    %dma_start3A_174 = tpu.memref_squeeze %dma_start3A_173 : memref<1x1x80xi32, #tpu.memory_space<vmem>> -> memref<80xi32, #tpu.memory_space<vmem>>
    %dma_start3A_175 = arith.constant 0 : i32
    %dma_start3A_176 = arith.constant 0 : i32
    %dma_start3A_177 = tpu.memref_slice %arg4[%dma_start3A_175, %dma_start3A_176] : memref<10000x128xf32, #tpu.memory_space<hbm>> -> memref<10000x128xf32, #tpu.memory_space<hbm>>
    tpu.enqueue_indirect_dma source(%dma_start3A_177 : memref<10000x128xf32, #tpu.memory_space<hbm>>) target(%dma_start3A_171 : memref<80x128xf32, #tpu.memory_space<vmem>>) offsets(%dma_start3A_174 : memref<80xi32, #tpu.memory_space<vmem>>) semaphore(%arg15 : memref<!tpu.dma_semaphore, #tpu.memory_space<semaphore_mem>>)
    %add3A_178 = arith.constant 0 : i32
    %add3A_179 = arith.addi %mul3A_92, %add3A_178 : i32
    %mul3A_180 = arith.constant 5120 : i32
    %mul3A_181 = arith.muli %add3A_179, %mul3A_180 : i32
    %dma_start3A_182 = tpu.memref_slice %arg3[%mul3A_181] : memref<20480000xi32, #tpu.memory_space<hbm>> -> memref<5120xi32, #tpu.memory_space<hbm>>
    %dma_start3A_183 = tpu.memref_slice %arg3[%mul3A_181] : memref<20480000xi32, #tpu.memory_space<hbm>> -> memref<5120xi32, #tpu.memory_space<hbm>>
    tpu.enqueue_dma source(%dma_start3A_183 : memref<5120xi32, #tpu.memory_space<hbm>>) target(%arg8 : memref<5120xi32, #tpu.memory_space<vmem>>) target_semaphore(%arg18 : memref<!tpu.dma_semaphore, #tpu.memory_space<semaphore_mem>>)
    %dma_wait3A_184 = arith.constant 1 : i32
    %dma_wait3A_185 = arith.constant 0 : i32
    %dma_wait3A_186 = arith.constant 0 : i32
    %dma_wait3A_187 = tpu.memref_slice %arg6[%dma_wait3A_184, %dma_wait3A_185, %dma_wait3A_186] : memref<3x2x80xi32, #tpu.memory_space<vmem>> -> memref<1x2x80xi32, #tpu.memory_space<vmem>>
    %dma_wait3A_188 = tpu.memref_squeeze %dma_wait3A_187 : memref<1x2x80xi32, #tpu.memory_space<vmem>> -> memref<2x80xi32, #tpu.memory_space<vmem>>
    %dma_wait3A_189 = arith.constant 0 : i32
    %dma_wait3A_190 = arith.constant 0 : i32
    %dma_wait3A_191 = tpu.memref_slice %arg2[%mul3A_92, %dma_wait3A_189, %dma_wait3A_190] : memref<4000x2x80xi32, #tpu.memory_space<hbm>> -> memref<1x2x80xi32, #tpu.memory_space<hbm>>
    %dma_wait3A_192 = tpu.memref_squeeze %dma_wait3A_191 : memref<1x2x80xi32, #tpu.memory_space<hbm>> -> memref<2x80xi32, #tpu.memory_space<hbm>>
    %dma_wait3A_193 = arith.constant 0 : i32
    %dma_wait3A_194 = arith.constant 0 : i32
    %dma_wait3A_195 = tpu.memref_slice %arg6[%dma_wait3A_184, %dma_wait3A_193, %dma_wait3A_194] : memref<3x2x80xi32, #tpu.memory_space<vmem>> -> memref<1x2x80xi32, #tpu.memory_space<vmem>>
    %dma_wait3A_196 = tpu.memref_squeeze %dma_wait3A_195 : memref<1x2x80xi32, #tpu.memory_space<vmem>> -> memref<2x80xi32, #tpu.memory_space<vmem>>
    %dma_wait3A_197 = arith.constant 0 : i32
    %dma_wait3A_198 = arith.constant 0 : i32
    %dma_wait3A_199 = tpu.memref_slice %arg2[%mul3A_92, %dma_wait3A_197, %dma_wait3A_198] : memref<4000x2x80xi32, #tpu.memory_space<hbm>> -> memref<1x2x80xi32, #tpu.memory_space<hbm>>
    %dma_wait3A_200 = tpu.memref_squeeze %dma_wait3A_199 : memref<1x2x80xi32, #tpu.memory_space<hbm>> -> memref<2x80xi32, #tpu.memory_space<hbm>>
    tpu.wait_dma2 semaphore(%arg13 : memref<!tpu.dma_semaphore, #tpu.memory_space<semaphore_mem>>) src(%dma_wait3A_200 : memref<2x80xi32, #tpu.memory_space<hbm>>) dst(%dma_wait3A_196 : memref<2x80xi32, #tpu.memory_space<vmem>>)
    %dma_start3A_201 = arith.constant 1 : i32
    %dma_start3A_202 = arith.constant 0 : i32
    %dma_start3A_203 = arith.constant 1 : i32
    %dma_start3A_204 = arith.constant 0 : i32
    %dma_start3A_205 = arith.constant 0 : i32
    %dma_start3A_206 = tpu.memref_slice %arg7[%dma_start3A_203, %dma_start3A_204, %dma_start3A_205] : memref<3x80x128xf32, #tpu.memory_space<vmem>> -> memref<1x80x128xf32, #tpu.memory_space<vmem>>
    %dma_start3A_207 = tpu.memref_squeeze %dma_start3A_206 : memref<1x80x128xf32, #tpu.memory_space<vmem>> -> memref<80x128xf32, #tpu.memory_space<vmem>>
    %dma_start3A_208 = arith.constant 0 : i32
    %dma_start3A_209 = tpu.memref_slice %arg6[%dma_start3A_201, %dma_start3A_202, %dma_start3A_208] : memref<3x2x80xi32, #tpu.memory_space<vmem>> -> memref<1x1x80xi32, #tpu.memory_space<vmem>>
    %dma_start3A_210 = tpu.memref_squeeze %dma_start3A_209 : memref<1x1x80xi32, #tpu.memory_space<vmem>> -> memref<80xi32, #tpu.memory_space<vmem>>
    %dma_start3A_211 = arith.constant 0 : i32
    %dma_start3A_212 = arith.constant 0 : i32
    %dma_start3A_213 = tpu.memref_slice %arg4[%dma_start3A_211, %dma_start3A_212] : memref<10000x128xf32, #tpu.memory_space<hbm>> -> memref<10000x128xf32, #tpu.memory_space<hbm>>
    tpu.enqueue_indirect_dma source(%dma_start3A_213 : memref<10000x128xf32, #tpu.memory_space<hbm>>) target(%dma_start3A_207 : memref<80x128xf32, #tpu.memory_space<vmem>>) offsets(%dma_start3A_210 : memref<80xi32, #tpu.memory_space<vmem>>) semaphore(%arg16 : memref<!tpu.dma_semaphore, #tpu.memory_space<semaphore_mem>>)
    %add3A_214 = arith.constant 1 : i32
    %add3A_215 = arith.addi %mul3A_92, %add3A_214 : i32
    %mul3A_216 = arith.constant 5120 : i32
    %mul3A_217 = arith.muli %add3A_215, %mul3A_216 : i32
    %dma_start3A_218 = tpu.memref_slice %arg3[%mul3A_217] : memref<20480000xi32, #tpu.memory_space<hbm>> -> memref<5120xi32, #tpu.memory_space<hbm>>
    %dma_start3A_219 = tpu.memref_slice %arg3[%mul3A_217] : memref<20480000xi32, #tpu.memory_space<hbm>> -> memref<5120xi32, #tpu.memory_space<hbm>>
    tpu.enqueue_dma source(%dma_start3A_219 : memref<5120xi32, #tpu.memory_space<hbm>>) target(%arg9 : memref<5120xi32, #tpu.memory_space<vmem>>) target_semaphore(%arg19 : memref<!tpu.dma_semaphore, #tpu.memory_space<semaphore_mem>>)
    %scan3A_220 = arith.constant 0 : i32
    %scan3A_221 = arith.constant 0 : i32
    %scan3A_222 = arith.constant 41 : i32
    %scan3A_223 = arith.addi %scan3A_221, %scan3A_222 : i32
    %scan3A_224 = arith.constant 1 : i32
    scf.for %scan3A_366 = %scan3A_221 to %scan3A_223 step %scan3A_224  : i32 {
      %mul3A_367 = arith.constant 3 : i32
      %mul3A_368 = arith.muli %mul3A_367, %scan3A_366 : i32
      %dma_wait3A_369 = arith.constant 0 : i32
      %dma_wait3A_370 = arith.constant 0 : i32
      %dma_wait3A_371 = arith.constant 0 : i32
      %dma_wait3A_372 = arith.constant 0 : i32
      %dma_wait3A_373 = arith.constant 0 : i32
      %dma_wait3A_374 = tpu.memref_slice %arg7[%dma_wait3A_371, %dma_wait3A_372, %dma_wait3A_373] : memref<3x80x128xf32, #tpu.memory_space<vmem>> -> memref<1x80x128xf32, #tpu.memory_space<vmem>>
      %dma_wait3A_375 = tpu.memref_squeeze %dma_wait3A_374 : memref<1x80x128xf32, #tpu.memory_space<vmem>> -> memref<80x128xf32, #tpu.memory_space<vmem>>
      %dma_wait3A_376 = arith.constant 0 : i32
      %dma_wait3A_377 = tpu.memref_slice %arg6[%dma_wait3A_369, %dma_wait3A_370, %dma_wait3A_376] : memref<3x2x80xi32, #tpu.memory_space<vmem>> -> memref<1x1x80xi32, #tpu.memory_space<vmem>>
      %dma_wait3A_378 = tpu.memref_squeeze %dma_wait3A_377 : memref<1x1x80xi32, #tpu.memory_space<vmem>> -> memref<80xi32, #tpu.memory_space<vmem>>
      %dma_wait3A_379 = arith.constant 0 : i32
      %dma_wait3A_380 = arith.constant 0 : i32
      %dma_wait3A_381 = tpu.memref_slice %arg4[%dma_wait3A_379, %dma_wait3A_380] : memref<10000x128xf32, #tpu.memory_space<hbm>> -> memref<10000x128xf32, #tpu.memory_space<hbm>>
      tpu.wait_indirect_dma semaphore(%arg15 : memref<!tpu.dma_semaphore, #tpu.memory_space<semaphore_mem>>) src(%dma_wait3A_381 : memref<10000x128xf32, #tpu.memory_space<hbm>>) dst(%dma_wait3A_375 : memref<80x128xf32, #tpu.memory_space<vmem>>)
      %dma_wait3A_382 = arith.constant 0 : i32
      %dma_wait3A_383 = tpu.memref_slice %arg3[%dma_wait3A_382] : memref<20480000xi32, #tpu.memory_space<hbm>> -> memref<5120xi32, #tpu.memory_space<hbm>>
      %dma_wait3A_384 = arith.constant 0 : i32
      %dma_wait3A_385 = tpu.memref_slice %arg3[%dma_wait3A_384] : memref<20480000xi32, #tpu.memory_space<hbm>> -> memref<5120xi32, #tpu.memory_space<hbm>>
      tpu.wait_dma2 semaphore(%arg18 : memref<!tpu.dma_semaphore, #tpu.memory_space<semaphore_mem>>) src(%dma_wait3A_385 : memref<5120xi32, #tpu.memory_space<hbm>>) dst(%arg8 : memref<5120xi32, #tpu.memory_space<vmem>>)
      %add3A_386 = arith.constant 2 : i32
      %add3A_387 = arith.addi %mul3A_368, %add3A_386 : i32
      %lt3A = arith.constant 125 : i32
      %lt3A_388 = arith.cmpi slt, %add3A_387, %lt3A : i32
      %convert_element_type3A_389 = arith.extui %lt3A_388 : i1 to i32
      %cond3A_390 = arith.constant 0 : i32
      %cond3A_391 = arith.cmpi ne, %convert_element_type3A_389, %cond3A_390 : i32
      scf.if %cond3A_391 {
        %dma_wait3A_496 = arith.constant 2 : i32
        %dma_wait3A_497 = arith.constant 0 : i32
        %dma_wait3A_498 = arith.constant 0 : i32
        %dma_wait3A_499 = tpu.memref_slice %arg6[%dma_wait3A_496, %dma_wait3A_497, %dma_wait3A_498] : memref<3x2x80xi32, #tpu.memory_space<vmem>> -> memref<1x2x80xi32, #tpu.memory_space<vmem>>
        %dma_wait3A_500 = tpu.memref_squeeze %dma_wait3A_499 : memref<1x2x80xi32, #tpu.memory_space<vmem>> -> memref<2x80xi32, #tpu.memory_space<vmem>>
        %dma_wait3A_501 = arith.constant 0 : i32
        %dma_wait3A_502 = arith.constant 0 : i32
        %dma_wait3A_503 = tpu.memref_slice %arg2[%mul3A_92, %dma_wait3A_501, %dma_wait3A_502] : memref<4000x2x80xi32, #tpu.memory_space<hbm>> -> memref<1x2x80xi32, #tpu.memory_space<hbm>>
        %dma_wait3A_504 = tpu.memref_squeeze %dma_wait3A_503 : memref<1x2x80xi32, #tpu.memory_space<hbm>> -> memref<2x80xi32, #tpu.memory_space<hbm>>
        %dma_wait3A_505 = arith.constant 0 : i32
        %dma_wait3A_506 = arith.constant 0 : i32
        %dma_wait3A_507 = tpu.memref_slice %arg6[%dma_wait3A_496, %dma_wait3A_505, %dma_wait3A_506] : memref<3x2x80xi32, #tpu.memory_space<vmem>> -> memref<1x2x80xi32, #tpu.memory_space<vmem>>
        %dma_wait3A_508 = tpu.memref_squeeze %dma_wait3A_507 : memref<1x2x80xi32, #tpu.memory_space<vmem>> -> memref<2x80xi32, #tpu.memory_space<vmem>>
        %dma_wait3A_509 = arith.constant 0 : i32
        %dma_wait3A_510 = arith.constant 0 : i32
        %dma_wait3A_511 = tpu.memref_slice %arg2[%mul3A_92, %dma_wait3A_509, %dma_wait3A_510] : memref<4000x2x80xi32, #tpu.memory_space<hbm>> -> memref<1x2x80xi32, #tpu.memory_space<hbm>>
        %dma_wait3A_512 = tpu.memref_squeeze %dma_wait3A_511 : memref<1x2x80xi32, #tpu.memory_space<hbm>> -> memref<2x80xi32, #tpu.memory_space<hbm>>
        tpu.wait_dma2 semaphore(%arg14 : memref<!tpu.dma_semaphore, #tpu.memory_space<semaphore_mem>>) src(%dma_wait3A_512 : memref<2x80xi32, #tpu.memory_space<hbm>>) dst(%dma_wait3A_508 : memref<2x80xi32, #tpu.memory_space<vmem>>)
        %add3A_513 = arith.constant 2 : i32
        %add3A_514 = arith.addi %mul3A_368, %add3A_513 : i32
        %dma_start3A_515 = arith.constant 2 : i32
        %dma_start3A_516 = arith.constant 0 : i32
        %dma_start3A_517 = arith.constant 2 : i32
        %dma_start3A_518 = arith.constant 0 : i32
        %dma_start3A_519 = arith.constant 0 : i32
        %dma_start3A_520 = tpu.memref_slice %arg7[%dma_start3A_517, %dma_start3A_518, %dma_start3A_519] : memref<3x80x128xf32, #tpu.memory_space<vmem>> -> memref<1x80x128xf32, #tpu.memory_space<vmem>>
        %dma_start3A_521 = tpu.memref_squeeze %dma_start3A_520 : memref<1x80x128xf32, #tpu.memory_space<vmem>> -> memref<80x128xf32, #tpu.memory_space<vmem>>
        %dma_start3A_522 = arith.constant 0 : i32
        %dma_start3A_523 = tpu.memref_slice %arg6[%dma_start3A_515, %dma_start3A_516, %dma_start3A_522] : memref<3x2x80xi32, #tpu.memory_space<vmem>> -> memref<1x1x80xi32, #tpu.memory_space<vmem>>
        %dma_start3A_524 = tpu.memref_squeeze %dma_start3A_523 : memref<1x1x80xi32, #tpu.memory_space<vmem>> -> memref<80xi32, #tpu.memory_space<vmem>>
        %dma_start3A_525 = arith.constant 0 : i32
        %dma_start3A_526 = arith.constant 0 : i32
        %dma_start3A_527 = tpu.memref_slice %arg4[%dma_start3A_525, %dma_start3A_526] : memref<10000x128xf32, #tpu.memory_space<hbm>> -> memref<10000x128xf32, #tpu.memory_space<hbm>>
        tpu.enqueue_indirect_dma source(%dma_start3A_527 : memref<10000x128xf32, #tpu.memory_space<hbm>>) target(%dma_start3A_521 : memref<80x128xf32, #tpu.memory_space<vmem>>) offsets(%dma_start3A_524 : memref<80xi32, #tpu.memory_space<vmem>>) semaphore(%arg17 : memref<!tpu.dma_semaphore, #tpu.memory_space<semaphore_mem>>)
        %add3A_528 = arith.addi %mul3A_92, %add3A_514 : i32
        %mul3A_529 = arith.constant 5120 : i32
        %mul3A_530 = arith.muli %add3A_528, %mul3A_529 : i32
        %dma_start3A_531 = tpu.memref_slice %arg3[%mul3A_530] : memref<20480000xi32, #tpu.memory_space<hbm>> -> memref<5120xi32, #tpu.memory_space<hbm>>
        %dma_start3A_532 = tpu.memref_slice %arg3[%mul3A_530] : memref<20480000xi32, #tpu.memory_space<hbm>> -> memref<5120xi32, #tpu.memory_space<hbm>>
        tpu.enqueue_dma source(%dma_start3A_532 : memref<5120xi32, #tpu.memory_space<hbm>>) target(%arg10 : memref<5120xi32, #tpu.memory_space<vmem>>) target_semaphore(%arg20 : memref<!tpu.dma_semaphore, #tpu.memory_space<semaphore_mem>>)
      } else {
      }
      %scan3A_392 = arith.constant 0 : i32
      %scan3A_393 = arith.constant 0 : i32
      %scan3A_394 = arith.constant 80 : i32
      %scan3A_395 = arith.addi %scan3A_393, %scan3A_394 : i32
      %scan3A_396 = arith.constant 1 : i32
      scf.for %scan3A_496 = %scan3A_393 to %scan3A_395 step %scan3A_396  : i32 {
        %mul3A_497 = arith.constant 64 : i32
        %mul3A_498 = arith.muli %scan3A_496, %mul3A_497 : i32
        %add3A_499 = arith.constant 0 : i32
        %add3A_500 = arith.addi %mul3A_498, %add3A_499 : i32
        %get3A = arith.index_cast %add3A_500 : i32 to index
        %get3A_501 = tpu.vector_load %arg8[%get3A] {strides = array<i32>} : memref<5120xi32, #tpu.memory_space<vmem>>, vector<16xi32>,
        %get3A_502 = vector.shape_cast %get3A_501 : vector<16xi32> to vector<16xi32>
        %shift_left3A = arith.constant 16 : i32
        %shift_left3A_503 = vector.broadcast %shift_left3A : i32 to vector<16xi32>
        %shift_left3A_504 = arith.shli %get3A_502, %shift_left3A_503 : vector<16xi32>
        %bitcast_convert_type3A = tpu.bitcast %shift_left3A_504 : vector<16xi32> -> vector<16xf32>
        %and3A = arith.constant -65536 : i32
        %and3A_505 = vector.broadcast %and3A : i32 to vector<16xi32>
        %and3A_506 = arith.andi %get3A_502, %and3A_505 : vector<16xi32>
        %bitcast_convert_type3A_507 = tpu.bitcast %and3A_506 : vector<16xi32> -> vector<16xf32>
        %get3A_508 = arith.constant 0 : i32
        %get3A_509 = arith.index_cast %get3A_508 : i32 to index
        %get3A_510 = arith.index_cast %scan3A_496 : i32 to index
        %get3A_511 = arith.constant 0 : index
        %get3A_512 = tpu.vector_load %arg7[%get3A_509, %get3A_510, %get3A_511] {strides = array<i32>} : memref<3x80x128xf32, #tpu.memory_space<vmem>>, vector<1x1x16xf32>,
        %get3A_513 = vector.shape_cast %get3A_512 : vector<1x1x16xf32> to vector<16xf32>
        %add3A_514 = arith.addf %get3A_513, %bitcast_convert_type3A : vector<16xf32>
        %max3A = arith.constant 0.000000e+00 : f32
        %max3A_515 = vector.broadcast %max3A : f32 to vector<16xf32>
        %max3A_516 = arith.maximumf %add3A_514, %max3A_515 : vector<16xf32>
        %swap3A = arith.constant 0 : i32
        %swap3A_517 = arith.index_cast %swap3A : i32 to index
        %swap3A_518 = arith.index_cast %scan3A_496 : i32 to index
        %swap3A_519 = arith.constant 0 : index
        %swap3A_520 = tpu.vector_load %arg7[%swap3A_517, %swap3A_518, %swap3A_519] {strides = array<i32>} : memref<3x80x128xf32, #tpu.memory_space<vmem>>, vector<1x1x16xf32>,
        %swap3A_521 = vector.shape_cast %swap3A_520 : vector<1x1x16xf32> to vector<16xf32>
        %swap3A_522 = vector.shape_cast %max3A_516 : vector<16xf32> to vector<1x1x16xf32>
        tpu.vector_store %arg7[%swap3A_517, %swap3A_518, %swap3A_519], %swap3A_522 {strides = array<i32>} : memref<3x80x128xf32, #tpu.memory_space<vmem>>, vector<1x1x16xf32>,
        %get3A_523 = arith.constant 0 : i32
        %get3A_524 = arith.index_cast %get3A_523 : i32 to index
        %get3A_525 = arith.index_cast %scan3A_496 : i32 to index
        %get3A_526 = arith.constant 16 : index
        %get3A_527 = tpu.vector_load %arg7[%get3A_524, %get3A_525, %get3A_526] {strides = array<i32>} : memref<3x80x128xf32, #tpu.memory_space<vmem>>, vector<1x1x16xf32>,
        %get3A_528 = vector.shape_cast %get3A_527 : vector<1x1x16xf32> to vector<16xf32>
        %add3A_529 = arith.addf %get3A_528, %bitcast_convert_type3A_507 : vector<16xf32>
        %max3A_530 = arith.constant 0.000000e+00 : f32
        %max3A_531 = vector.broadcast %max3A_530 : f32 to vector<16xf32>
        %max3A_532 = arith.maximumf %add3A_529, %max3A_531 : vector<16xf32>
        %swap3A_533 = arith.constant 0 : i32
        %swap3A_534 = arith.index_cast %swap3A_533 : i32 to index
        %swap3A_535 = arith.index_cast %scan3A_496 : i32 to index
        %swap3A_536 = arith.constant 16 : index
        %swap3A_537 = tpu.vector_load %arg7[%swap3A_534, %swap3A_535, %swap3A_536] {strides = array<i32>} : memref<3x80x128xf32, #tpu.memory_space<vmem>>, vector<1x1x16xf32>,
        %swap3A_538 = vector.shape_cast %swap3A_537 : vector<1x1x16xf32> to vector<16xf32>
        %swap3A_539 = vector.shape_cast %max3A_532 : vector<16xf32> to vector<1x1x16xf32>
        tpu.vector_store %arg7[%swap3A_534, %swap3A_535, %swap3A_536], %swap3A_539 {strides = array<i32>} : memref<3x80x128xf32, #tpu.memory_space<vmem>>, vector<1x1x16xf32>,
        %add3A_540 = arith.constant 16 : i32
        %add3A_541 = arith.addi %mul3A_498, %add3A_540 : i32
        %get3A_542 = arith.index_cast %add3A_541 : i32 to index
        %get3A_543 = tpu.vector_load %arg8[%get3A_542] {strides = array<i32>} : memref<5120xi32, #tpu.memory_space<vmem>>, vector<16xi32>,
        %get3A_544 = vector.shape_cast %get3A_543 : vector<16xi32> to vector<16xi32>
        %shift_left3A_545 = arith.constant 16 : i32
        %shift_left3A_546 = vector.broadcast %shift_left3A_545 : i32 to vector<16xi32>
        %shift_left3A_547 = arith.shli %get3A_544, %shift_left3A_546 : vector<16xi32>
        %bitcast_convert_type3A_548 = tpu.bitcast %shift_left3A_547 : vector<16xi32> -> vector<16xf32>
        %and3A_549 = arith.constant -65536 : i32
        %and3A_550 = vector.broadcast %and3A_549 : i32 to vector<16xi32>
        %and3A_551 = arith.andi %get3A_544, %and3A_550 : vector<16xi32>
        %bitcast_convert_type3A_552 = tpu.bitcast %and3A_551 : vector<16xi32> -> vector<16xf32>
        %get3A_553 = arith.constant 0 : i32
        %get3A_554 = arith.index_cast %get3A_553 : i32 to index
        %get3A_555 = arith.index_cast %scan3A_496 : i32 to index
        %get3A_556 = arith.constant 32 : index
        %get3A_557 = tpu.vector_load %arg7[%get3A_554, %get3A_555, %get3A_556] {strides = array<i32>} : memref<3x80x128xf32, #tpu.memory_space<vmem>>, vector<1x1x16xf32>,
        %get3A_558 = vector.shape_cast %get3A_557 : vector<1x1x16xf32> to vector<16xf32>
        %add3A_559 = arith.addf %get3A_558, %bitcast_convert_type3A_548 : vector<16xf32>
        %max3A_560 = arith.constant 0.000000e+00 : f32
        %max3A_561 = vector.broadcast %max3A_560 : f32 to vector<16xf32>
        %max3A_562 = arith.maximumf %add3A_559, %max3A_561 : vector<16xf32>
        %swap3A_563 = arith.constant 0 : i32
        %swap3A_564 = arith.index_cast %swap3A_563 : i32 to index
        %swap3A_565 = arith.index_cast %scan3A_496 : i32 to index
        %swap3A_566 = arith.constant 32 : index
        %swap3A_567 = tpu.vector_load %arg7[%swap3A_564, %swap3A_565, %swap3A_566] {strides = array<i32>} : memref<3x80x128xf32, #tpu.memory_space<vmem>>, vector<1x1x16xf32>,
        %swap3A_568 = vector.shape_cast %swap3A_567 : vector<1x1x16xf32> to vector<16xf32>
        %swap3A_569 = vector.shape_cast %max3A_562 : vector<16xf32> to vector<1x1x16xf32>
        tpu.vector_store %arg7[%swap3A_564, %swap3A_565, %swap3A_566], %swap3A_569 {strides = array<i32>} : memref<3x80x128xf32, #tpu.memory_space<vmem>>, vector<1x1x16xf32>,
        %get3A_570 = arith.constant 0 : i32
        %get3A_571 = arith.index_cast %get3A_570 : i32 to index
        %get3A_572 = arith.index_cast %scan3A_496 : i32 to index
        %get3A_573 = arith.constant 48 : index
        %get3A_574 = tpu.vector_load %arg7[%get3A_571, %get3A_572, %get3A_573] {strides = array<i32>} : memref<3x80x128xf32, #tpu.memory_space<vmem>>, vector<1x1x16xf32>,
        %get3A_575 = vector.shape_cast %get3A_574 : vector<1x1x16xf32> to vector<16xf32>
        %add3A_576 = arith.addf %get3A_575, %bitcast_convert_type3A_552 : vector<16xf32>
        %max3A_577 = arith.constant 0.000000e+00 : f32
        %max3A_578 = vector.broadcast %max3A_577 : f32 to vector<16xf32>
        %max3A_579 = arith.maximumf %add3A_576, %max3A_578 : vector<16xf32>
        %swap3A_580 = arith.constant 0 : i32
        %swap3A_581 = arith.index_cast %swap3A_580 : i32 to index
        %swap3A_582 = arith.index_cast %scan3A_496 : i32 to index
        %swap3A_583 = arith.constant 48 : index
        %swap3A_584 = tpu.vector_load %arg7[%swap3A_581, %swap3A_582, %swap3A_583] {strides = array<i32>} : memref<3x80x128xf32, #tpu.memory_space<vmem>>, vector<1x1x16xf32>,
        %swap3A_585 = vector.shape_cast %swap3A_584 : vector<1x1x16xf32> to vector<16xf32>
        %swap3A_586 = vector.shape_cast %max3A_579 : vector<16xf32> to vector<1x1x16xf32>
        tpu.vector_store %arg7[%swap3A_581, %swap3A_582, %swap3A_583], %swap3A_586 {strides = array<i32>} : memref<3x80x128xf32, #tpu.memory_space<vmem>>, vector<1x1x16xf32>,
        %add3A_587 = arith.constant 32 : i32
        %add3A_588 = arith.addi %mul3A_498, %add3A_587 : i32
        %get3A_589 = arith.index_cast %add3A_588 : i32 to index
        %get3A_590 = tpu.vector_load %arg8[%get3A_589] {strides = array<i32>} : memref<5120xi32, #tpu.memory_space<vmem>>, vector<16xi32>,
        %get3A_591 = vector.shape_cast %get3A_590 : vector<16xi32> to vector<16xi32>
        %shift_left3A_592 = arith.constant 16 : i32
        %shift_left3A_593 = vector.broadcast %shift_left3A_592 : i32 to vector<16xi32>
        %shift_left3A_594 = arith.shli %get3A_591, %shift_left3A_593 : vector<16xi32>
        %bitcast_convert_type3A_595 = tpu.bitcast %shift_left3A_594 : vector<16xi32> -> vector<16xf32>
        %and3A_596 = arith.constant -65536 : i32
        %and3A_597 = vector.broadcast %and3A_596 : i32 to vector<16xi32>
        %and3A_598 = arith.andi %get3A_591, %and3A_597 : vector<16xi32>
        %bitcast_convert_type3A_599 = tpu.bitcast %and3A_598 : vector<16xi32> -> vector<16xf32>
        %get3A_600 = arith.constant 0 : i32
        %get3A_601 = arith.index_cast %get3A_600 : i32 to index
        %get3A_602 = arith.index_cast %scan3A_496 : i32 to index
        %get3A_603 = arith.constant 64 : index
        %get3A_604 = tpu.vector_load %arg7[%get3A_601, %get3A_602, %get3A_603] {strides = array<i32>} : memref<3x80x128xf32, #tpu.memory_space<vmem>>, vector<1x1x16xf32>,
        %get3A_605 = vector.shape_cast %get3A_604 : vector<1x1x16xf32> to vector<16xf32>
        %add3A_606 = arith.addf %get3A_605, %bitcast_convert_type3A_595 : vector<16xf32>
        %max3A_607 = arith.constant 0.000000e+00 : f32
        %max3A_608 = vector.broadcast %max3A_607 : f32 to vector<16xf32>
        %max3A_609 = arith.maximumf %add3A_606, %max3A_608 : vector<16xf32>
        %swap3A_610 = arith.constant 0 : i32
        %swap3A_611 = arith.index_cast %swap3A_610 : i32 to index
        %swap3A_612 = arith.index_cast %scan3A_496 : i32 to index
        %swap3A_613 = arith.constant 64 : index
        %swap3A_614 = tpu.vector_load %arg7[%swap3A_611, %swap3A_612, %swap3A_613] {strides = array<i32>} : memref<3x80x128xf32, #tpu.memory_space<vmem>>, vector<1x1x16xf32>,
        %swap3A_615 = vector.shape_cast %swap3A_614 : vector<1x1x16xf32> to vector<16xf32>
        %swap3A_616 = vector.shape_cast %max3A_609 : vector<16xf32> to vector<1x1x16xf32>
        tpu.vector_store %arg7[%swap3A_611, %swap3A_612, %swap3A_613], %swap3A_616 {strides = array<i32>} : memref<3x80x128xf32, #tpu.memory_space<vmem>>, vector<1x1x16xf32>,
        %get3A_617 = arith.constant 0 : i32
        %get3A_618 = arith.index_cast %get3A_617 : i32 to index
        %get3A_619 = arith.index_cast %scan3A_496 : i32 to index
        %get3A_620 = arith.constant 80 : index
        %get3A_621 = tpu.vector_load %arg7[%get3A_618, %get3A_619, %get3A_620] {strides = array<i32>} : memref<3x80x128xf32, #tpu.memory_space<vmem>>, vector<1x1x16xf32>,
        %get3A_622 = vector.shape_cast %get3A_621 : vector<1x1x16xf32> to vector<16xf32>
        %add3A_623 = arith.addf %get3A_622, %bitcast_convert_type3A_599 : vector<16xf32>
        %max3A_624 = arith.constant 0.000000e+00 : f32
        %max3A_625 = vector.broadcast %max3A_624 : f32 to vector<16xf32>
        %max3A_626 = arith.maximumf %add3A_623, %max3A_625 : vector<16xf32>
        %swap3A_627 = arith.constant 0 : i32
        %swap3A_628 = arith.index_cast %swap3A_627 : i32 to index
        %swap3A_629 = arith.index_cast %scan3A_496 : i32 to index
        %swap3A_630 = arith.constant 80 : index
        %swap3A_631 = tpu.vector_load %arg7[%swap3A_628, %swap3A_629, %swap3A_630] {strides = array<i32>} : memref<3x80x128xf32, #tpu.memory_space<vmem>>, vector<1x1x16xf32>,
        %swap3A_632 = vector.shape_cast %swap3A_631 : vector<1x1x16xf32> to vector<16xf32>
        %swap3A_633 = vector.shape_cast %max3A_626 : vector<16xf32> to vector<1x1x16xf32>
        tpu.vector_store %arg7[%swap3A_628, %swap3A_629, %swap3A_630], %swap3A_633 {strides = array<i32>} : memref<3x80x128xf32, #tpu.memory_space<vmem>>, vector<1x1x16xf32>,
        %add3A_634 = arith.constant 48 : i32
        %add3A_635 = arith.addi %mul3A_498, %add3A_634 : i32
        %get3A_636 = arith.index_cast %add3A_635 : i32 to index
        %get3A_637 = tpu.vector_load %arg8[%get3A_636] {strides = array<i32>} : memref<5120xi32, #tpu.memory_space<vmem>>, vector<16xi32>,
        %get3A_638 = vector.shape_cast %get3A_637 : vector<16xi32> to vector<16xi32>
        %shift_left3A_639 = arith.constant 16 : i32
        %shift_left3A_640 = vector.broadcast %shift_left3A_639 : i32 to vector<16xi32>
        %shift_left3A_641 = arith.shli %get3A_638, %shift_left3A_640 : vector<16xi32>
        %bitcast_convert_type3A_642 = tpu.bitcast %shift_left3A_641 : vector<16xi32> -> vector<16xf32>
        %and3A_643 = arith.constant -65536 : i32
        %and3A_644 = vector.broadcast %and3A_643 : i32 to vector<16xi32>
        %and3A_645 = arith.andi %get3A_638, %and3A_644 : vector<16xi32>
        %bitcast_convert_type3A_646 = tpu.bitcast %and3A_645 : vector<16xi32> -> vector<16xf32>
        %get3A_647 = arith.constant 0 : i32
        %get3A_648 = arith.index_cast %get3A_647 : i32 to index
        %get3A_649 = arith.index_cast %scan3A_496 : i32 to index
        %get3A_650 = arith.constant 96 : index
        %get3A_651 = tpu.vector_load %arg7[%get3A_648, %get3A_649, %get3A_650] {strides = array<i32>} : memref<3x80x128xf32, #tpu.memory_space<vmem>>, vector<1x1x16xf32>,
        %get3A_652 = vector.shape_cast %get3A_651 : vector<1x1x16xf32> to vector<16xf32>
        %add3A_653 = arith.addf %get3A_652, %bitcast_convert_type3A_642 : vector<16xf32>
        %max3A_654 = arith.constant 0.000000e+00 : f32
        %max3A_655 = vector.broadcast %max3A_654 : f32 to vector<16xf32>
        %max3A_656 = arith.maximumf %add3A_653, %max3A_655 : vector<16xf32>
        %swap3A_657 = arith.constant 0 : i32
        %swap3A_658 = arith.index_cast %swap3A_657 : i32 to index
        %swap3A_659 = arith.index_cast %scan3A_496 : i32 to index
        %swap3A_660 = arith.constant 96 : index
        %swap3A_661 = tpu.vector_load %arg7[%swap3A_658, %swap3A_659, %swap3A_660] {strides = array<i32>} : memref<3x80x128xf32, #tpu.memory_space<vmem>>, vector<1x1x16xf32>,
        %swap3A_662 = vector.shape_cast %swap3A_661 : vector<1x1x16xf32> to vector<16xf32>
        %swap3A_663 = vector.shape_cast %max3A_656 : vector<16xf32> to vector<1x1x16xf32>
        tpu.vector_store %arg7[%swap3A_658, %swap3A_659, %swap3A_660], %swap3A_663 {strides = array<i32>} : memref<3x80x128xf32, #tpu.memory_space<vmem>>, vector<1x1x16xf32>,
        %get3A_664 = arith.constant 0 : i32
        %get3A_665 = arith.index_cast %get3A_664 : i32 to index
        %get3A_666 = arith.index_cast %scan3A_496 : i32 to index
        %get3A_667 = arith.constant 112 : index
        %get3A_668 = tpu.vector_load %arg7[%get3A_665, %get3A_666, %get3A_667] {strides = array<i32>} : memref<3x80x128xf32, #tpu.memory_space<vmem>>, vector<1x1x16xf32>,
        %get3A_669 = vector.shape_cast %get3A_668 : vector<1x1x16xf32> to vector<16xf32>
        %add3A_670 = arith.addf %get3A_669, %bitcast_convert_type3A_646 : vector<16xf32>
        %max3A_671 = arith.constant 0.000000e+00 : f32
        %max3A_672 = vector.broadcast %max3A_671 : f32 to vector<16xf32>
        %max3A_673 = arith.maximumf %add3A_670, %max3A_672 : vector<16xf32>
        %swap3A_674 = arith.constant 0 : i32
        %swap3A_675 = arith.index_cast %swap3A_674 : i32 to index
        %swap3A_676 = arith.index_cast %scan3A_496 : i32 to index
        %swap3A_677 = arith.constant 112 : index
        %swap3A_678 = tpu.vector_load %arg7[%swap3A_675, %swap3A_676, %swap3A_677] {strides = array<i32>} : memref<3x80x128xf32, #tpu.memory_space<vmem>>, vector<1x1x16xf32>,
        %swap3A_679 = vector.shape_cast %swap3A_678 : vector<1x1x16xf32> to vector<16xf32>
        %swap3A_680 = vector.shape_cast %max3A_673 : vector<16xf32> to vector<1x1x16xf32>
        tpu.vector_store %arg7[%swap3A_675, %swap3A_676, %swap3A_677], %swap3A_680 {strides = array<i32>} : memref<3x80x128xf32, #tpu.memory_space<vmem>>, vector<1x1x16xf32>,
      }
      %scan3A_397 = arith.constant 80 : i32
      %run_scoped3A_398 = arith.constant 0 : i32
      %run_scoped3A_399 = arith.constant 0 : i32
      %run_scoped3A_400 = arith.constant 1 : i32
      "tpu.region"() ({
        %run_scoped3A_496 = tpu.sem_alloc : memref<!tpu.dma_semaphore, #tpu.memory_space<semaphore_mem>>
        %dma_start3A_497 = arith.constant 0 : i32
        %dma_start3A_498 = arith.constant 0 : i32
        %dma_start3A_499 = tpu.memref_slice %arg7[%run_scoped3A_398, %dma_start3A_497, %dma_start3A_498] : memref<3x80x128xf32, #tpu.memory_space<vmem>> -> memref<1x80x128xf32, #tpu.memory_space<vmem>>
        %dma_start3A_500 = tpu.memref_squeeze %dma_start3A_499 : memref<1x80x128xf32, #tpu.memory_space<vmem>> -> memref<80x128xf32, #tpu.memory_space<vmem>>
        %dma_start3A_501 = arith.constant 0 : i32
        %dma_start3A_502 = tpu.memref_slice %arg6[%run_scoped3A_399, %run_scoped3A_400, %dma_start3A_501] : memref<3x2x80xi32, #tpu.memory_space<vmem>> -> memref<1x1x80xi32, #tpu.memory_space<vmem>>
        %dma_start3A_503 = tpu.memref_squeeze %dma_start3A_502 : memref<1x1x80xi32, #tpu.memory_space<vmem>> -> memref<80xi32, #tpu.memory_space<vmem>>
        %dma_start3A_504 = arith.constant 0 : i32
        %dma_start3A_505 = arith.constant 0 : i32
        %dma_start3A_506 = tpu.memref_slice %arg11[%dma_start3A_504, %dma_start3A_505] : memref<10000x128xf32, #tpu.memory_space<vmem_shared>> -> memref<10000x128xf32, #tpu.memory_space<vmem_shared>>
        tpu.enqueue_indirect_dma source(%dma_start3A_500 : memref<80x128xf32, #tpu.memory_space<vmem>>) target(%dma_start3A_506 : memref<10000x128xf32, #tpu.memory_space<vmem_shared>>) offsets(%dma_start3A_503 : memref<80xi32, #tpu.memory_space<vmem>>) semaphore(%run_scoped3A_496 : memref<!tpu.dma_semaphore, #tpu.memory_space<semaphore_mem>>) {add = true}
        %dma_wait3A_507 = arith.constant 0 : i32
        %dma_wait3A_508 = arith.constant 0 : i32
        %dma_wait3A_509 = tpu.memref_slice %arg7[%run_scoped3A_398, %dma_wait3A_507, %dma_wait3A_508] : memref<3x80x128xf32, #tpu.memory_space<vmem>> -> memref<1x80x128xf32, #tpu.memory_space<vmem>>
        %dma_wait3A_510 = tpu.memref_squeeze %dma_wait3A_509 : memref<1x80x128xf32, #tpu.memory_space<vmem>> -> memref<80x128xf32, #tpu.memory_space<vmem>>
        %dma_wait3A_511 = arith.constant 0 : i32
        %dma_wait3A_512 = tpu.memref_slice %arg6[%run_scoped3A_399, %run_scoped3A_400, %dma_wait3A_511] : memref<3x2x80xi32, #tpu.memory_space<vmem>> -> memref<1x1x80xi32, #tpu.memory_space<vmem>>
        %dma_wait3A_513 = tpu.memref_squeeze %dma_wait3A_512 : memref<1x1x80xi32, #tpu.memory_space<vmem>> -> memref<80xi32, #tpu.memory_space<vmem>>
        %dma_wait3A_514 = arith.constant 0 : i32
        %dma_wait3A_515 = arith.constant 0 : i32
        %dma_wait3A_516 = tpu.memref_slice %arg11[%dma_wait3A_514, %dma_wait3A_515] : memref<10000x128xf32, #tpu.memory_space<vmem_shared>> -> memref<10000x128xf32, #tpu.memory_space<vmem_shared>>
        tpu.wait_indirect_dma semaphore(%run_scoped3A_496 : memref<!tpu.dma_semaphore, #tpu.memory_space<semaphore_mem>>) src(%dma_wait3A_510 : memref<80x128xf32, #tpu.memory_space<vmem>>) dst(%dma_wait3A_516 : memref<10000x128xf32, #tpu.memory_space<vmem_shared>>)
        tpu.yield
      }) : () -> ()
      %add3A_401 = arith.constant 3 : i32
      %add3A_402 = arith.addi %mul3A_368, %add3A_401 : i32
      %lt3A_403 = arith.constant 125 : i32
      %lt3A_404 = arith.cmpi slt, %add3A_402, %lt3A_403 : i32
      %convert_element_type3A_405 = arith.extui %lt3A_404 : i1 to i32
      %cond3A_406 = arith.constant 0 : i32
      %cond3A_407 = arith.cmpi ne, %convert_element_type3A_405, %cond3A_406 : i32
      scf.if %cond3A_407 {
        %add3A_496 = arith.constant 3 : i32
        %add3A_497 = arith.addi %mul3A_368, %add3A_496 : i32
        %add3A_498 = arith.addi %mul3A_92, %add3A_497 : i32
        %dma_start3A_499 = arith.constant 0 : i32
        %dma_start3A_500 = arith.constant 0 : i32
        %dma_start3A_501 = arith.constant 0 : i32
        %dma_start3A_502 = tpu.memref_slice %arg6[%dma_start3A_499, %dma_start3A_500, %dma_start3A_501] : memref<3x2x80xi32, #tpu.memory_space<vmem>> -> memref<1x2x80xi32, #tpu.memory_space<vmem>>
        %dma_start3A_503 = tpu.memref_squeeze %dma_start3A_502 : memref<1x2x80xi32, #tpu.memory_space<vmem>> -> memref<2x80xi32, #tpu.memory_space<vmem>>
        %dma_start3A_504 = arith.constant 0 : i32
        %dma_start3A_505 = arith.constant 0 : i32
        %dma_start3A_506 = tpu.memref_slice %arg2[%add3A_498, %dma_start3A_504, %dma_start3A_505] : memref<4000x2x80xi32, #tpu.memory_space<hbm>> -> memref<1x2x80xi32, #tpu.memory_space<hbm>>
        %dma_start3A_507 = tpu.memref_squeeze %dma_start3A_506 : memref<1x2x80xi32, #tpu.memory_space<hbm>> -> memref<2x80xi32, #tpu.memory_space<hbm>>
        %dma_start3A_508 = arith.constant 0 : i32
        %dma_start3A_509 = arith.constant 0 : i32
        %dma_start3A_510 = tpu.memref_slice %arg6[%dma_start3A_499, %dma_start3A_508, %dma_start3A_509] : memref<3x2x80xi32, #tpu.memory_space<vmem>> -> memref<1x2x80xi32, #tpu.memory_space<vmem>>
        %dma_start3A_511 = tpu.memref_squeeze %dma_start3A_510 : memref<1x2x80xi32, #tpu.memory_space<vmem>> -> memref<2x80xi32, #tpu.memory_space<vmem>>
        %dma_start3A_512 = arith.constant 0 : i32
        %dma_start3A_513 = arith.constant 0 : i32
        %dma_start3A_514 = tpu.memref_slice %arg2[%add3A_498, %dma_start3A_512, %dma_start3A_513] : memref<4000x2x80xi32, #tpu.memory_space<hbm>> -> memref<1x2x80xi32, #tpu.memory_space<hbm>>
        %dma_start3A_515 = tpu.memref_squeeze %dma_start3A_514 : memref<1x2x80xi32, #tpu.memory_space<hbm>> -> memref<2x80xi32, #tpu.memory_space<hbm>>
        tpu.enqueue_dma source(%dma_start3A_515 : memref<2x80xi32, #tpu.memory_space<hbm>>) target(%dma_start3A_511 : memref<2x80xi32, #tpu.memory_space<vmem>>) target_semaphore(%arg12 : memref<!tpu.dma_semaphore, #tpu.memory_space<semaphore_mem>>)
      } else {
      }
      %mul3A_408 = arith.constant 3 : i32
      %mul3A_409 = arith.muli %mul3A_408, %scan3A_366 : i32
      %add3A_410 = arith.constant 1 : i32
      %add3A_411 = arith.addi %mul3A_409, %add3A_410 : i32
      %dma_wait3A_412 = arith.constant 1 : i32
      %dma_wait3A_413 = arith.constant 0 : i32
      %dma_wait3A_414 = arith.constant 1 : i32
      %dma_wait3A_415 = arith.constant 0 : i32
      %dma_wait3A_416 = arith.constant 0 : i32
      %dma_wait3A_417 = tpu.memref_slice %arg7[%dma_wait3A_414, %dma_wait3A_415, %dma_wait3A_416] : memref<3x80x128xf32, #tpu.memory_space<vmem>> -> memref<1x80x128xf32, #tpu.memory_space<vmem>>
      %dma_wait3A_418 = tpu.memref_squeeze %dma_wait3A_417 : memref<1x80x128xf32, #tpu.memory_space<vmem>> -> memref<80x128xf32, #tpu.memory_space<vmem>>
      %dma_wait3A_419 = arith.constant 0 : i32
      %dma_wait3A_420 = tpu.memref_slice %arg6[%dma_wait3A_412, %dma_wait3A_413, %dma_wait3A_419] : memref<3x2x80xi32, #tpu.memory_space<vmem>> -> memref<1x1x80xi32, #tpu.memory_space<vmem>>
      %dma_wait3A_421 = tpu.memref_squeeze %dma_wait3A_420 : memref<1x1x80xi32, #tpu.memory_space<vmem>> -> memref<80xi32, #tpu.memory_space<vmem>>
      %dma_wait3A_422 = arith.constant 0 : i32
      %dma_wait3A_423 = arith.constant 0 : i32
      %dma_wait3A_424 = tpu.memref_slice %arg4[%dma_wait3A_422, %dma_wait3A_423] : memref<10000x128xf32, #tpu.memory_space<hbm>> -> memref<10000x128xf32, #tpu.memory_space<hbm>>
      tpu.wait_indirect_dma semaphore(%arg16 : memref<!tpu.dma_semaphore, #tpu.memory_space<semaphore_mem>>) src(%dma_wait3A_424 : memref<10000x128xf32, #tpu.memory_space<hbm>>) dst(%dma_wait3A_418 : memref<80x128xf32, #tpu.memory_space<vmem>>)
      %dma_wait3A_425 = arith.constant 0 : i32
      %dma_wait3A_426 = tpu.memref_slice %arg3[%dma_wait3A_425] : memref<20480000xi32, #tpu.memory_space<hbm>> -> memref<5120xi32, #tpu.memory_space<hbm>>
      %dma_wait3A_427 = arith.constant 0 : i32
      %dma_wait3A_428 = tpu.memref_slice %arg3[%dma_wait3A_427] : memref<20480000xi32, #tpu.memory_space<hbm>> -> memref<5120xi32, #tpu.memory_space<hbm>>
      tpu.wait_dma2 semaphore(%arg19 : memref<!tpu.dma_semaphore, #tpu.memory_space<semaphore_mem>>) src(%dma_wait3A_428 : memref<5120xi32, #tpu.memory_space<hbm>>) dst(%arg9 : memref<5120xi32, #tpu.memory_space<vmem>>)
      %add3A_429 = arith.constant 2 : i32
      %add3A_430 = arith.addi %add3A_411, %add3A_429 : i32
      %lt3A_431 = arith.constant 125 : i32
      %lt3A_432 = arith.cmpi slt, %add3A_430, %lt3A_431 : i32
      %convert_element_type3A_433 = arith.extui %lt3A_432 : i1 to i32
      %cond3A_434 = arith.constant 0 : i32
      %cond3A_435 = arith.cmpi ne, %convert_element_type3A_433, %cond3A_434 : i32
      scf.if %cond3A_435 {
        %dma_wait3A_496 = arith.constant 0 : i32
        %dma_wait3A_497 = arith.constant 0 : i32
        %dma_wait3A_498 = arith.constant 0 : i32
        %dma_wait3A_499 = tpu.memref_slice %arg6[%dma_wait3A_496, %dma_wait3A_497, %dma_wait3A_498] : memref<3x2x80xi32, #tpu.memory_space<vmem>> -> memref<1x2x80xi32, #tpu.memory_space<vmem>>
        %dma_wait3A_500 = tpu.memref_squeeze %dma_wait3A_499 : memref<1x2x80xi32, #tpu.memory_space<vmem>> -> memref<2x80xi32, #tpu.memory_space<vmem>>
        %dma_wait3A_501 = arith.constant 0 : i32
        %dma_wait3A_502 = arith.constant 0 : i32
        %dma_wait3A_503 = tpu.memref_slice %arg2[%mul3A_92, %dma_wait3A_501, %dma_wait3A_502] : memref<4000x2x80xi32, #tpu.memory_space<hbm>> -> memref<1x2x80xi32, #tpu.memory_space<hbm>>
        %dma_wait3A_504 = tpu.memref_squeeze %dma_wait3A_503 : memref<1x2x80xi32, #tpu.memory_space<hbm>> -> memref<2x80xi32, #tpu.memory_space<hbm>>
        %dma_wait3A_505 = arith.constant 0 : i32
        %dma_wait3A_506 = arith.constant 0 : i32
        %dma_wait3A_507 = tpu.memref_slice %arg6[%dma_wait3A_496, %dma_wait3A_505, %dma_wait3A_506] : memref<3x2x80xi32, #tpu.memory_space<vmem>> -> memref<1x2x80xi32, #tpu.memory_space<vmem>>
        %dma_wait3A_508 = tpu.memref_squeeze %dma_wait3A_507 : memref<1x2x80xi32, #tpu.memory_space<vmem>> -> memref<2x80xi32, #tpu.memory_space<vmem>>
        %dma_wait3A_509 = arith.constant 0 : i32
        %dma_wait3A_510 = arith.constant 0 : i32
        %dma_wait3A_511 = tpu.memref_slice %arg2[%mul3A_92, %dma_wait3A_509, %dma_wait3A_510] : memref<4000x2x80xi32, #tpu.memory_space<hbm>> -> memref<1x2x80xi32, #tpu.memory_space<hbm>>
        %dma_wait3A_512 = tpu.memref_squeeze %dma_wait3A_511 : memref<1x2x80xi32, #tpu.memory_space<hbm>> -> memref<2x80xi32, #tpu.memory_space<hbm>>
        tpu.wait_dma2 semaphore(%arg12 : memref<!tpu.dma_semaphore, #tpu.memory_space<semaphore_mem>>) src(%dma_wait3A_512 : memref<2x80xi32, #tpu.memory_space<hbm>>) dst(%dma_wait3A_508 : memref<2x80xi32, #tpu.memory_space<vmem>>)
        %add3A_513 = arith.constant 2 : i32
        %add3A_514 = arith.addi %add3A_411, %add3A_513 : i32
        %dma_start3A_515 = arith.constant 0 : i32
        %dma_start3A_516 = arith.constant 0 : i32
        %dma_start3A_517 = arith.constant 0 : i32
        %dma_start3A_518 = arith.constant 0 : i32
        %dma_start3A_519 = arith.constant 0 : i32
        %dma_start3A_520 = tpu.memref_slice %arg7[%dma_start3A_517, %dma_start3A_518, %dma_start3A_519] : memref<3x80x128xf32, #tpu.memory_space<vmem>> -> memref<1x80x128xf32, #tpu.memory_space<vmem>>
        %dma_start3A_521 = tpu.memref_squeeze %dma_start3A_520 : memref<1x80x128xf32, #tpu.memory_space<vmem>> -> memref<80x128xf32, #tpu.memory_space<vmem>>
        %dma_start3A_522 = arith.constant 0 : i32
        %dma_start3A_523 = tpu.memref_slice %arg6[%dma_start3A_515, %dma_start3A_516, %dma_start3A_522] : memref<3x2x80xi32, #tpu.memory_space<vmem>> -> memref<1x1x80xi32, #tpu.memory_space<vmem>>
        %dma_start3A_524 = tpu.memref_squeeze %dma_start3A_523 : memref<1x1x80xi32, #tpu.memory_space<vmem>> -> memref<80xi32, #tpu.memory_space<vmem>>
        %dma_start3A_525 = arith.constant 0 : i32
        %dma_start3A_526 = arith.constant 0 : i32
        %dma_start3A_527 = tpu.memref_slice %arg4[%dma_start3A_525, %dma_start3A_526] : memref<10000x128xf32, #tpu.memory_space<hbm>> -> memref<10000x128xf32, #tpu.memory_space<hbm>>
        tpu.enqueue_indirect_dma source(%dma_start3A_527 : memref<10000x128xf32, #tpu.memory_space<hbm>>) target(%dma_start3A_521 : memref<80x128xf32, #tpu.memory_space<vmem>>) offsets(%dma_start3A_524 : memref<80xi32, #tpu.memory_space<vmem>>) semaphore(%arg15 : memref<!tpu.dma_semaphore, #tpu.memory_space<semaphore_mem>>)
        %add3A_528 = arith.addi %mul3A_92, %add3A_514 : i32
        %mul3A_529 = arith.constant 5120 : i32
        %mul3A_530 = arith.muli %add3A_528, %mul3A_529 : i32
        %dma_start3A_531 = tpu.memref_slice %arg3[%mul3A_530] : memref<20480000xi32, #tpu.memory_space<hbm>> -> memref<5120xi32, #tpu.memory_space<hbm>>
        %dma_start3A_532 = tpu.memref_slice %arg3[%mul3A_530] : memref<20480000xi32, #tpu.memory_space<hbm>> -> memref<5120xi32, #tpu.memory_space<hbm>>
        tpu.enqueue_dma source(%dma_start3A_532 : memref<5120xi32, #tpu.memory_space<hbm>>) target(%arg8 : memref<5120xi32, #tpu.memory_space<vmem>>) target_semaphore(%arg18 : memref<!tpu.dma_semaphore, #tpu.memory_space<semaphore_mem>>)
      } else {
      }
      %scan3A_436 = arith.constant 0 : i32
      %scan3A_437 = arith.constant 0 : i32
      %scan3A_438 = arith.constant 80 : i32
      %scan3A_439 = arith.addi %scan3A_437, %scan3A_438 : i32
      %scan3A_440 = arith.constant 1 : i32
      scf.for %scan3A_496 = %scan3A_437 to %scan3A_439 step %scan3A_440  : i32 {
        %mul3A_497 = arith.constant 64 : i32
        %mul3A_498 = arith.muli %scan3A_496, %mul3A_497 : i32
        %add3A_499 = arith.constant 0 : i32
        %add3A_500 = arith.addi %mul3A_498, %add3A_499 : i32
        %get3A = arith.index_cast %add3A_500 : i32 to index
        %get3A_501 = tpu.vector_load %arg9[%get3A] {strides = array<i32>} : memref<5120xi32, #tpu.memory_space<vmem>>, vector<16xi32>,
        %get3A_502 = vector.shape_cast %get3A_501 : vector<16xi32> to vector<16xi32>
        %shift_left3A = arith.constant 16 : i32
        %shift_left3A_503 = vector.broadcast %shift_left3A : i32 to vector<16xi32>
        %shift_left3A_504 = arith.shli %get3A_502, %shift_left3A_503 : vector<16xi32>
        %bitcast_convert_type3A = tpu.bitcast %shift_left3A_504 : vector<16xi32> -> vector<16xf32>
        %and3A = arith.constant -65536 : i32
        %and3A_505 = vector.broadcast %and3A : i32 to vector<16xi32>
        %and3A_506 = arith.andi %get3A_502, %and3A_505 : vector<16xi32>
        %bitcast_convert_type3A_507 = tpu.bitcast %and3A_506 : vector<16xi32> -> vector<16xf32>
        %get3A_508 = arith.constant 1 : i32
        %get3A_509 = arith.index_cast %get3A_508 : i32 to index
        %get3A_510 = arith.index_cast %scan3A_496 : i32 to index
        %get3A_511 = arith.constant 0 : index
        %get3A_512 = tpu.vector_load %arg7[%get3A_509, %get3A_510, %get3A_511] {strides = array<i32>} : memref<3x80x128xf32, #tpu.memory_space<vmem>>, vector<1x1x16xf32>,
        %get3A_513 = vector.shape_cast %get3A_512 : vector<1x1x16xf32> to vector<16xf32>
        %add3A_514 = arith.addf %get3A_513, %bitcast_convert_type3A : vector<16xf32>
        %max3A = arith.constant 0.000000e+00 : f32
        %max3A_515 = vector.broadcast %max3A : f32 to vector<16xf32>
        %max3A_516 = arith.maximumf %add3A_514, %max3A_515 : vector<16xf32>
        %swap3A = arith.constant 1 : i32
        %swap3A_517 = arith.index_cast %swap3A : i32 to index
        %swap3A_518 = arith.index_cast %scan3A_496 : i32 to index
        %swap3A_519 = arith.constant 0 : index
        %swap3A_520 = tpu.vector_load %arg7[%swap3A_517, %swap3A_518, %swap3A_519] {strides = array<i32>} : memref<3x80x128xf32, #tpu.memory_space<vmem>>, vector<1x1x16xf32>,
        %swap3A_521 = vector.shape_cast %swap3A_520 : vector<1x1x16xf32> to vector<16xf32>
        %swap3A_522 = vector.shape_cast %max3A_516 : vector<16xf32> to vector<1x1x16xf32>
        tpu.vector_store %arg7[%swap3A_517, %swap3A_518, %swap3A_519], %swap3A_522 {strides = array<i32>} : memref<3x80x128xf32, #tpu.memory_space<vmem>>, vector<1x1x16xf32>,
        %get3A_523 = arith.constant 1 : i32
        %get3A_524 = arith.index_cast %get3A_523 : i32 to index
        %get3A_525 = arith.index_cast %scan3A_496 : i32 to index
        %get3A_526 = arith.constant 16 : index
        %get3A_527 = tpu.vector_load %arg7[%get3A_524, %get3A_525, %get3A_526] {strides = array<i32>} : memref<3x80x128xf32, #tpu.memory_space<vmem>>, vector<1x1x16xf32>,
        %get3A_528 = vector.shape_cast %get3A_527 : vector<1x1x16xf32> to vector<16xf32>
        %add3A_529 = arith.addf %get3A_528, %bitcast_convert_type3A_507 : vector<16xf32>
        %max3A_530 = arith.constant 0.000000e+00 : f32
        %max3A_531 = vector.broadcast %max3A_530 : f32 to vector<16xf32>
        %max3A_532 = arith.maximumf %add3A_529, %max3A_531 : vector<16xf32>
        %swap3A_533 = arith.constant 1 : i32
        %swap3A_534 = arith.index_cast %swap3A_533 : i32 to index
        %swap3A_535 = arith.index_cast %scan3A_496 : i32 to index
        %swap3A_536 = arith.constant 16 : index
        %swap3A_537 = tpu.vector_load %arg7[%swap3A_534, %swap3A_535, %swap3A_536] {strides = array<i32>} : memref<3x80x128xf32, #tpu.memory_space<vmem>>, vector<1x1x16xf32>,
        %swap3A_538 = vector.shape_cast %swap3A_537 : vector<1x1x16xf32> to vector<16xf32>
        %swap3A_539 = vector.shape_cast %max3A_532 : vector<16xf32> to vector<1x1x16xf32>
        tpu.vector_store %arg7[%swap3A_534, %swap3A_535, %swap3A_536], %swap3A_539 {strides = array<i32>} : memref<3x80x128xf32, #tpu.memory_space<vmem>>, vector<1x1x16xf32>,
        %add3A_540 = arith.constant 16 : i32
        %add3A_541 = arith.addi %mul3A_498, %add3A_540 : i32
        %get3A_542 = arith.index_cast %add3A_541 : i32 to index
        %get3A_543 = tpu.vector_load %arg9[%get3A_542] {strides = array<i32>} : memref<5120xi32, #tpu.memory_space<vmem>>, vector<16xi32>,
        %get3A_544 = vector.shape_cast %get3A_543 : vector<16xi32> to vector<16xi32>
        %shift_left3A_545 = arith.constant 16 : i32
        %shift_left3A_546 = vector.broadcast %shift_left3A_545 : i32 to vector<16xi32>
        %shift_left3A_547 = arith.shli %get3A_544, %shift_left3A_546 : vector<16xi32>
        %bitcast_convert_type3A_548 = tpu.bitcast %shift_left3A_547 : vector<16xi32> -> vector<16xf32>
        %and3A_549 = arith.constant -65536 : i32
        %and3A_550 = vector.broadcast %and3A_549 : i32 to vector<16xi32>
        %and3A_551 = arith.andi %get3A_544, %and3A_550 : vector<16xi32>
        %bitcast_convert_type3A_552 = tpu.bitcast %and3A_551 : vector<16xi32> -> vector<16xf32>
        %get3A_553 = arith.constant 1 : i32
        %get3A_554 = arith.index_cast %get3A_553 : i32 to index
        %get3A_555 = arith.index_cast %scan3A_496 : i32 to index
        %get3A_556 = arith.constant 32 : index
        %get3A_557 = tpu.vector_load %arg7[%get3A_554, %get3A_555, %get3A_556] {strides = array<i32>} : memref<3x80x128xf32, #tpu.memory_space<vmem>>, vector<1x1x16xf32>,
        %get3A_558 = vector.shape_cast %get3A_557 : vector<1x1x16xf32> to vector<16xf32>
        %add3A_559 = arith.addf %get3A_558, %bitcast_convert_type3A_548 : vector<16xf32>
        %max3A_560 = arith.constant 0.000000e+00 : f32
        %max3A_561 = vector.broadcast %max3A_560 : f32 to vector<16xf32>
        %max3A_562 = arith.maximumf %add3A_559, %max3A_561 : vector<16xf32>
        %swap3A_563 = arith.constant 1 : i32
        %swap3A_564 = arith.index_cast %swap3A_563 : i32 to index
        %swap3A_565 = arith.index_cast %scan3A_496 : i32 to index
        %swap3A_566 = arith.constant 32 : index
        %swap3A_567 = tpu.vector_load %arg7[%swap3A_564, %swap3A_565, %swap3A_566] {strides = array<i32>} : memref<3x80x128xf32, #tpu.memory_space<vmem>>, vector<1x1x16xf32>,
        %swap3A_568 = vector.shape_cast %swap3A_567 : vector<1x1x16xf32> to vector<16xf32>
        %swap3A_569 = vector.shape_cast %max3A_562 : vector<16xf32> to vector<1x1x16xf32>
        tpu.vector_store %arg7[%swap3A_564, %swap3A_565, %swap3A_566], %swap3A_569 {strides = array<i32>} : memref<3x80x128xf32, #tpu.memory_space<vmem>>, vector<1x1x16xf32>,
        %get3A_570 = arith.constant 1 : i32
        %get3A_571 = arith.index_cast %get3A_570 : i32 to index
        %get3A_572 = arith.index_cast %scan3A_496 : i32 to index
        %get3A_573 = arith.constant 48 : index
        %get3A_574 = tpu.vector_load %arg7[%get3A_571, %get3A_572, %get3A_573] {strides = array<i32>} : memref<3x80x128xf32, #tpu.memory_space<vmem>>, vector<1x1x16xf32>,
        %get3A_575 = vector.shape_cast %get3A_574 : vector<1x1x16xf32> to vector<16xf32>
        %add3A_576 = arith.addf %get3A_575, %bitcast_convert_type3A_552 : vector<16xf32>
        %max3A_577 = arith.constant 0.000000e+00 : f32
        %max3A_578 = vector.broadcast %max3A_577 : f32 to vector<16xf32>
        %max3A_579 = arith.maximumf %add3A_576, %max3A_578 : vector<16xf32>
        %swap3A_580 = arith.constant 1 : i32
        %swap3A_581 = arith.index_cast %swap3A_580 : i32 to index
        %swap3A_582 = arith.index_cast %scan3A_496 : i32 to index
        %swap3A_583 = arith.constant 48 : index
        %swap3A_584 = tpu.vector_load %arg7[%swap3A_581, %swap3A_582, %swap3A_583] {strides = array<i32>} : memref<3x80x128xf32, #tpu.memory_space<vmem>>, vector<1x1x16xf32>,
        %swap3A_585 = vector.shape_cast %swap3A_584 : vector<1x1x16xf32> to vector<16xf32>
        %swap3A_586 = vector.shape_cast %max3A_579 : vector<16xf32> to vector<1x1x16xf32>
        tpu.vector_store %arg7[%swap3A_581, %swap3A_582, %swap3A_583], %swap3A_586 {strides = array<i32>} : memref<3x80x128xf32, #tpu.memory_space<vmem>>, vector<1x1x16xf32>,
        %add3A_587 = arith.constant 32 : i32
        %add3A_588 = arith.addi %mul3A_498, %add3A_587 : i32
        %get3A_589 = arith.index_cast %add3A_588 : i32 to index
        %get3A_590 = tpu.vector_load %arg9[%get3A_589] {strides = array<i32>} : memref<5120xi32, #tpu.memory_space<vmem>>, vector<16xi32>,
        %get3A_591 = vector.shape_cast %get3A_590 : vector<16xi32> to vector<16xi32>
        %shift_left3A_592 = arith.constant 16 : i32
        %shift_left3A_593 = vector.broadcast %shift_left3A_592 : i32 to vector<16xi32>
        %shift_left3A_594 = arith.shli %get3A_591, %shift_left3A_593 : vector<16xi32>
        %bitcast_convert_type3A_595 = tpu.bitcast %shift_left3A_594 : vector<16xi32> -> vector<16xf32>
        %and3A_596 = arith.constant -65536 : i32
        %and3A_597 = vector.broadcast %and3A_596 : i32 to vector<16xi32>
        %and3A_598 = arith.andi %get3A_591, %and3A_597 : vector<16xi32>
        %bitcast_convert_type3A_599 = tpu.bitcast %and3A_598 : vector<16xi32> -> vector<16xf32>
        %get3A_600 = arith.constant 1 : i32
        %get3A_601 = arith.index_cast %get3A_600 : i32 to index
        %get3A_602 = arith.index_cast %scan3A_496 : i32 to index
        %get3A_603 = arith.constant 64 : index
        %get3A_604 = tpu.vector_load %arg7[%get3A_601, %get3A_602, %get3A_603] {strides = array<i32>} : memref<3x80x128xf32, #tpu.memory_space<vmem>>, vector<1x1x16xf32>,
        %get3A_605 = vector.shape_cast %get3A_604 : vector<1x1x16xf32> to vector<16xf32>
        %add3A_606 = arith.addf %get3A_605, %bitcast_convert_type3A_595 : vector<16xf32>
        %max3A_607 = arith.constant 0.000000e+00 : f32
        %max3A_608 = vector.broadcast %max3A_607 : f32 to vector<16xf32>
        %max3A_609 = arith.maximumf %add3A_606, %max3A_608 : vector<16xf32>
        %swap3A_610 = arith.constant 1 : i32
        %swap3A_611 = arith.index_cast %swap3A_610 : i32 to index
        %swap3A_612 = arith.index_cast %scan3A_496 : i32 to index
        %swap3A_613 = arith.constant 64 : index
        %swap3A_614 = tpu.vector_load %arg7[%swap3A_611, %swap3A_612, %swap3A_613] {strides = array<i32>} : memref<3x80x128xf32, #tpu.memory_space<vmem>>, vector<1x1x16xf32>,
        %swap3A_615 = vector.shape_cast %swap3A_614 : vector<1x1x16xf32> to vector<16xf32>
        %swap3A_616 = vector.shape_cast %max3A_609 : vector<16xf32> to vector<1x1x16xf32>
        tpu.vector_store %arg7[%swap3A_611, %swap3A_612, %swap3A_613], %swap3A_616 {strides = array<i32>} : memref<3x80x128xf32, #tpu.memory_space<vmem>>, vector<1x1x16xf32>,
        %get3A_617 = arith.constant 1 : i32
        %get3A_618 = arith.index_cast %get3A_617 : i32 to index
        %get3A_619 = arith.index_cast %scan3A_496 : i32 to index
        %get3A_620 = arith.constant 80 : index
        %get3A_621 = tpu.vector_load %arg7[%get3A_618, %get3A_619, %get3A_620] {strides = array<i32>} : memref<3x80x128xf32, #tpu.memory_space<vmem>>, vector<1x1x16xf32>,
        %get3A_622 = vector.shape_cast %get3A_621 : vector<1x1x16xf32> to vector<16xf32>
        %add3A_623 = arith.addf %get3A_622, %bitcast_convert_type3A_599 : vector<16xf32>
        %max3A_624 = arith.constant 0.000000e+00 : f32
        %max3A_625 = vector.broadcast %max3A_624 : f32 to vector<16xf32>
        %max3A_626 = arith.maximumf %add3A_623, %max3A_625 : vector<16xf32>
        %swap3A_627 = arith.constant 1 : i32
        %swap3A_628 = arith.index_cast %swap3A_627 : i32 to index
        %swap3A_629 = arith.index_cast %scan3A_496 : i32 to index
        %swap3A_630 = arith.constant 80 : index
        %swap3A_631 = tpu.vector_load %arg7[%swap3A_628, %swap3A_629, %swap3A_630] {strides = array<i32>} : memref<3x80x128xf32, #tpu.memory_space<vmem>>, vector<1x1x16xf32>,
        %swap3A_632 = vector.shape_cast %swap3A_631 : vector<1x1x16xf32> to vector<16xf32>
        %swap3A_633 = vector.shape_cast %max3A_626 : vector<16xf32> to vector<1x1x16xf32>
        tpu.vector_store %arg7[%swap3A_628, %swap3A_629, %swap3A_630], %swap3A_633 {strides = array<i32>} : memref<3x80x128xf32, #tpu.memory_space<vmem>>, vector<1x1x16xf32>,
        %add3A_634 = arith.constant 48 : i32
        %add3A_635 = arith.addi %mul3A_498, %add3A_634 : i32
        %get3A_636 = arith.index_cast %add3A_635 : i32 to index
        %get3A_637 = tpu.vector_load %arg9[%get3A_636] {strides = array<i32>} : memref<5120xi32, #tpu.memory_space<vmem>>, vector<16xi32>,
        %get3A_638 = vector.shape_cast %get3A_637 : vector<16xi32> to vector<16xi32>
        %shift_left3A_639 = arith.constant 16 : i32
        %shift_left3A_640 = vector.broadcast %shift_left3A_639 : i32 to vector<16xi32>
        %shift_left3A_641 = arith.shli %get3A_638, %shift_left3A_640 : vector<16xi32>
        %bitcast_convert_type3A_642 = tpu.bitcast %shift_left3A_641 : vector<16xi32> -> vector<16xf32>
        %and3A_643 = arith.constant -65536 : i32
        %and3A_644 = vector.broadcast %and3A_643 : i32 to vector<16xi32>
        %and3A_645 = arith.andi %get3A_638, %and3A_644 : vector<16xi32>
        %bitcast_convert_type3A_646 = tpu.bitcast %and3A_645 : vector<16xi32> -> vector<16xf32>
        %get3A_647 = arith.constant 1 : i32
        %get3A_648 = arith.index_cast %get3A_647 : i32 to index
        %get3A_649 = arith.index_cast %scan3A_496 : i32 to index
        %get3A_650 = arith.constant 96 : index
        %get3A_651 = tpu.vector_load %arg7[%get3A_648, %get3A_649, %get3A_650] {strides = array<i32>} : memref<3x80x128xf32, #tpu.memory_space<vmem>>, vector<1x1x16xf32>,
        %get3A_652 = vector.shape_cast %get3A_651 : vector<1x1x16xf32> to vector<16xf32>
        %add3A_653 = arith.addf %get3A_652, %bitcast_convert_type3A_642 : vector<16xf32>
        %max3A_654 = arith.constant 0.000000e+00 : f32
        %max3A_655 = vector.broadcast %max3A_654 : f32 to vector<16xf32>
        %max3A_656 = arith.maximumf %add3A_653, %max3A_655 : vector<16xf32>
        %swap3A_657 = arith.constant 1 : i32
        %swap3A_658 = arith.index_cast %swap3A_657 : i32 to index
        %swap3A_659 = arith.index_cast %scan3A_496 : i32 to index
        %swap3A_660 = arith.constant 96 : index
        %swap3A_661 = tpu.vector_load %arg7[%swap3A_658, %swap3A_659, %swap3A_660] {strides = array<i32>} : memref<3x80x128xf32, #tpu.memory_space<vmem>>, vector<1x1x16xf32>,
        %swap3A_662 = vector.shape_cast %swap3A_661 : vector<1x1x16xf32> to vector<16xf32>
        %swap3A_663 = vector.shape_cast %max3A_656 : vector<16xf32> to vector<1x1x16xf32>
        tpu.vector_store %arg7[%swap3A_658, %swap3A_659, %swap3A_660], %swap3A_663 {strides = array<i32>} : memref<3x80x128xf32, #tpu.memory_space<vmem>>, vector<1x1x16xf32>,
        %get3A_664 = arith.constant 1 : i32
        %get3A_665 = arith.index_cast %get3A_664 : i32 to index
        %get3A_666 = arith.index_cast %scan3A_496 : i32 to index
        %get3A_667 = arith.constant 112 : index
        %get3A_668 = tpu.vector_load %arg7[%get3A_665, %get3A_666, %get3A_667] {strides = array<i32>} : memref<3x80x128xf32, #tpu.memory_space<vmem>>, vector<1x1x16xf32>,
        %get3A_669 = vector.shape_cast %get3A_668 : vector<1x1x16xf32> to vector<16xf32>
        %add3A_670 = arith.addf %get3A_669, %bitcast_convert_type3A_646 : vector<16xf32>
        %max3A_671 = arith.constant 0.000000e+00 : f32
        %max3A_672 = vector.broadcast %max3A_671 : f32 to vector<16xf32>
        %max3A_673 = arith.maximumf %add3A_670, %max3A_672 : vector<16xf32>
        %swap3A_674 = arith.constant 1 : i32
        %swap3A_675 = arith.index_cast %swap3A_674 : i32 to index
        %swap3A_676 = arith.index_cast %scan3A_496 : i32 to index
        %swap3A_677 = arith.constant 112 : index
        %swap3A_678 = tpu.vector_load %arg7[%swap3A_675, %swap3A_676, %swap3A_677] {strides = array<i32>} : memref<3x80x128xf32, #tpu.memory_space<vmem>>, vector<1x1x16xf32>,
        %swap3A_679 = vector.shape_cast %swap3A_678 : vector<1x1x16xf32> to vector<16xf32>
        %swap3A_680 = vector.shape_cast %max3A_673 : vector<16xf32> to vector<1x1x16xf32>
        tpu.vector_store %arg7[%swap3A_675, %swap3A_676, %swap3A_677], %swap3A_680 {strides = array<i32>} : memref<3x80x128xf32, #tpu.memory_space<vmem>>, vector<1x1x16xf32>,
      }
      %scan3A_441 = arith.constant 80 : i32
      %run_scoped3A_442 = arith.constant 1 : i32
      %run_scoped3A_443 = arith.constant 1 : i32
      %run_scoped3A_444 = arith.constant 1 : i32
      "tpu.region"() ({
        %run_scoped3A_496 = tpu.sem_alloc : memref<!tpu.dma_semaphore, #tpu.memory_space<semaphore_mem>>
        %dma_start3A_497 = arith.constant 0 : i32
        %dma_start3A_498 = arith.constant 0 : i32
        %dma_start3A_499 = tpu.memref_slice %arg7[%run_scoped3A_442, %dma_start3A_497, %dma_start3A_498] : memref<3x80x128xf32, #tpu.memory_space<vmem>> -> memref<1x80x128xf32, #tpu.memory_space<vmem>>
        %dma_start3A_500 = tpu.memref_squeeze %dma_start3A_499 : memref<1x80x128xf32, #tpu.memory_space<vmem>> -> memref<80x128xf32, #tpu.memory_space<vmem>>
        %dma_start3A_501 = arith.constant 0 : i32
        %dma_start3A_502 = tpu.memref_slice %arg6[%run_scoped3A_443, %run_scoped3A_444, %dma_start3A_501] : memref<3x2x80xi32, #tpu.memory_space<vmem>> -> memref<1x1x80xi32, #tpu.memory_space<vmem>>
        %dma_start3A_503 = tpu.memref_squeeze %dma_start3A_502 : memref<1x1x80xi32, #tpu.memory_space<vmem>> -> memref<80xi32, #tpu.memory_space<vmem>>
        %dma_start3A_504 = arith.constant 0 : i32
        %dma_start3A_505 = arith.constant 0 : i32
        %dma_start3A_506 = tpu.memref_slice %arg11[%dma_start3A_504, %dma_start3A_505] : memref<10000x128xf32, #tpu.memory_space<vmem_shared>> -> memref<10000x128xf32, #tpu.memory_space<vmem_shared>>
        tpu.enqueue_indirect_dma source(%dma_start3A_500 : memref<80x128xf32, #tpu.memory_space<vmem>>) target(%dma_start3A_506 : memref<10000x128xf32, #tpu.memory_space<vmem_shared>>) offsets(%dma_start3A_503 : memref<80xi32, #tpu.memory_space<vmem>>) semaphore(%run_scoped3A_496 : memref<!tpu.dma_semaphore, #tpu.memory_space<semaphore_mem>>) {add = true}
        %dma_wait3A_507 = arith.constant 0 : i32
        %dma_wait3A_508 = arith.constant 0 : i32
        %dma_wait3A_509 = tpu.memref_slice %arg7[%run_scoped3A_442, %dma_wait3A_507, %dma_wait3A_508] : memref<3x80x128xf32, #tpu.memory_space<vmem>> -> memref<1x80x128xf32, #tpu.memory_space<vmem>>
        %dma_wait3A_510 = tpu.memref_squeeze %dma_wait3A_509 : memref<1x80x128xf32, #tpu.memory_space<vmem>> -> memref<80x128xf32, #tpu.memory_space<vmem>>
        %dma_wait3A_511 = arith.constant 0 : i32
        %dma_wait3A_512 = tpu.memref_slice %arg6[%run_scoped3A_443, %run_scoped3A_444, %dma_wait3A_511] : memref<3x2x80xi32, #tpu.memory_space<vmem>> -> memref<1x1x80xi32, #tpu.memory_space<vmem>>
        %dma_wait3A_513 = tpu.memref_squeeze %dma_wait3A_512 : memref<1x1x80xi32, #tpu.memory_space<vmem>> -> memref<80xi32, #tpu.memory_space<vmem>>
        %dma_wait3A_514 = arith.constant 0 : i32
        %dma_wait3A_515 = arith.constant 0 : i32
        %dma_wait3A_516 = tpu.memref_slice %arg11[%dma_wait3A_514, %dma_wait3A_515] : memref<10000x128xf32, #tpu.memory_space<vmem_shared>> -> memref<10000x128xf32, #tpu.memory_space<vmem_shared>>
        tpu.wait_indirect_dma semaphore(%run_scoped3A_496 : memref<!tpu.dma_semaphore, #tpu.memory_space<semaphore_mem>>) src(%dma_wait3A_510 : memref<80x128xf32, #tpu.memory_space<vmem>>) dst(%dma_wait3A_516 : memref<10000x128xf32, #tpu.memory_space<vmem_shared>>)
        tpu.yield
      }) : () -> ()
      %add3A_445 = arith.constant 3 : i32
      %add3A_446 = arith.addi %add3A_411, %add3A_445 : i32
      %lt3A_447 = arith.constant 125 : i32
      %lt3A_448 = arith.cmpi slt, %add3A_446, %lt3A_447 : i32
      %convert_element_type3A_449 = arith.extui %lt3A_448 : i1 to i32
      %cond3A_450 = arith.constant 0 : i32
      %cond3A_451 = arith.cmpi ne, %convert_element_type3A_449, %cond3A_450 : i32
      scf.if %cond3A_451 {
        %add3A_496 = arith.constant 3 : i32
        %add3A_497 = arith.addi %add3A_411, %add3A_496 : i32
        %add3A_498 = arith.addi %mul3A_92, %add3A_497 : i32
        %dma_start3A_499 = arith.constant 1 : i32
        %dma_start3A_500 = arith.constant 0 : i32
        %dma_start3A_501 = arith.constant 0 : i32
        %dma_start3A_502 = tpu.memref_slice %arg6[%dma_start3A_499, %dma_start3A_500, %dma_start3A_501] : memref<3x2x80xi32, #tpu.memory_space<vmem>> -> memref<1x2x80xi32, #tpu.memory_space<vmem>>
        %dma_start3A_503 = tpu.memref_squeeze %dma_start3A_502 : memref<1x2x80xi32, #tpu.memory_space<vmem>> -> memref<2x80xi32, #tpu.memory_space<vmem>>
        %dma_start3A_504 = arith.constant 0 : i32
        %dma_start3A_505 = arith.constant 0 : i32
        %dma_start3A_506 = tpu.memref_slice %arg2[%add3A_498, %dma_start3A_504, %dma_start3A_505] : memref<4000x2x80xi32, #tpu.memory_space<hbm>> -> memref<1x2x80xi32, #tpu.memory_space<hbm>>
        %dma_start3A_507 = tpu.memref_squeeze %dma_start3A_506 : memref<1x2x80xi32, #tpu.memory_space<hbm>> -> memref<2x80xi32, #tpu.memory_space<hbm>>
        %dma_start3A_508 = arith.constant 0 : i32
        %dma_start3A_509 = arith.constant 0 : i32
        %dma_start3A_510 = tpu.memref_slice %arg6[%dma_start3A_499, %dma_start3A_508, %dma_start3A_509] : memref<3x2x80xi32, #tpu.memory_space<vmem>> -> memref<1x2x80xi32, #tpu.memory_space<vmem>>
        %dma_start3A_511 = tpu.memref_squeeze %dma_start3A_510 : memref<1x2x80xi32, #tpu.memory_space<vmem>> -> memref<2x80xi32, #tpu.memory_space<vmem>>
        %dma_start3A_512 = arith.constant 0 : i32
        %dma_start3A_513 = arith.constant 0 : i32
        %dma_start3A_514 = tpu.memref_slice %arg2[%add3A_498, %dma_start3A_512, %dma_start3A_513] : memref<4000x2x80xi32, #tpu.memory_space<hbm>> -> memref<1x2x80xi32, #tpu.memory_space<hbm>>
        %dma_start3A_515 = tpu.memref_squeeze %dma_start3A_514 : memref<1x2x80xi32, #tpu.memory_space<hbm>> -> memref<2x80xi32, #tpu.memory_space<hbm>>
        tpu.enqueue_dma source(%dma_start3A_515 : memref<2x80xi32, #tpu.memory_space<hbm>>) target(%dma_start3A_511 : memref<2x80xi32, #tpu.memory_space<vmem>>) target_semaphore(%arg13 : memref<!tpu.dma_semaphore, #tpu.memory_space<semaphore_mem>>)
      } else {
      }
      %mul3A_452 = arith.constant 3 : i32
      %mul3A_453 = arith.muli %mul3A_452, %scan3A_366 : i32
      %add3A_454 = arith.constant 2 : i32
      %add3A_455 = arith.addi %mul3A_453, %add3A_454 : i32
      %dma_wait3A_456 = arith.constant 2 : i32
      %dma_wait3A_457 = arith.constant 0 : i32
      %dma_wait3A_458 = arith.constant 2 : i32
      %dma_wait3A_459 = arith.constant 0 : i32
      %dma_wait3A_460 = arith.constant 0 : i32
      %dma_wait3A_461 = tpu.memref_slice %arg7[%dma_wait3A_458, %dma_wait3A_459, %dma_wait3A_460] : memref<3x80x128xf32, #tpu.memory_space<vmem>> -> memref<1x80x128xf32, #tpu.memory_space<vmem>>
      %dma_wait3A_462 = tpu.memref_squeeze %dma_wait3A_461 : memref<1x80x128xf32, #tpu.memory_space<vmem>> -> memref<80x128xf32, #tpu.memory_space<vmem>>
      %dma_wait3A_463 = arith.constant 0 : i32
      %dma_wait3A_464 = tpu.memref_slice %arg6[%dma_wait3A_456, %dma_wait3A_457, %dma_wait3A_463] : memref<3x2x80xi32, #tpu.memory_space<vmem>> -> memref<1x1x80xi32, #tpu.memory_space<vmem>>
      %dma_wait3A_465 = tpu.memref_squeeze %dma_wait3A_464 : memref<1x1x80xi32, #tpu.memory_space<vmem>> -> memref<80xi32, #tpu.memory_space<vmem>>
      %dma_wait3A_466 = arith.constant 0 : i32
      %dma_wait3A_467 = arith.constant 0 : i32
      %dma_wait3A_468 = tpu.memref_slice %arg4[%dma_wait3A_466, %dma_wait3A_467] : memref<10000x128xf32, #tpu.memory_space<hbm>> -> memref<10000x128xf32, #tpu.memory_space<hbm>>
      tpu.wait_indirect_dma semaphore(%arg17 : memref<!tpu.dma_semaphore, #tpu.memory_space<semaphore_mem>>) src(%dma_wait3A_468 : memref<10000x128xf32, #tpu.memory_space<hbm>>) dst(%dma_wait3A_462 : memref<80x128xf32, #tpu.memory_space<vmem>>)
      %dma_wait3A_469 = arith.constant 0 : i32
      %dma_wait3A_470 = tpu.memref_slice %arg3[%dma_wait3A_469] : memref<20480000xi32, #tpu.memory_space<hbm>> -> memref<5120xi32, #tpu.memory_space<hbm>>
      %dma_wait3A_471 = arith.constant 0 : i32
      %dma_wait3A_472 = tpu.memref_slice %arg3[%dma_wait3A_471] : memref<20480000xi32, #tpu.memory_space<hbm>> -> memref<5120xi32, #tpu.memory_space<hbm>>
      tpu.wait_dma2 semaphore(%arg20 : memref<!tpu.dma_semaphore, #tpu.memory_space<semaphore_mem>>) src(%dma_wait3A_472 : memref<5120xi32, #tpu.memory_space<hbm>>) dst(%arg10 : memref<5120xi32, #tpu.memory_space<vmem>>)
      %add3A_473 = arith.constant 2 : i32
      %add3A_474 = arith.addi %add3A_455, %add3A_473 : i32
      %lt3A_475 = arith.constant 125 : i32
      %lt3A_476 = arith.cmpi slt, %add3A_474, %lt3A_475 : i32
      %convert_element_type3A_477 = arith.extui %lt3A_476 : i1 to i32
      %cond3A_478 = arith.constant 0 : i32
      %cond3A_479 = arith.cmpi ne, %convert_element_type3A_477, %cond3A_478 : i32
      scf.if %cond3A_479 {
        %dma_wait3A_496 = arith.constant 1 : i32
        %dma_wait3A_497 = arith.constant 0 : i32
        %dma_wait3A_498 = arith.constant 0 : i32
        %dma_wait3A_499 = tpu.memref_slice %arg6[%dma_wait3A_496, %dma_wait3A_497, %dma_wait3A_498] : memref<3x2x80xi32, #tpu.memory_space<vmem>> -> memref<1x2x80xi32, #tpu.memory_space<vmem>>
        %dma_wait3A_500 = tpu.memref_squeeze %dma_wait3A_499 : memref<1x2x80xi32, #tpu.memory_space<vmem>> -> memref<2x80xi32, #tpu.memory_space<vmem>>
        %dma_wait3A_501 = arith.constant 0 : i32
        %dma_wait3A_502 = arith.constant 0 : i32
        %dma_wait3A_503 = tpu.memref_slice %arg2[%mul3A_92, %dma_wait3A_501, %dma_wait3A_502] : memref<4000x2x80xi32, #tpu.memory_space<hbm>> -> memref<1x2x80xi32, #tpu.memory_space<hbm>>
        %dma_wait3A_504 = tpu.memref_squeeze %dma_wait3A_503 : memref<1x2x80xi32, #tpu.memory_space<hbm>> -> memref<2x80xi32, #tpu.memory_space<hbm>>
        %dma_wait3A_505 = arith.constant 0 : i32
        %dma_wait3A_506 = arith.constant 0 : i32
        %dma_wait3A_507 = tpu.memref_slice %arg6[%dma_wait3A_496, %dma_wait3A_505, %dma_wait3A_506] : memref<3x2x80xi32, #tpu.memory_space<vmem>> -> memref<1x2x80xi32, #tpu.memory_space<vmem>>
        %dma_wait3A_508 = tpu.memref_squeeze %dma_wait3A_507 : memref<1x2x80xi32, #tpu.memory_space<vmem>> -> memref<2x80xi32, #tpu.memory_space<vmem>>
        %dma_wait3A_509 = arith.constant 0 : i32
        %dma_wait3A_510 = arith.constant 0 : i32
        %dma_wait3A_511 = tpu.memref_slice %arg2[%mul3A_92, %dma_wait3A_509, %dma_wait3A_510] : memref<4000x2x80xi32, #tpu.memory_space<hbm>> -> memref<1x2x80xi32, #tpu.memory_space<hbm>>
        %dma_wait3A_512 = tpu.memref_squeeze %dma_wait3A_511 : memref<1x2x80xi32, #tpu.memory_space<hbm>> -> memref<2x80xi32, #tpu.memory_space<hbm>>
        tpu.wait_dma2 semaphore(%arg13 : memref<!tpu.dma_semaphore, #tpu.memory_space<semaphore_mem>>) src(%dma_wait3A_512 : memref<2x80xi32, #tpu.memory_space<hbm>>) dst(%dma_wait3A_508 : memref<2x80xi32, #tpu.memory_space<vmem>>)
        %add3A_513 = arith.constant 2 : i32
        %add3A_514 = arith.addi %add3A_455, %add3A_513 : i32
        %dma_start3A_515 = arith.constant 1 : i32
        %dma_start3A_516 = arith.constant 0 : i32
        %dma_start3A_517 = arith.constant 1 : i32
        %dma_start3A_518 = arith.constant 0 : i32
        %dma_start3A_519 = arith.constant 0 : i32
        %dma_start3A_520 = tpu.memref_slice %arg7[%dma_start3A_517, %dma_start3A_518, %dma_start3A_519] : memref<3x80x128xf32, #tpu.memory_space<vmem>> -> memref<1x80x128xf32, #tpu.memory_space<vmem>>
        %dma_start3A_521 = tpu.memref_squeeze %dma_start3A_520 : memref<1x80x128xf32, #tpu.memory_space<vmem>> -> memref<80x128xf32, #tpu.memory_space<vmem>>
        %dma_start3A_522 = arith.constant 0 : i32
        %dma_start3A_523 = tpu.memref_slice %arg6[%dma_start3A_515, %dma_start3A_516, %dma_start3A_522] : memref<3x2x80xi32, #tpu.memory_space<vmem>> -> memref<1x1x80xi32, #tpu.memory_space<vmem>>
        %dma_start3A_524 = tpu.memref_squeeze %dma_start3A_523 : memref<1x1x80xi32, #tpu.memory_space<vmem>> -> memref<80xi32, #tpu.memory_space<vmem>>
        %dma_start3A_525 = arith.constant 0 : i32
        %dma_start3A_526 = arith.constant 0 : i32
        %dma_start3A_527 = tpu.memref_slice %arg4[%dma_start3A_525, %dma_start3A_526] : memref<10000x128xf32, #tpu.memory_space<hbm>> -> memref<10000x128xf32, #tpu.memory_space<hbm>>
        tpu.enqueue_indirect_dma source(%dma_start3A_527 : memref<10000x128xf32, #tpu.memory_space<hbm>>) target(%dma_start3A_521 : memref<80x128xf32, #tpu.memory_space<vmem>>) offsets(%dma_start3A_524 : memref<80xi32, #tpu.memory_space<vmem>>) semaphore(%arg16 : memref<!tpu.dma_semaphore, #tpu.memory_space<semaphore_mem>>)
        %add3A_528 = arith.addi %mul3A_92, %add3A_514 : i32
        %mul3A_529 = arith.constant 5120 : i32
        %mul3A_530 = arith.muli %add3A_528, %mul3A_529 : i32
        %dma_start3A_531 = tpu.memref_slice %arg3[%mul3A_530] : memref<20480000xi32, #tpu.memory_space<hbm>> -> memref<5120xi32, #tpu.memory_space<hbm>>
        %dma_start3A_532 = tpu.memref_slice %arg3[%mul3A_530] : memref<20480000xi32, #tpu.memory_space<hbm>> -> memref<5120xi32, #tpu.memory_space<hbm>>
        tpu.enqueue_dma source(%dma_start3A_532 : memref<5120xi32, #tpu.memory_space<hbm>>) target(%arg9 : memref<5120xi32, #tpu.memory_space<vmem>>) target_semaphore(%arg19 : memref<!tpu.dma_semaphore, #tpu.memory_space<semaphore_mem>>)
      } else {
      }
      %scan3A_480 = arith.constant 0 : i32
      %scan3A_481 = arith.constant 0 : i32
      %scan3A_482 = arith.constant 80 : i32
      %scan3A_483 = arith.addi %scan3A_481, %scan3A_482 : i32
      %scan3A_484 = arith.constant 1 : i32
      scf.for %scan3A_496 = %scan3A_481 to %scan3A_483 step %scan3A_484  : i32 {
        %mul3A_497 = arith.constant 64 : i32
        %mul3A_498 = arith.muli %scan3A_496, %mul3A_497 : i32
        %add3A_499 = arith.constant 0 : i32
        %add3A_500 = arith.addi %mul3A_498, %add3A_499 : i32
        %get3A = arith.index_cast %add3A_500 : i32 to index
        %get3A_501 = tpu.vector_load %arg10[%get3A] {strides = array<i32>} : memref<5120xi32, #tpu.memory_space<vmem>>, vector<16xi32>,
        %get3A_502 = vector.shape_cast %get3A_501 : vector<16xi32> to vector<16xi32>
        %shift_left3A = arith.constant 16 : i32
        %shift_left3A_503 = vector.broadcast %shift_left3A : i32 to vector<16xi32>
        %shift_left3A_504 = arith.shli %get3A_502, %shift_left3A_503 : vector<16xi32>
        %bitcast_convert_type3A = tpu.bitcast %shift_left3A_504 : vector<16xi32> -> vector<16xf32>
        %and3A = arith.constant -65536 : i32
        %and3A_505 = vector.broadcast %and3A : i32 to vector<16xi32>
        %and3A_506 = arith.andi %get3A_502, %and3A_505 : vector<16xi32>
        %bitcast_convert_type3A_507 = tpu.bitcast %and3A_506 : vector<16xi32> -> vector<16xf32>
        %get3A_508 = arith.constant 2 : i32
        %get3A_509 = arith.index_cast %get3A_508 : i32 to index
        %get3A_510 = arith.index_cast %scan3A_496 : i32 to index
        %get3A_511 = arith.constant 0 : index
        %get3A_512 = tpu.vector_load %arg7[%get3A_509, %get3A_510, %get3A_511] {strides = array<i32>} : memref<3x80x128xf32, #tpu.memory_space<vmem>>, vector<1x1x16xf32>,
        %get3A_513 = vector.shape_cast %get3A_512 : vector<1x1x16xf32> to vector<16xf32>
        %add3A_514 = arith.addf %get3A_513, %bitcast_convert_type3A : vector<16xf32>
        %max3A = arith.constant 0.000000e+00 : f32
        %max3A_515 = vector.broadcast %max3A : f32 to vector<16xf32>
        %max3A_516 = arith.maximumf %add3A_514, %max3A_515 : vector<16xf32>
        %swap3A = arith.constant 2 : i32
        %swap3A_517 = arith.index_cast %swap3A : i32 to index
        %swap3A_518 = arith.index_cast %scan3A_496 : i32 to index
        %swap3A_519 = arith.constant 0 : index
        %swap3A_520 = tpu.vector_load %arg7[%swap3A_517, %swap3A_518, %swap3A_519] {strides = array<i32>} : memref<3x80x128xf32, #tpu.memory_space<vmem>>, vector<1x1x16xf32>,
        %swap3A_521 = vector.shape_cast %swap3A_520 : vector<1x1x16xf32> to vector<16xf32>
        %swap3A_522 = vector.shape_cast %max3A_516 : vector<16xf32> to vector<1x1x16xf32>
        tpu.vector_store %arg7[%swap3A_517, %swap3A_518, %swap3A_519], %swap3A_522 {strides = array<i32>} : memref<3x80x128xf32, #tpu.memory_space<vmem>>, vector<1x1x16xf32>,
        %get3A_523 = arith.constant 2 : i32
        %get3A_524 = arith.index_cast %get3A_523 : i32 to index
        %get3A_525 = arith.index_cast %scan3A_496 : i32 to index
        %get3A_526 = arith.constant 16 : index
        %get3A_527 = tpu.vector_load %arg7[%get3A_524, %get3A_525, %get3A_526] {strides = array<i32>} : memref<3x80x128xf32, #tpu.memory_space<vmem>>, vector<1x1x16xf32>,
        %get3A_528 = vector.shape_cast %get3A_527 : vector<1x1x16xf32> to vector<16xf32>
        %add3A_529 = arith.addf %get3A_528, %bitcast_convert_type3A_507 : vector<16xf32>
        %max3A_530 = arith.constant 0.000000e+00 : f32
        %max3A_531 = vector.broadcast %max3A_530 : f32 to vector<16xf32>
        %max3A_532 = arith.maximumf %add3A_529, %max3A_531 : vector<16xf32>
        %swap3A_533 = arith.constant 2 : i32
        %swap3A_534 = arith.index_cast %swap3A_533 : i32 to index
        %swap3A_535 = arith.index_cast %scan3A_496 : i32 to index
        %swap3A_536 = arith.constant 16 : index
        %swap3A_537 = tpu.vector_load %arg7[%swap3A_534, %swap3A_535, %swap3A_536] {strides = array<i32>} : memref<3x80x128xf32, #tpu.memory_space<vmem>>, vector<1x1x16xf32>,
        %swap3A_538 = vector.shape_cast %swap3A_537 : vector<1x1x16xf32> to vector<16xf32>
        %swap3A_539 = vector.shape_cast %max3A_532 : vector<16xf32> to vector<1x1x16xf32>
        tpu.vector_store %arg7[%swap3A_534, %swap3A_535, %swap3A_536], %swap3A_539 {strides = array<i32>} : memref<3x80x128xf32, #tpu.memory_space<vmem>>, vector<1x1x16xf32>,
        %add3A_540 = arith.constant 16 : i32
        %add3A_541 = arith.addi %mul3A_498, %add3A_540 : i32
        %get3A_542 = arith.index_cast %add3A_541 : i32 to index
        %get3A_543 = tpu.vector_load %arg10[%get3A_542] {strides = array<i32>} : memref<5120xi32, #tpu.memory_space<vmem>>, vector<16xi32>,
        %get3A_544 = vector.shape_cast %get3A_543 : vector<16xi32> to vector<16xi32>
        %shift_left3A_545 = arith.constant 16 : i32
        %shift_left3A_546 = vector.broadcast %shift_left3A_545 : i32 to vector<16xi32>
        %shift_left3A_547 = arith.shli %get3A_544, %shift_left3A_546 : vector<16xi32>
        %bitcast_convert_type3A_548 = tpu.bitcast %shift_left3A_547 : vector<16xi32> -> vector<16xf32>
        %and3A_549 = arith.constant -65536 : i32
        %and3A_550 = vector.broadcast %and3A_549 : i32 to vector<16xi32>
        %and3A_551 = arith.andi %get3A_544, %and3A_550 : vector<16xi32>
        %bitcast_convert_type3A_552 = tpu.bitcast %and3A_551 : vector<16xi32> -> vector<16xf32>
        %get3A_553 = arith.constant 2 : i32
        %get3A_554 = arith.index_cast %get3A_553 : i32 to index
        %get3A_555 = arith.index_cast %scan3A_496 : i32 to index
        %get3A_556 = arith.constant 32 : index
        %get3A_557 = tpu.vector_load %arg7[%get3A_554, %get3A_555, %get3A_556] {strides = array<i32>} : memref<3x80x128xf32, #tpu.memory_space<vmem>>, vector<1x1x16xf32>,
        %get3A_558 = vector.shape_cast %get3A_557 : vector<1x1x16xf32> to vector<16xf32>
        %add3A_559 = arith.addf %get3A_558, %bitcast_convert_type3A_548 : vector<16xf32>
        %max3A_560 = arith.constant 0.000000e+00 : f32
        %max3A_561 = vector.broadcast %max3A_560 : f32 to vector<16xf32>
        %max3A_562 = arith.maximumf %add3A_559, %max3A_561 : vector<16xf32>
        %swap3A_563 = arith.constant 2 : i32
        %swap3A_564 = arith.index_cast %swap3A_563 : i32 to index
        %swap3A_565 = arith.index_cast %scan3A_496 : i32 to index
        %swap3A_566 = arith.constant 32 : index
        %swap3A_567 = tpu.vector_load %arg7[%swap3A_564, %swap3A_565, %swap3A_566] {strides = array<i32>} : memref<3x80x128xf32, #tpu.memory_space<vmem>>, vector<1x1x16xf32>,
        %swap3A_568 = vector.shape_cast %swap3A_567 : vector<1x1x16xf32> to vector<16xf32>
        %swap3A_569 = vector.shape_cast %max3A_562 : vector<16xf32> to vector<1x1x16xf32>
        tpu.vector_store %arg7[%swap3A_564, %swap3A_565, %swap3A_566], %swap3A_569 {strides = array<i32>} : memref<3x80x128xf32, #tpu.memory_space<vmem>>, vector<1x1x16xf32>,
        %get3A_570 = arith.constant 2 : i32
        %get3A_571 = arith.index_cast %get3A_570 : i32 to index
        %get3A_572 = arith.index_cast %scan3A_496 : i32 to index
        %get3A_573 = arith.constant 48 : index
        %get3A_574 = tpu.vector_load %arg7[%get3A_571, %get3A_572, %get3A_573] {strides = array<i32>} : memref<3x80x128xf32, #tpu.memory_space<vmem>>, vector<1x1x16xf32>,
        %get3A_575 = vector.shape_cast %get3A_574 : vector<1x1x16xf32> to vector<16xf32>
        %add3A_576 = arith.addf %get3A_575, %bitcast_convert_type3A_552 : vector<16xf32>
        %max3A_577 = arith.constant 0.000000e+00 : f32
        %max3A_578 = vector.broadcast %max3A_577 : f32 to vector<16xf32>
        %max3A_579 = arith.maximumf %add3A_576, %max3A_578 : vector<16xf32>
        %swap3A_580 = arith.constant 2 : i32
        %swap3A_581 = arith.index_cast %swap3A_580 : i32 to index
        %swap3A_582 = arith.index_cast %scan3A_496 : i32 to index
        %swap3A_583 = arith.constant 48 : index
        %swap3A_584 = tpu.vector_load %arg7[%swap3A_581, %swap3A_582, %swap3A_583] {strides = array<i32>} : memref<3x80x128xf32, #tpu.memory_space<vmem>>, vector<1x1x16xf32>,
        %swap3A_585 = vector.shape_cast %swap3A_584 : vector<1x1x16xf32> to vector<16xf32>
        %swap3A_586 = vector.shape_cast %max3A_579 : vector<16xf32> to vector<1x1x16xf32>
        tpu.vector_store %arg7[%swap3A_581, %swap3A_582, %swap3A_583], %swap3A_586 {strides = array<i32>} : memref<3x80x128xf32, #tpu.memory_space<vmem>>, vector<1x1x16xf32>,
        %add3A_587 = arith.constant 32 : i32
        %add3A_588 = arith.addi %mul3A_498, %add3A_587 : i32
        %get3A_589 = arith.index_cast %add3A_588 : i32 to index
        %get3A_590 = tpu.vector_load %arg10[%get3A_589] {strides = array<i32>} : memref<5120xi32, #tpu.memory_space<vmem>>, vector<16xi32>,
        %get3A_591 = vector.shape_cast %get3A_590 : vector<16xi32> to vector<16xi32>
        %shift_left3A_592 = arith.constant 16 : i32
        %shift_left3A_593 = vector.broadcast %shift_left3A_592 : i32 to vector<16xi32>
        %shift_left3A_594 = arith.shli %get3A_591, %shift_left3A_593 : vector<16xi32>
        %bitcast_convert_type3A_595 = tpu.bitcast %shift_left3A_594 : vector<16xi32> -> vector<16xf32>
        %and3A_596 = arith.constant -65536 : i32
        %and3A_597 = vector.broadcast %and3A_596 : i32 to vector<16xi32>
        %and3A_598 = arith.andi %get3A_591, %and3A_597 : vector<16xi32>
        %bitcast_convert_type3A_599 = tpu.bitcast %and3A_598 : vector<16xi32> -> vector<16xf32>
        %get3A_600 = arith.constant 2 : i32
        %get3A_601 = arith.index_cast %get3A_600 : i32 to index
        %get3A_602 = arith.index_cast %scan3A_496 : i32 to index
        %get3A_603 = arith.constant 64 : index
        %get3A_604 = tpu.vector_load %arg7[%get3A_601, %get3A_602, %get3A_603] {strides = array<i32>} : memref<3x80x128xf32, #tpu.memory_space<vmem>>, vector<1x1x16xf32>,
        %get3A_605 = vector.shape_cast %get3A_604 : vector<1x1x16xf32> to vector<16xf32>
        %add3A_606 = arith.addf %get3A_605, %bitcast_convert_type3A_595 : vector<16xf32>
        %max3A_607 = arith.constant 0.000000e+00 : f32
        %max3A_608 = vector.broadcast %max3A_607 : f32 to vector<16xf32>
        %max3A_609 = arith.maximumf %add3A_606, %max3A_608 : vector<16xf32>
        %swap3A_610 = arith.constant 2 : i32
        %swap3A_611 = arith.index_cast %swap3A_610 : i32 to index
        %swap3A_612 = arith.index_cast %scan3A_496 : i32 to index
        %swap3A_613 = arith.constant 64 : index
        %swap3A_614 = tpu.vector_load %arg7[%swap3A_611, %swap3A_612, %swap3A_613] {strides = array<i32>} : memref<3x80x128xf32, #tpu.memory_space<vmem>>, vector<1x1x16xf32>,
        %swap3A_615 = vector.shape_cast %swap3A_614 : vector<1x1x16xf32> to vector<16xf32>
        %swap3A_616 = vector.shape_cast %max3A_609 : vector<16xf32> to vector<1x1x16xf32>
        tpu.vector_store %arg7[%swap3A_611, %swap3A_612, %swap3A_613], %swap3A_616 {strides = array<i32>} : memref<3x80x128xf32, #tpu.memory_space<vmem>>, vector<1x1x16xf32>,
        %get3A_617 = arith.constant 2 : i32
        %get3A_618 = arith.index_cast %get3A_617 : i32 to index
        %get3A_619 = arith.index_cast %scan3A_496 : i32 to index
        %get3A_620 = arith.constant 80 : index
        %get3A_621 = tpu.vector_load %arg7[%get3A_618, %get3A_619, %get3A_620] {strides = array<i32>} : memref<3x80x128xf32, #tpu.memory_space<vmem>>, vector<1x1x16xf32>,
        %get3A_622 = vector.shape_cast %get3A_621 : vector<1x1x16xf32> to vector<16xf32>
        %add3A_623 = arith.addf %get3A_622, %bitcast_convert_type3A_599 : vector<16xf32>
        %max3A_624 = arith.constant 0.000000e+00 : f32
        %max3A_625 = vector.broadcast %max3A_624 : f32 to vector<16xf32>
        %max3A_626 = arith.maximumf %add3A_623, %max3A_625 : vector<16xf32>
        %swap3A_627 = arith.constant 2 : i32
        %swap3A_628 = arith.index_cast %swap3A_627 : i32 to index
        %swap3A_629 = arith.index_cast %scan3A_496 : i32 to index
        %swap3A_630 = arith.constant 80 : index
        %swap3A_631 = tpu.vector_load %arg7[%swap3A_628, %swap3A_629, %swap3A_630] {strides = array<i32>} : memref<3x80x128xf32, #tpu.memory_space<vmem>>, vector<1x1x16xf32>,
        %swap3A_632 = vector.shape_cast %swap3A_631 : vector<1x1x16xf32> to vector<16xf32>
        %swap3A_633 = vector.shape_cast %max3A_626 : vector<16xf32> to vector<1x1x16xf32>
        tpu.vector_store %arg7[%swap3A_628, %swap3A_629, %swap3A_630], %swap3A_633 {strides = array<i32>} : memref<3x80x128xf32, #tpu.memory_space<vmem>>, vector<1x1x16xf32>,
        %add3A_634 = arith.constant 48 : i32
        %add3A_635 = arith.addi %mul3A_498, %add3A_634 : i32
        %get3A_636 = arith.index_cast %add3A_635 : i32 to index
        %get3A_637 = tpu.vector_load %arg10[%get3A_636] {strides = array<i32>} : memref<5120xi32, #tpu.memory_space<vmem>>, vector<16xi32>,
        %get3A_638 = vector.shape_cast %get3A_637 : vector<16xi32> to vector<16xi32>
        %shift_left3A_639 = arith.constant 16 : i32
        %shift_left3A_640 = vector.broadcast %shift_left3A_639 : i32 to vector<16xi32>
        %shift_left3A_641 = arith.shli %get3A_638, %shift_left3A_640 : vector<16xi32>
        %bitcast_convert_type3A_642 = tpu.bitcast %shift_left3A_641 : vector<16xi32> -> vector<16xf32>
        %and3A_643 = arith.constant -65536 : i32
        %and3A_644 = vector.broadcast %and3A_643 : i32 to vector<16xi32>
        %and3A_645 = arith.andi %get3A_638, %and3A_644 : vector<16xi32>
        %bitcast_convert_type3A_646 = tpu.bitcast %and3A_645 : vector<16xi32> -> vector<16xf32>
        %get3A_647 = arith.constant 2 : i32
        %get3A_648 = arith.index_cast %get3A_647 : i32 to index
        %get3A_649 = arith.index_cast %scan3A_496 : i32 to index
        %get3A_650 = arith.constant 96 : index
        %get3A_651 = tpu.vector_load %arg7[%get3A_648, %get3A_649, %get3A_650] {strides = array<i32>} : memref<3x80x128xf32, #tpu.memory_space<vmem>>, vector<1x1x16xf32>,
        %get3A_652 = vector.shape_cast %get3A_651 : vector<1x1x16xf32> to vector<16xf32>
        %add3A_653 = arith.addf %get3A_652, %bitcast_convert_type3A_642 : vector<16xf32>
        %max3A_654 = arith.constant 0.000000e+00 : f32
        %max3A_655 = vector.broadcast %max3A_654 : f32 to vector<16xf32>
        %max3A_656 = arith.maximumf %add3A_653, %max3A_655 : vector<16xf32>
        %swap3A_657 = arith.constant 2 : i32
        %swap3A_658 = arith.index_cast %swap3A_657 : i32 to index
        %swap3A_659 = arith.index_cast %scan3A_496 : i32 to index
        %swap3A_660 = arith.constant 96 : index
        %swap3A_661 = tpu.vector_load %arg7[%swap3A_658, %swap3A_659, %swap3A_660] {strides = array<i32>} : memref<3x80x128xf32, #tpu.memory_space<vmem>>, vector<1x1x16xf32>,
        %swap3A_662 = vector.shape_cast %swap3A_661 : vector<1x1x16xf32> to vector<16xf32>
        %swap3A_663 = vector.shape_cast %max3A_656 : vector<16xf32> to vector<1x1x16xf32>
        tpu.vector_store %arg7[%swap3A_658, %swap3A_659, %swap3A_660], %swap3A_663 {strides = array<i32>} : memref<3x80x128xf32, #tpu.memory_space<vmem>>, vector<1x1x16xf32>,
        %get3A_664 = arith.constant 2 : i32
        %get3A_665 = arith.index_cast %get3A_664 : i32 to index
        %get3A_666 = arith.index_cast %scan3A_496 : i32 to index
        %get3A_667 = arith.constant 112 : index
        %get3A_668 = tpu.vector_load %arg7[%get3A_665, %get3A_666, %get3A_667] {strides = array<i32>} : memref<3x80x128xf32, #tpu.memory_space<vmem>>, vector<1x1x16xf32>,
        %get3A_669 = vector.shape_cast %get3A_668 : vector<1x1x16xf32> to vector<16xf32>
        %add3A_670 = arith.addf %get3A_669, %bitcast_convert_type3A_646 : vector<16xf32>
        %max3A_671 = arith.constant 0.000000e+00 : f32
        %max3A_672 = vector.broadcast %max3A_671 : f32 to vector<16xf32>
        %max3A_673 = arith.maximumf %add3A_670, %max3A_672 : vector<16xf32>
        %swap3A_674 = arith.constant 2 : i32
        %swap3A_675 = arith.index_cast %swap3A_674 : i32 to index
        %swap3A_676 = arith.index_cast %scan3A_496 : i32 to index
        %swap3A_677 = arith.constant 112 : index
        %swap3A_678 = tpu.vector_load %arg7[%swap3A_675, %swap3A_676, %swap3A_677] {strides = array<i32>} : memref<3x80x128xf32, #tpu.memory_space<vmem>>, vector<1x1x16xf32>,
        %swap3A_679 = vector.shape_cast %swap3A_678 : vector<1x1x16xf32> to vector<16xf32>
        %swap3A_680 = vector.shape_cast %max3A_673 : vector<16xf32> to vector<1x1x16xf32>
        tpu.vector_store %arg7[%swap3A_675, %swap3A_676, %swap3A_677], %swap3A_680 {strides = array<i32>} : memref<3x80x128xf32, #tpu.memory_space<vmem>>, vector<1x1x16xf32>,
      }
      %scan3A_485 = arith.constant 80 : i32
      %run_scoped3A_486 = arith.constant 2 : i32
      %run_scoped3A_487 = arith.constant 2 : i32
      %run_scoped3A_488 = arith.constant 1 : i32
      "tpu.region"() ({
        %run_scoped3A_496 = tpu.sem_alloc : memref<!tpu.dma_semaphore, #tpu.memory_space<semaphore_mem>>
        %dma_start3A_497 = arith.constant 0 : i32
        %dma_start3A_498 = arith.constant 0 : i32
        %dma_start3A_499 = tpu.memref_slice %arg7[%run_scoped3A_486, %dma_start3A_497, %dma_start3A_498] : memref<3x80x128xf32, #tpu.memory_space<vmem>> -> memref<1x80x128xf32, #tpu.memory_space<vmem>>
        %dma_start3A_500 = tpu.memref_squeeze %dma_start3A_499 : memref<1x80x128xf32, #tpu.memory_space<vmem>> -> memref<80x128xf32, #tpu.memory_space<vmem>>
        %dma_start3A_501 = arith.constant 0 : i32
        %dma_start3A_502 = tpu.memref_slice %arg6[%run_scoped3A_487, %run_scoped3A_488, %dma_start3A_501] : memref<3x2x80xi32, #tpu.memory_space<vmem>> -> memref<1x1x80xi32, #tpu.memory_space<vmem>>
        %dma_start3A_503 = tpu.memref_squeeze %dma_start3A_502 : memref<1x1x80xi32, #tpu.memory_space<vmem>> -> memref<80xi32, #tpu.memory_space<vmem>>
        %dma_start3A_504 = arith.constant 0 : i32
        %dma_start3A_505 = arith.constant 0 : i32
        %dma_start3A_506 = tpu.memref_slice %arg11[%dma_start3A_504, %dma_start3A_505] : memref<10000x128xf32, #tpu.memory_space<vmem_shared>> -> memref<10000x128xf32, #tpu.memory_space<vmem_shared>>
        tpu.enqueue_indirect_dma source(%dma_start3A_500 : memref<80x128xf32, #tpu.memory_space<vmem>>) target(%dma_start3A_506 : memref<10000x128xf32, #tpu.memory_space<vmem_shared>>) offsets(%dma_start3A_503 : memref<80xi32, #tpu.memory_space<vmem>>) semaphore(%run_scoped3A_496 : memref<!tpu.dma_semaphore, #tpu.memory_space<semaphore_mem>>) {add = true}
        %dma_wait3A_507 = arith.constant 0 : i32
        %dma_wait3A_508 = arith.constant 0 : i32
        %dma_wait3A_509 = tpu.memref_slice %arg7[%run_scoped3A_486, %dma_wait3A_507, %dma_wait3A_508] : memref<3x80x128xf32, #tpu.memory_space<vmem>> -> memref<1x80x128xf32, #tpu.memory_space<vmem>>
        %dma_wait3A_510 = tpu.memref_squeeze %dma_wait3A_509 : memref<1x80x128xf32, #tpu.memory_space<vmem>> -> memref<80x128xf32, #tpu.memory_space<vmem>>
        %dma_wait3A_511 = arith.constant 0 : i32
        %dma_wait3A_512 = tpu.memref_slice %arg6[%run_scoped3A_487, %run_scoped3A_488, %dma_wait3A_511] : memref<3x2x80xi32, #tpu.memory_space<vmem>> -> memref<1x1x80xi32, #tpu.memory_space<vmem>>
        %dma_wait3A_513 = tpu.memref_squeeze %dma_wait3A_512 : memref<1x1x80xi32, #tpu.memory_space<vmem>> -> memref<80xi32, #tpu.memory_space<vmem>>
        %dma_wait3A_514 = arith.constant 0 : i32
        %dma_wait3A_515 = arith.constant 0 : i32
        %dma_wait3A_516 = tpu.memref_slice %arg11[%dma_wait3A_514, %dma_wait3A_515] : memref<10000x128xf32, #tpu.memory_space<vmem_shared>> -> memref<10000x128xf32, #tpu.memory_space<vmem_shared>>
        tpu.wait_indirect_dma semaphore(%run_scoped3A_496 : memref<!tpu.dma_semaphore, #tpu.memory_space<semaphore_mem>>) src(%dma_wait3A_510 : memref<80x128xf32, #tpu.memory_space<vmem>>) dst(%dma_wait3A_516 : memref<10000x128xf32, #tpu.memory_space<vmem_shared>>)
        tpu.yield
      }) : () -> ()
      %add3A_489 = arith.constant 3 : i32
      %add3A_490 = arith.addi %add3A_455, %add3A_489 : i32
      %lt3A_491 = arith.constant 125 : i32
      %lt3A_492 = arith.cmpi slt, %add3A_490, %lt3A_491 : i32
      %convert_element_type3A_493 = arith.extui %lt3A_492 : i1 to i32
      %cond3A_494 = arith.constant 0 : i32
      %cond3A_495 = arith.cmpi ne, %convert_element_type3A_493, %cond3A_494 : i32
      scf.if %cond3A_495 {
        %add3A_496 = arith.constant 3 : i32
        %add3A_497 = arith.addi %add3A_455, %add3A_496 : i32
        %add3A_498 = arith.addi %mul3A_92, %add3A_497 : i32
        %dma_start3A_499 = arith.constant 2 : i32
        %dma_start3A_500 = arith.constant 0 : i32
        %dma_start3A_501 = arith.constant 0 : i32
        %dma_start3A_502 = tpu.memref_slice %arg6[%dma_start3A_499, %dma_start3A_500, %dma_start3A_501] : memref<3x2x80xi32, #tpu.memory_space<vmem>> -> memref<1x2x80xi32, #tpu.memory_space<vmem>>
        %dma_start3A_503 = tpu.memref_squeeze %dma_start3A_502 : memref<1x2x80xi32, #tpu.memory_space<vmem>> -> memref<2x80xi32, #tpu.memory_space<vmem>>
        %dma_start3A_504 = arith.constant 0 : i32
        %dma_start3A_505 = arith.constant 0 : i32
        %dma_start3A_506 = tpu.memref_slice %arg2[%add3A_498, %dma_start3A_504, %dma_start3A_505] : memref<4000x2x80xi32, #tpu.memory_space<hbm>> -> memref<1x2x80xi32, #tpu.memory_space<hbm>>
        %dma_start3A_507 = tpu.memref_squeeze %dma_start3A_506 : memref<1x2x80xi32, #tpu.memory_space<hbm>> -> memref<2x80xi32, #tpu.memory_space<hbm>>
        %dma_start3A_508 = arith.constant 0 : i32
        %dma_start3A_509 = arith.constant 0 : i32
        %dma_start3A_510 = tpu.memref_slice %arg6[%dma_start3A_499, %dma_start3A_508, %dma_start3A_509] : memref<3x2x80xi32, #tpu.memory_space<vmem>> -> memref<1x2x80xi32, #tpu.memory_space<vmem>>
        %dma_start3A_511 = tpu.memref_squeeze %dma_start3A_510 : memref<1x2x80xi32, #tpu.memory_space<vmem>> -> memref<2x80xi32, #tpu.memory_space<vmem>>
        %dma_start3A_512 = arith.constant 0 : i32
        %dma_start3A_513 = arith.constant 0 : i32
        %dma_start3A_514 = tpu.memref_slice %arg2[%add3A_498, %dma_start3A_512, %dma_start3A_513] : memref<4000x2x80xi32, #tpu.memory_space<hbm>> -> memref<1x2x80xi32, #tpu.memory_space<hbm>>
        %dma_start3A_515 = tpu.memref_squeeze %dma_start3A_514 : memref<1x2x80xi32, #tpu.memory_space<hbm>> -> memref<2x80xi32, #tpu.memory_space<hbm>>
        tpu.enqueue_dma source(%dma_start3A_515 : memref<2x80xi32, #tpu.memory_space<hbm>>) target(%dma_start3A_511 : memref<2x80xi32, #tpu.memory_space<vmem>>) target_semaphore(%arg14 : memref<!tpu.dma_semaphore, #tpu.memory_space<semaphore_mem>>)
      } else {
      }
    }
    %scan3A_225 = arith.constant 41 : i32
    %dma_wait3A_226 = arith.constant 0 : i32
    %dma_wait3A_227 = arith.constant 0 : i32
    %dma_wait3A_228 = arith.constant 0 : i32
    %dma_wait3A_229 = arith.constant 0 : i32
    %dma_wait3A_230 = arith.constant 0 : i32
    %dma_wait3A_231 = tpu.memref_slice %arg7[%dma_wait3A_228, %dma_wait3A_229, %dma_wait3A_230] : memref<3x80x128xf32, #tpu.memory_space<vmem>> -> memref<1x80x128xf32, #tpu.memory_space<vmem>>
    %dma_wait3A_232 = tpu.memref_squeeze %dma_wait3A_231 : memref<1x80x128xf32, #tpu.memory_space<vmem>> -> memref<80x128xf32, #tpu.memory_space<vmem>>
    %dma_wait3A_233 = arith.constant 0 : i32
    %dma_wait3A_234 = tpu.memref_slice %arg6[%dma_wait3A_226, %dma_wait3A_227, %dma_wait3A_233] : memref<3x2x80xi32, #tpu.memory_space<vmem>> -> memref<1x1x80xi32, #tpu.memory_space<vmem>>
    %dma_wait3A_235 = tpu.memref_squeeze %dma_wait3A_234 : memref<1x1x80xi32, #tpu.memory_space<vmem>> -> memref<80xi32, #tpu.memory_space<vmem>>
    %dma_wait3A_236 = arith.constant 0 : i32
    %dma_wait3A_237 = arith.constant 0 : i32
    %dma_wait3A_238 = tpu.memref_slice %arg4[%dma_wait3A_236, %dma_wait3A_237] : memref<10000x128xf32, #tpu.memory_space<hbm>> -> memref<10000x128xf32, #tpu.memory_space<hbm>>
    tpu.wait_indirect_dma semaphore(%arg15 : memref<!tpu.dma_semaphore, #tpu.memory_space<semaphore_mem>>) src(%dma_wait3A_238 : memref<10000x128xf32, #tpu.memory_space<hbm>>) dst(%dma_wait3A_232 : memref<80x128xf32, #tpu.memory_space<vmem>>)
    %dma_wait3A_239 = arith.constant 0 : i32
    %dma_wait3A_240 = tpu.memref_slice %arg3[%dma_wait3A_239] : memref<20480000xi32, #tpu.memory_space<hbm>> -> memref<5120xi32, #tpu.memory_space<hbm>>
    %dma_wait3A_241 = arith.constant 0 : i32
    %dma_wait3A_242 = tpu.memref_slice %arg3[%dma_wait3A_241] : memref<20480000xi32, #tpu.memory_space<hbm>> -> memref<5120xi32, #tpu.memory_space<hbm>>
    tpu.wait_dma2 semaphore(%arg18 : memref<!tpu.dma_semaphore, #tpu.memory_space<semaphore_mem>>) src(%dma_wait3A_242 : memref<5120xi32, #tpu.memory_space<hbm>>) dst(%arg8 : memref<5120xi32, #tpu.memory_space<vmem>>)
    %scan3A_243 = arith.constant 0 : i32
    %scan3A_244 = arith.constant 0 : i32
    %scan3A_245 = arith.constant 80 : i32
    %scan3A_246 = arith.addi %scan3A_244, %scan3A_245 : i32
    %scan3A_247 = arith.constant 1 : i32
    scf.for %scan3A_366 = %scan3A_244 to %scan3A_246 step %scan3A_247  : i32 {
      %mul3A_367 = arith.constant 64 : i32
      %mul3A_368 = arith.muli %scan3A_366, %mul3A_367 : i32
      %add3A_369 = arith.constant 0 : i32
      %add3A_370 = arith.addi %mul3A_368, %add3A_369 : i32
      %get3A = arith.index_cast %add3A_370 : i32 to index
      %get3A_371 = tpu.vector_load %arg8[%get3A] {strides = array<i32>} : memref<5120xi32, #tpu.memory_space<vmem>>, vector<16xi32>,
      %get3A_372 = vector.shape_cast %get3A_371 : vector<16xi32> to vector<16xi32>
      %shift_left3A = arith.constant 16 : i32
      %shift_left3A_373 = vector.broadcast %shift_left3A : i32 to vector<16xi32>
      %shift_left3A_374 = arith.shli %get3A_372, %shift_left3A_373 : vector<16xi32>
      %bitcast_convert_type3A = tpu.bitcast %shift_left3A_374 : vector<16xi32> -> vector<16xf32>
      %and3A = arith.constant -65536 : i32
      %and3A_375 = vector.broadcast %and3A : i32 to vector<16xi32>
      %and3A_376 = arith.andi %get3A_372, %and3A_375 : vector<16xi32>
      %bitcast_convert_type3A_377 = tpu.bitcast %and3A_376 : vector<16xi32> -> vector<16xf32>
      %get3A_378 = arith.constant 0 : i32
      %get3A_379 = arith.index_cast %get3A_378 : i32 to index
      %get3A_380 = arith.index_cast %scan3A_366 : i32 to index
      %get3A_381 = arith.constant 0 : index
      %get3A_382 = tpu.vector_load %arg7[%get3A_379, %get3A_380, %get3A_381] {strides = array<i32>} : memref<3x80x128xf32, #tpu.memory_space<vmem>>, vector<1x1x16xf32>,
      %get3A_383 = vector.shape_cast %get3A_382 : vector<1x1x16xf32> to vector<16xf32>
      %add3A_384 = arith.addf %get3A_383, %bitcast_convert_type3A : vector<16xf32>
      %max3A = arith.constant 0.000000e+00 : f32
      %max3A_385 = vector.broadcast %max3A : f32 to vector<16xf32>
      %max3A_386 = arith.maximumf %add3A_384, %max3A_385 : vector<16xf32>
      %swap3A = arith.constant 0 : i32
      %swap3A_387 = arith.index_cast %swap3A : i32 to index
      %swap3A_388 = arith.index_cast %scan3A_366 : i32 to index
      %swap3A_389 = arith.constant 0 : index
      %swap3A_390 = tpu.vector_load %arg7[%swap3A_387, %swap3A_388, %swap3A_389] {strides = array<i32>} : memref<3x80x128xf32, #tpu.memory_space<vmem>>, vector<1x1x16xf32>,
      %swap3A_391 = vector.shape_cast %swap3A_390 : vector<1x1x16xf32> to vector<16xf32>
      %swap3A_392 = vector.shape_cast %max3A_386 : vector<16xf32> to vector<1x1x16xf32>
      tpu.vector_store %arg7[%swap3A_387, %swap3A_388, %swap3A_389], %swap3A_392 {strides = array<i32>} : memref<3x80x128xf32, #tpu.memory_space<vmem>>, vector<1x1x16xf32>,
      %get3A_393 = arith.constant 0 : i32
      %get3A_394 = arith.index_cast %get3A_393 : i32 to index
      %get3A_395 = arith.index_cast %scan3A_366 : i32 to index
      %get3A_396 = arith.constant 16 : index
      %get3A_397 = tpu.vector_load %arg7[%get3A_394, %get3A_395, %get3A_396] {strides = array<i32>} : memref<3x80x128xf32, #tpu.memory_space<vmem>>, vector<1x1x16xf32>,
      %get3A_398 = vector.shape_cast %get3A_397 : vector<1x1x16xf32> to vector<16xf32>
      %add3A_399 = arith.addf %get3A_398, %bitcast_convert_type3A_377 : vector<16xf32>
      %max3A_400 = arith.constant 0.000000e+00 : f32
      %max3A_401 = vector.broadcast %max3A_400 : f32 to vector<16xf32>
      %max3A_402 = arith.maximumf %add3A_399, %max3A_401 : vector<16xf32>
      %swap3A_403 = arith.constant 0 : i32
      %swap3A_404 = arith.index_cast %swap3A_403 : i32 to index
      %swap3A_405 = arith.index_cast %scan3A_366 : i32 to index
      %swap3A_406 = arith.constant 16 : index
      %swap3A_407 = tpu.vector_load %arg7[%swap3A_404, %swap3A_405, %swap3A_406] {strides = array<i32>} : memref<3x80x128xf32, #tpu.memory_space<vmem>>, vector<1x1x16xf32>,
      %swap3A_408 = vector.shape_cast %swap3A_407 : vector<1x1x16xf32> to vector<16xf32>
      %swap3A_409 = vector.shape_cast %max3A_402 : vector<16xf32> to vector<1x1x16xf32>
      tpu.vector_store %arg7[%swap3A_404, %swap3A_405, %swap3A_406], %swap3A_409 {strides = array<i32>} : memref<3x80x128xf32, #tpu.memory_space<vmem>>, vector<1x1x16xf32>,
      %add3A_410 = arith.constant 16 : i32
      %add3A_411 = arith.addi %mul3A_368, %add3A_410 : i32
      %get3A_412 = arith.index_cast %add3A_411 : i32 to index
      %get3A_413 = tpu.vector_load %arg8[%get3A_412] {strides = array<i32>} : memref<5120xi32, #tpu.memory_space<vmem>>, vector<16xi32>,
      %get3A_414 = vector.shape_cast %get3A_413 : vector<16xi32> to vector<16xi32>
      %shift_left3A_415 = arith.constant 16 : i32
      %shift_left3A_416 = vector.broadcast %shift_left3A_415 : i32 to vector<16xi32>
      %shift_left3A_417 = arith.shli %get3A_414, %shift_left3A_416 : vector<16xi32>
      %bitcast_convert_type3A_418 = tpu.bitcast %shift_left3A_417 : vector<16xi32> -> vector<16xf32>
      %and3A_419 = arith.constant -65536 : i32
      %and3A_420 = vector.broadcast %and3A_419 : i32 to vector<16xi32>
      %and3A_421 = arith.andi %get3A_414, %and3A_420 : vector<16xi32>
      %bitcast_convert_type3A_422 = tpu.bitcast %and3A_421 : vector<16xi32> -> vector<16xf32>
      %get3A_423 = arith.constant 0 : i32
      %get3A_424 = arith.index_cast %get3A_423 : i32 to index
      %get3A_425 = arith.index_cast %scan3A_366 : i32 to index
      %get3A_426 = arith.constant 32 : index
      %get3A_427 = tpu.vector_load %arg7[%get3A_424, %get3A_425, %get3A_426] {strides = array<i32>} : memref<3x80x128xf32, #tpu.memory_space<vmem>>, vector<1x1x16xf32>,
      %get3A_428 = vector.shape_cast %get3A_427 : vector<1x1x16xf32> to vector<16xf32>
      %add3A_429 = arith.addf %get3A_428, %bitcast_convert_type3A_418 : vector<16xf32>
      %max3A_430 = arith.constant 0.000000e+00 : f32
      %max3A_431 = vector.broadcast %max3A_430 : f32 to vector<16xf32>
      %max3A_432 = arith.maximumf %add3A_429, %max3A_431 : vector<16xf32>
      %swap3A_433 = arith.constant 0 : i32
      %swap3A_434 = arith.index_cast %swap3A_433 : i32 to index
      %swap3A_435 = arith.index_cast %scan3A_366 : i32 to index
      %swap3A_436 = arith.constant 32 : index
      %swap3A_437 = tpu.vector_load %arg7[%swap3A_434, %swap3A_435, %swap3A_436] {strides = array<i32>} : memref<3x80x128xf32, #tpu.memory_space<vmem>>, vector<1x1x16xf32>,
      %swap3A_438 = vector.shape_cast %swap3A_437 : vector<1x1x16xf32> to vector<16xf32>
      %swap3A_439 = vector.shape_cast %max3A_432 : vector<16xf32> to vector<1x1x16xf32>
      tpu.vector_store %arg7[%swap3A_434, %swap3A_435, %swap3A_436], %swap3A_439 {strides = array<i32>} : memref<3x80x128xf32, #tpu.memory_space<vmem>>, vector<1x1x16xf32>,
      %get3A_440 = arith.constant 0 : i32
      %get3A_441 = arith.index_cast %get3A_440 : i32 to index
      %get3A_442 = arith.index_cast %scan3A_366 : i32 to index
      %get3A_443 = arith.constant 48 : index
      %get3A_444 = tpu.vector_load %arg7[%get3A_441, %get3A_442, %get3A_443] {strides = array<i32>} : memref<3x80x128xf32, #tpu.memory_space<vmem>>, vector<1x1x16xf32>,
      %get3A_445 = vector.shape_cast %get3A_444 : vector<1x1x16xf32> to vector<16xf32>
      %add3A_446 = arith.addf %get3A_445, %bitcast_convert_type3A_422 : vector<16xf32>
      %max3A_447 = arith.constant 0.000000e+00 : f32
      %max3A_448 = vector.broadcast %max3A_447 : f32 to vector<16xf32>
      %max3A_449 = arith.maximumf %add3A_446, %max3A_448 : vector<16xf32>
      %swap3A_450 = arith.constant 0 : i32
      %swap3A_451 = arith.index_cast %swap3A_450 : i32 to index
      %swap3A_452 = arith.index_cast %scan3A_366 : i32 to index
      %swap3A_453 = arith.constant 48 : index
      %swap3A_454 = tpu.vector_load %arg7[%swap3A_451, %swap3A_452, %swap3A_453] {strides = array<i32>} : memref<3x80x128xf32, #tpu.memory_space<vmem>>, vector<1x1x16xf32>,
      %swap3A_455 = vector.shape_cast %swap3A_454 : vector<1x1x16xf32> to vector<16xf32>
      %swap3A_456 = vector.shape_cast %max3A_449 : vector<16xf32> to vector<1x1x16xf32>
      tpu.vector_store %arg7[%swap3A_451, %swap3A_452, %swap3A_453], %swap3A_456 {strides = array<i32>} : memref<3x80x128xf32, #tpu.memory_space<vmem>>, vector<1x1x16xf32>,
      %add3A_457 = arith.constant 32 : i32
      %add3A_458 = arith.addi %mul3A_368, %add3A_457 : i32
      %get3A_459 = arith.index_cast %add3A_458 : i32 to index
      %get3A_460 = tpu.vector_load %arg8[%get3A_459] {strides = array<i32>} : memref<5120xi32, #tpu.memory_space<vmem>>, vector<16xi32>,
      %get3A_461 = vector.shape_cast %get3A_460 : vector<16xi32> to vector<16xi32>
      %shift_left3A_462 = arith.constant 16 : i32
      %shift_left3A_463 = vector.broadcast %shift_left3A_462 : i32 to vector<16xi32>
      %shift_left3A_464 = arith.shli %get3A_461, %shift_left3A_463 : vector<16xi32>
      %bitcast_convert_type3A_465 = tpu.bitcast %shift_left3A_464 : vector<16xi32> -> vector<16xf32>
      %and3A_466 = arith.constant -65536 : i32
      %and3A_467 = vector.broadcast %and3A_466 : i32 to vector<16xi32>
      %and3A_468 = arith.andi %get3A_461, %and3A_467 : vector<16xi32>
      %bitcast_convert_type3A_469 = tpu.bitcast %and3A_468 : vector<16xi32> -> vector<16xf32>
      %get3A_470 = arith.constant 0 : i32
      %get3A_471 = arith.index_cast %get3A_470 : i32 to index
      %get3A_472 = arith.index_cast %scan3A_366 : i32 to index
      %get3A_473 = arith.constant 64 : index
      %get3A_474 = tpu.vector_load %arg7[%get3A_471, %get3A_472, %get3A_473] {strides = array<i32>} : memref<3x80x128xf32, #tpu.memory_space<vmem>>, vector<1x1x16xf32>,
      %get3A_475 = vector.shape_cast %get3A_474 : vector<1x1x16xf32> to vector<16xf32>
      %add3A_476 = arith.addf %get3A_475, %bitcast_convert_type3A_465 : vector<16xf32>
      %max3A_477 = arith.constant 0.000000e+00 : f32
      %max3A_478 = vector.broadcast %max3A_477 : f32 to vector<16xf32>
      %max3A_479 = arith.maximumf %add3A_476, %max3A_478 : vector<16xf32>
      %swap3A_480 = arith.constant 0 : i32
      %swap3A_481 = arith.index_cast %swap3A_480 : i32 to index
      %swap3A_482 = arith.index_cast %scan3A_366 : i32 to index
      %swap3A_483 = arith.constant 64 : index
      %swap3A_484 = tpu.vector_load %arg7[%swap3A_481, %swap3A_482, %swap3A_483] {strides = array<i32>} : memref<3x80x128xf32, #tpu.memory_space<vmem>>, vector<1x1x16xf32>,
      %swap3A_485 = vector.shape_cast %swap3A_484 : vector<1x1x16xf32> to vector<16xf32>
      %swap3A_486 = vector.shape_cast %max3A_479 : vector<16xf32> to vector<1x1x16xf32>
      tpu.vector_store %arg7[%swap3A_481, %swap3A_482, %swap3A_483], %swap3A_486 {strides = array<i32>} : memref<3x80x128xf32, #tpu.memory_space<vmem>>, vector<1x1x16xf32>,
      %get3A_487 = arith.constant 0 : i32
      %get3A_488 = arith.index_cast %get3A_487 : i32 to index
      %get3A_489 = arith.index_cast %scan3A_366 : i32 to index
      %get3A_490 = arith.constant 80 : index
      %get3A_491 = tpu.vector_load %arg7[%get3A_488, %get3A_489, %get3A_490] {strides = array<i32>} : memref<3x80x128xf32, #tpu.memory_space<vmem>>, vector<1x1x16xf32>,
      %get3A_492 = vector.shape_cast %get3A_491 : vector<1x1x16xf32> to vector<16xf32>
      %add3A_493 = arith.addf %get3A_492, %bitcast_convert_type3A_469 : vector<16xf32>
      %max3A_494 = arith.constant 0.000000e+00 : f32
      %max3A_495 = vector.broadcast %max3A_494 : f32 to vector<16xf32>
      %max3A_496 = arith.maximumf %add3A_493, %max3A_495 : vector<16xf32>
      %swap3A_497 = arith.constant 0 : i32
      %swap3A_498 = arith.index_cast %swap3A_497 : i32 to index
      %swap3A_499 = arith.index_cast %scan3A_366 : i32 to index
      %swap3A_500 = arith.constant 80 : index
      %swap3A_501 = tpu.vector_load %arg7[%swap3A_498, %swap3A_499, %swap3A_500] {strides = array<i32>} : memref<3x80x128xf32, #tpu.memory_space<vmem>>, vector<1x1x16xf32>,
      %swap3A_502 = vector.shape_cast %swap3A_501 : vector<1x1x16xf32> to vector<16xf32>
      %swap3A_503 = vector.shape_cast %max3A_496 : vector<16xf32> to vector<1x1x16xf32>
      tpu.vector_store %arg7[%swap3A_498, %swap3A_499, %swap3A_500], %swap3A_503 {strides = array<i32>} : memref<3x80x128xf32, #tpu.memory_space<vmem>>, vector<1x1x16xf32>,
      %add3A_504 = arith.constant 48 : i32
      %add3A_505 = arith.addi %mul3A_368, %add3A_504 : i32
      %get3A_506 = arith.index_cast %add3A_505 : i32 to index
      %get3A_507 = tpu.vector_load %arg8[%get3A_506] {strides = array<i32>} : memref<5120xi32, #tpu.memory_space<vmem>>, vector<16xi32>,
      %get3A_508 = vector.shape_cast %get3A_507 : vector<16xi32> to vector<16xi32>
      %shift_left3A_509 = arith.constant 16 : i32
      %shift_left3A_510 = vector.broadcast %shift_left3A_509 : i32 to vector<16xi32>
      %shift_left3A_511 = arith.shli %get3A_508, %shift_left3A_510 : vector<16xi32>
      %bitcast_convert_type3A_512 = tpu.bitcast %shift_left3A_511 : vector<16xi32> -> vector<16xf32>
      %and3A_513 = arith.constant -65536 : i32
      %and3A_514 = vector.broadcast %and3A_513 : i32 to vector<16xi32>
      %and3A_515 = arith.andi %get3A_508, %and3A_514 : vector<16xi32>
      %bitcast_convert_type3A_516 = tpu.bitcast %and3A_515 : vector<16xi32> -> vector<16xf32>
      %get3A_517 = arith.constant 0 : i32
      %get3A_518 = arith.index_cast %get3A_517 : i32 to index
      %get3A_519 = arith.index_cast %scan3A_366 : i32 to index
      %get3A_520 = arith.constant 96 : index
      %get3A_521 = tpu.vector_load %arg7[%get3A_518, %get3A_519, %get3A_520] {strides = array<i32>} : memref<3x80x128xf32, #tpu.memory_space<vmem>>, vector<1x1x16xf32>,
      %get3A_522 = vector.shape_cast %get3A_521 : vector<1x1x16xf32> to vector<16xf32>
      %add3A_523 = arith.addf %get3A_522, %bitcast_convert_type3A_512 : vector<16xf32>
      %max3A_524 = arith.constant 0.000000e+00 : f32
      %max3A_525 = vector.broadcast %max3A_524 : f32 to vector<16xf32>
      %max3A_526 = arith.maximumf %add3A_523, %max3A_525 : vector<16xf32>
      %swap3A_527 = arith.constant 0 : i32
      %swap3A_528 = arith.index_cast %swap3A_527 : i32 to index
      %swap3A_529 = arith.index_cast %scan3A_366 : i32 to index
      %swap3A_530 = arith.constant 96 : index
      %swap3A_531 = tpu.vector_load %arg7[%swap3A_528, %swap3A_529, %swap3A_530] {strides = array<i32>} : memref<3x80x128xf32, #tpu.memory_space<vmem>>, vector<1x1x16xf32>,
      %swap3A_532 = vector.shape_cast %swap3A_531 : vector<1x1x16xf32> to vector<16xf32>
      %swap3A_533 = vector.shape_cast %max3A_526 : vector<16xf32> to vector<1x1x16xf32>
      tpu.vector_store %arg7[%swap3A_528, %swap3A_529, %swap3A_530], %swap3A_533 {strides = array<i32>} : memref<3x80x128xf32, #tpu.memory_space<vmem>>, vector<1x1x16xf32>,
      %get3A_534 = arith.constant 0 : i32
      %get3A_535 = arith.index_cast %get3A_534 : i32 to index
      %get3A_536 = arith.index_cast %scan3A_366 : i32 to index
      %get3A_537 = arith.constant 112 : index
      %get3A_538 = tpu.vector_load %arg7[%get3A_535, %get3A_536, %get3A_537] {strides = array<i32>} : memref<3x80x128xf32, #tpu.memory_space<vmem>>, vector<1x1x16xf32>,
      %get3A_539 = vector.shape_cast %get3A_538 : vector<1x1x16xf32> to vector<16xf32>
      %add3A_540 = arith.addf %get3A_539, %bitcast_convert_type3A_516 : vector<16xf32>
      %max3A_541 = arith.constant 0.000000e+00 : f32
      %max3A_542 = vector.broadcast %max3A_541 : f32 to vector<16xf32>
      %max3A_543 = arith.maximumf %add3A_540, %max3A_542 : vector<16xf32>
      %swap3A_544 = arith.constant 0 : i32
      %swap3A_545 = arith.index_cast %swap3A_544 : i32 to index
      %swap3A_546 = arith.index_cast %scan3A_366 : i32 to index
      %swap3A_547 = arith.constant 112 : index
      %swap3A_548 = tpu.vector_load %arg7[%swap3A_545, %swap3A_546, %swap3A_547] {strides = array<i32>} : memref<3x80x128xf32, #tpu.memory_space<vmem>>, vector<1x1x16xf32>,
      %swap3A_549 = vector.shape_cast %swap3A_548 : vector<1x1x16xf32> to vector<16xf32>
      %swap3A_550 = vector.shape_cast %max3A_543 : vector<16xf32> to vector<1x1x16xf32>
      tpu.vector_store %arg7[%swap3A_545, %swap3A_546, %swap3A_547], %swap3A_550 {strides = array<i32>} : memref<3x80x128xf32, #tpu.memory_space<vmem>>, vector<1x1x16xf32>,
    }
    %scan3A_248 = arith.constant 80 : i32
    %run_scoped3A = arith.constant 0 : i32
    %run_scoped3A_249 = arith.constant 0 : i32
    %run_scoped3A_250 = arith.constant 1 : i32
    "tpu.region"() ({
      %run_scoped3A_366 = tpu.sem_alloc : memref<!tpu.dma_semaphore, #tpu.memory_space<semaphore_mem>>
      %dma_start3A_367 = arith.constant 0 : i32
      %dma_start3A_368 = arith.constant 0 : i32
      %dma_start3A_369 = tpu.memref_slice %arg7[%run_scoped3A, %dma_start3A_367, %dma_start3A_368] : memref<3x80x128xf32, #tpu.memory_space<vmem>> -> memref<1x80x128xf32, #tpu.memory_space<vmem>>
      %dma_start3A_370 = tpu.memref_squeeze %dma_start3A_369 : memref<1x80x128xf32, #tpu.memory_space<vmem>> -> memref<80x128xf32, #tpu.memory_space<vmem>>
      %dma_start3A_371 = arith.constant 0 : i32
      %dma_start3A_372 = tpu.memref_slice %arg6[%run_scoped3A_249, %run_scoped3A_250, %dma_start3A_371] : memref<3x2x80xi32, #tpu.memory_space<vmem>> -> memref<1x1x80xi32, #tpu.memory_space<vmem>>
      %dma_start3A_373 = tpu.memref_squeeze %dma_start3A_372 : memref<1x1x80xi32, #tpu.memory_space<vmem>> -> memref<80xi32, #tpu.memory_space<vmem>>
      %dma_start3A_374 = arith.constant 0 : i32
      %dma_start3A_375 = arith.constant 0 : i32
      %dma_start3A_376 = tpu.memref_slice %arg11[%dma_start3A_374, %dma_start3A_375] : memref<10000x128xf32, #tpu.memory_space<vmem_shared>> -> memref<10000x128xf32, #tpu.memory_space<vmem_shared>>
      tpu.enqueue_indirect_dma source(%dma_start3A_370 : memref<80x128xf32, #tpu.memory_space<vmem>>) target(%dma_start3A_376 : memref<10000x128xf32, #tpu.memory_space<vmem_shared>>) offsets(%dma_start3A_373 : memref<80xi32, #tpu.memory_space<vmem>>) semaphore(%run_scoped3A_366 : memref<!tpu.dma_semaphore, #tpu.memory_space<semaphore_mem>>) {add = true}
      %dma_wait3A_377 = arith.constant 0 : i32
      %dma_wait3A_378 = arith.constant 0 : i32
      %dma_wait3A_379 = tpu.memref_slice %arg7[%run_scoped3A, %dma_wait3A_377, %dma_wait3A_378] : memref<3x80x128xf32, #tpu.memory_space<vmem>> -> memref<1x80x128xf32, #tpu.memory_space<vmem>>
      %dma_wait3A_380 = tpu.memref_squeeze %dma_wait3A_379 : memref<1x80x128xf32, #tpu.memory_space<vmem>> -> memref<80x128xf32, #tpu.memory_space<vmem>>
      %dma_wait3A_381 = arith.constant 0 : i32
      %dma_wait3A_382 = tpu.memref_slice %arg6[%run_scoped3A_249, %run_scoped3A_250, %dma_wait3A_381] : memref<3x2x80xi32, #tpu.memory_space<vmem>> -> memref<1x1x80xi32, #tpu.memory_space<vmem>>
      %dma_wait3A_383 = tpu.memref_squeeze %dma_wait3A_382 : memref<1x1x80xi32, #tpu.memory_space<vmem>> -> memref<80xi32, #tpu.memory_space<vmem>>
      %dma_wait3A_384 = arith.constant 0 : i32
      %dma_wait3A_385 = arith.constant 0 : i32
      %dma_wait3A_386 = tpu.memref_slice %arg11[%dma_wait3A_384, %dma_wait3A_385] : memref<10000x128xf32, #tpu.memory_space<vmem_shared>> -> memref<10000x128xf32, #tpu.memory_space<vmem_shared>>
      tpu.wait_indirect_dma semaphore(%run_scoped3A_366 : memref<!tpu.dma_semaphore, #tpu.memory_space<semaphore_mem>>) src(%dma_wait3A_380 : memref<80x128xf32, #tpu.memory_space<vmem>>) dst(%dma_wait3A_386 : memref<10000x128xf32, #tpu.memory_space<vmem_shared>>)
      tpu.yield
    }) : () -> ()
    %dma_wait3A_251 = arith.constant 1 : i32
    %dma_wait3A_252 = arith.constant 0 : i32
    %dma_wait3A_253 = arith.constant 1 : i32
    %dma_wait3A_254 = arith.constant 0 : i32
    %dma_wait3A_255 = arith.constant 0 : i32
    %dma_wait3A_256 = tpu.memref_slice %arg7[%dma_wait3A_253, %dma_wait3A_254, %dma_wait3A_255] : memref<3x80x128xf32, #tpu.memory_space<vmem>> -> memref<1x80x128xf32, #tpu.memory_space<vmem>>
    %dma_wait3A_257 = tpu.memref_squeeze %dma_wait3A_256 : memref<1x80x128xf32, #tpu.memory_space<vmem>> -> memref<80x128xf32, #tpu.memory_space<vmem>>
    %dma_wait3A_258 = arith.constant 0 : i32
    %dma_wait3A_259 = tpu.memref_slice %arg6[%dma_wait3A_251, %dma_wait3A_252, %dma_wait3A_258] : memref<3x2x80xi32, #tpu.memory_space<vmem>> -> memref<1x1x80xi32, #tpu.memory_space<vmem>>
    %dma_wait3A_260 = tpu.memref_squeeze %dma_wait3A_259 : memref<1x1x80xi32, #tpu.memory_space<vmem>> -> memref<80xi32, #tpu.memory_space<vmem>>
    %dma_wait3A_261 = arith.constant 0 : i32
    %dma_wait3A_262 = arith.constant 0 : i32
    %dma_wait3A_263 = tpu.memref_slice %arg4[%dma_wait3A_261, %dma_wait3A_262] : memref<10000x128xf32, #tpu.memory_space<hbm>> -> memref<10000x128xf32, #tpu.memory_space<hbm>>
    tpu.wait_indirect_dma semaphore(%arg16 : memref<!tpu.dma_semaphore, #tpu.memory_space<semaphore_mem>>) src(%dma_wait3A_263 : memref<10000x128xf32, #tpu.memory_space<hbm>>) dst(%dma_wait3A_257 : memref<80x128xf32, #tpu.memory_space<vmem>>)
    %dma_wait3A_264 = arith.constant 0 : i32
    %dma_wait3A_265 = tpu.memref_slice %arg3[%dma_wait3A_264] : memref<20480000xi32, #tpu.memory_space<hbm>> -> memref<5120xi32, #tpu.memory_space<hbm>>
    %dma_wait3A_266 = arith.constant 0 : i32
    %dma_wait3A_267 = tpu.memref_slice %arg3[%dma_wait3A_266] : memref<20480000xi32, #tpu.memory_space<hbm>> -> memref<5120xi32, #tpu.memory_space<hbm>>
    tpu.wait_dma2 semaphore(%arg19 : memref<!tpu.dma_semaphore, #tpu.memory_space<semaphore_mem>>) src(%dma_wait3A_267 : memref<5120xi32, #tpu.memory_space<hbm>>) dst(%arg9 : memref<5120xi32, #tpu.memory_space<vmem>>)
    %scan3A_268 = arith.constant 0 : i32
    %scan3A_269 = arith.constant 0 : i32
    %scan3A_270 = arith.constant 80 : i32
    %scan3A_271 = arith.addi %scan3A_269, %scan3A_270 : i32
    %scan3A_272 = arith.constant 1 : i32
    scf.for %scan3A_366 = %scan3A_269 to %scan3A_271 step %scan3A_272  : i32 {
      %mul3A_367 = arith.constant 64 : i32
      %mul3A_368 = arith.muli %scan3A_366, %mul3A_367 : i32
      %add3A_369 = arith.constant 0 : i32
      %add3A_370 = arith.addi %mul3A_368, %add3A_369 : i32
      %get3A = arith.index_cast %add3A_370 : i32 to index
      %get3A_371 = tpu.vector_load %arg9[%get3A] {strides = array<i32>} : memref<5120xi32, #tpu.memory_space<vmem>>, vector<16xi32>,
      %get3A_372 = vector.shape_cast %get3A_371 : vector<16xi32> to vector<16xi32>
      %shift_left3A = arith.constant 16 : i32
      %shift_left3A_373 = vector.broadcast %shift_left3A : i32 to vector<16xi32>
      %shift_left3A_374 = arith.shli %get3A_372, %shift_left3A_373 : vector<16xi32>
      %bitcast_convert_type3A = tpu.bitcast %shift_left3A_374 : vector<16xi32> -> vector<16xf32>
      %and3A = arith.constant -65536 : i32
      %and3A_375 = vector.broadcast %and3A : i32 to vector<16xi32>
      %and3A_376 = arith.andi %get3A_372, %and3A_375 : vector<16xi32>
      %bitcast_convert_type3A_377 = tpu.bitcast %and3A_376 : vector<16xi32> -> vector<16xf32>
      %get3A_378 = arith.constant 1 : i32
      %get3A_379 = arith.index_cast %get3A_378 : i32 to index
      %get3A_380 = arith.index_cast %scan3A_366 : i32 to index
      %get3A_381 = arith.constant 0 : index
      %get3A_382 = tpu.vector_load %arg7[%get3A_379, %get3A_380, %get3A_381] {strides = array<i32>} : memref<3x80x128xf32, #tpu.memory_space<vmem>>, vector<1x1x16xf32>,
      %get3A_383 = vector.shape_cast %get3A_382 : vector<1x1x16xf32> to vector<16xf32>
      %add3A_384 = arith.addf %get3A_383, %bitcast_convert_type3A : vector<16xf32>
      %max3A = arith.constant 0.000000e+00 : f32
      %max3A_385 = vector.broadcast %max3A : f32 to vector<16xf32>
      %max3A_386 = arith.maximumf %add3A_384, %max3A_385 : vector<16xf32>
      %swap3A = arith.constant 1 : i32
      %swap3A_387 = arith.index_cast %swap3A : i32 to index
      %swap3A_388 = arith.index_cast %scan3A_366 : i32 to index
      %swap3A_389 = arith.constant 0 : index
      %swap3A_390 = tpu.vector_load %arg7[%swap3A_387, %swap3A_388, %swap3A_389] {strides = array<i32>} : memref<3x80x128xf32, #tpu.memory_space<vmem>>, vector<1x1x16xf32>,
      %swap3A_391 = vector.shape_cast %swap3A_390 : vector<1x1x16xf32> to vector<16xf32>
      %swap3A_392 = vector.shape_cast %max3A_386 : vector<16xf32> to vector<1x1x16xf32>
      tpu.vector_store %arg7[%swap3A_387, %swap3A_388, %swap3A_389], %swap3A_392 {strides = array<i32>} : memref<3x80x128xf32, #tpu.memory_space<vmem>>, vector<1x1x16xf32>,
      %get3A_393 = arith.constant 1 : i32
      %get3A_394 = arith.index_cast %get3A_393 : i32 to index
      %get3A_395 = arith.index_cast %scan3A_366 : i32 to index
      %get3A_396 = arith.constant 16 : index
      %get3A_397 = tpu.vector_load %arg7[%get3A_394, %get3A_395, %get3A_396] {strides = array<i32>} : memref<3x80x128xf32, #tpu.memory_space<vmem>>, vector<1x1x16xf32>,
      %get3A_398 = vector.shape_cast %get3A_397 : vector<1x1x16xf32> to vector<16xf32>
      %add3A_399 = arith.addf %get3A_398, %bitcast_convert_type3A_377 : vector<16xf32>
      %max3A_400 = arith.constant 0.000000e+00 : f32
      %max3A_401 = vector.broadcast %max3A_400 : f32 to vector<16xf32>
      %max3A_402 = arith.maximumf %add3A_399, %max3A_401 : vector<16xf32>
      %swap3A_403 = arith.constant 1 : i32
      %swap3A_404 = arith.index_cast %swap3A_403 : i32 to index
      %swap3A_405 = arith.index_cast %scan3A_366 : i32 to index
      %swap3A_406 = arith.constant 16 : index
      %swap3A_407 = tpu.vector_load %arg7[%swap3A_404, %swap3A_405, %swap3A_406] {strides = array<i32>} : memref<3x80x128xf32, #tpu.memory_space<vmem>>, vector<1x1x16xf32>,
      %swap3A_408 = vector.shape_cast %swap3A_407 : vector<1x1x16xf32> to vector<16xf32>
      %swap3A_409 = vector.shape_cast %max3A_402 : vector<16xf32> to vector<1x1x16xf32>
      tpu.vector_store %arg7[%swap3A_404, %swap3A_405, %swap3A_406], %swap3A_409 {strides = array<i32>} : memref<3x80x128xf32, #tpu.memory_space<vmem>>, vector<1x1x16xf32>,
      %add3A_410 = arith.constant 16 : i32
      %add3A_411 = arith.addi %mul3A_368, %add3A_410 : i32
      %get3A_412 = arith.index_cast %add3A_411 : i32 to index
      %get3A_413 = tpu.vector_load %arg9[%get3A_412] {strides = array<i32>} : memref<5120xi32, #tpu.memory_space<vmem>>, vector<16xi32>,
      %get3A_414 = vector.shape_cast %get3A_413 : vector<16xi32> to vector<16xi32>
      %shift_left3A_415 = arith.constant 16 : i32
      %shift_left3A_416 = vector.broadcast %shift_left3A_415 : i32 to vector<16xi32>
      %shift_left3A_417 = arith.shli %get3A_414, %shift_left3A_416 : vector<16xi32>
      %bitcast_convert_type3A_418 = tpu.bitcast %shift_left3A_417 : vector<16xi32> -> vector<16xf32>
      %and3A_419 = arith.constant -65536 : i32
      %and3A_420 = vector.broadcast %and3A_419 : i32 to vector<16xi32>
      %and3A_421 = arith.andi %get3A_414, %and3A_420 : vector<16xi32>
      %bitcast_convert_type3A_422 = tpu.bitcast %and3A_421 : vector<16xi32> -> vector<16xf32>
      %get3A_423 = arith.constant 1 : i32
      %get3A_424 = arith.index_cast %get3A_423 : i32 to index
      %get3A_425 = arith.index_cast %scan3A_366 : i32 to index
      %get3A_426 = arith.constant 32 : index
      %get3A_427 = tpu.vector_load %arg7[%get3A_424, %get3A_425, %get3A_426] {strides = array<i32>} : memref<3x80x128xf32, #tpu.memory_space<vmem>>, vector<1x1x16xf32>,
      %get3A_428 = vector.shape_cast %get3A_427 : vector<1x1x16xf32> to vector<16xf32>
      %add3A_429 = arith.addf %get3A_428, %bitcast_convert_type3A_418 : vector<16xf32>
      %max3A_430 = arith.constant 0.000000e+00 : f32
      %max3A_431 = vector.broadcast %max3A_430 : f32 to vector<16xf32>
      %max3A_432 = arith.maximumf %add3A_429, %max3A_431 : vector<16xf32>
      %swap3A_433 = arith.constant 1 : i32
      %swap3A_434 = arith.index_cast %swap3A_433 : i32 to index
      %swap3A_435 = arith.index_cast %scan3A_366 : i32 to index
      %swap3A_436 = arith.constant 32 : index
      %swap3A_437 = tpu.vector_load %arg7[%swap3A_434, %swap3A_435, %swap3A_436] {strides = array<i32>} : memref<3x80x128xf32, #tpu.memory_space<vmem>>, vector<1x1x16xf32>,
      %swap3A_438 = vector.shape_cast %swap3A_437 : vector<1x1x16xf32> to vector<16xf32>
      %swap3A_439 = vector.shape_cast %max3A_432 : vector<16xf32> to vector<1x1x16xf32>
      tpu.vector_store %arg7[%swap3A_434, %swap3A_435, %swap3A_436], %swap3A_439 {strides = array<i32>} : memref<3x80x128xf32, #tpu.memory_space<vmem>>, vector<1x1x16xf32>,
      %get3A_440 = arith.constant 1 : i32
      %get3A_441 = arith.index_cast %get3A_440 : i32 to index
      %get3A_442 = arith.index_cast %scan3A_366 : i32 to index
      %get3A_443 = arith.constant 48 : index
      %get3A_444 = tpu.vector_load %arg7[%get3A_441, %get3A_442, %get3A_443] {strides = array<i32>} : memref<3x80x128xf32, #tpu.memory_space<vmem>>, vector<1x1x16xf32>,
      %get3A_445 = vector.shape_cast %get3A_444 : vector<1x1x16xf32> to vector<16xf32>
      %add3A_446 = arith.addf %get3A_445, %bitcast_convert_type3A_422 : vector<16xf32>
      %max3A_447 = arith.constant 0.000000e+00 : f32
      %max3A_448 = vector.broadcast %max3A_447 : f32 to vector<16xf32>
      %max3A_449 = arith.maximumf %add3A_446, %max3A_448 : vector<16xf32>
      %swap3A_450 = arith.constant 1 : i32
      %swap3A_451 = arith.index_cast %swap3A_450 : i32 to index
      %swap3A_452 = arith.index_cast %scan3A_366 : i32 to index
      %swap3A_453 = arith.constant 48 : index
      %swap3A_454 = tpu.vector_load %arg7[%swap3A_451, %swap3A_452, %swap3A_453] {strides = array<i32>} : memref<3x80x128xf32, #tpu.memory_space<vmem>>, vector<1x1x16xf32>,
      %swap3A_455 = vector.shape_cast %swap3A_454 : vector<1x1x16xf32> to vector<16xf32>
      %swap3A_456 = vector.shape_cast %max3A_449 : vector<16xf32> to vector<1x1x16xf32>
      tpu.vector_store %arg7[%swap3A_451, %swap3A_452, %swap3A_453], %swap3A_456 {strides = array<i32>} : memref<3x80x128xf32, #tpu.memory_space<vmem>>, vector<1x1x16xf32>,
      %add3A_457 = arith.constant 32 : i32
      %add3A_458 = arith.addi %mul3A_368, %add3A_457 : i32
      %get3A_459 = arith.index_cast %add3A_458 : i32 to index
      %get3A_460 = tpu.vector_load %arg9[%get3A_459] {strides = array<i32>} : memref<5120xi32, #tpu.memory_space<vmem>>, vector<16xi32>,
      %get3A_461 = vector.shape_cast %get3A_460 : vector<16xi32> to vector<16xi32>
      %shift_left3A_462 = arith.constant 16 : i32
      %shift_left3A_463 = vector.broadcast %shift_left3A_462 : i32 to vector<16xi32>
      %shift_left3A_464 = arith.shli %get3A_461, %shift_left3A_463 : vector<16xi32>
      %bitcast_convert_type3A_465 = tpu.bitcast %shift_left3A_464 : vector<16xi32> -> vector<16xf32>
      %and3A_466 = arith.constant -65536 : i32
      %and3A_467 = vector.broadcast %and3A_466 : i32 to vector<16xi32>
      %and3A_468 = arith.andi %get3A_461, %and3A_467 : vector<16xi32>
      %bitcast_convert_type3A_469 = tpu.bitcast %and3A_468 : vector<16xi32> -> vector<16xf32>
      %get3A_470 = arith.constant 1 : i32
      %get3A_471 = arith.index_cast %get3A_470 : i32 to index
      %get3A_472 = arith.index_cast %scan3A_366 : i32 to index
      %get3A_473 = arith.constant 64 : index
      %get3A_474 = tpu.vector_load %arg7[%get3A_471, %get3A_472, %get3A_473] {strides = array<i32>} : memref<3x80x128xf32, #tpu.memory_space<vmem>>, vector<1x1x16xf32>,
      %get3A_475 = vector.shape_cast %get3A_474 : vector<1x1x16xf32> to vector<16xf32>
      %add3A_476 = arith.addf %get3A_475, %bitcast_convert_type3A_465 : vector<16xf32>
      %max3A_477 = arith.constant 0.000000e+00 : f32
      %max3A_478 = vector.broadcast %max3A_477 : f32 to vector<16xf32>
      %max3A_479 = arith.maximumf %add3A_476, %max3A_478 : vector<16xf32>
      %swap3A_480 = arith.constant 1 : i32
      %swap3A_481 = arith.index_cast %swap3A_480 : i32 to index
      %swap3A_482 = arith.index_cast %scan3A_366 : i32 to index
      %swap3A_483 = arith.constant 64 : index
      %swap3A_484 = tpu.vector_load %arg7[%swap3A_481, %swap3A_482, %swap3A_483] {strides = array<i32>} : memref<3x80x128xf32, #tpu.memory_space<vmem>>, vector<1x1x16xf32>,
      %swap3A_485 = vector.shape_cast %swap3A_484 : vector<1x1x16xf32> to vector<16xf32>
      %swap3A_486 = vector.shape_cast %max3A_479 : vector<16xf32> to vector<1x1x16xf32>
      tpu.vector_store %arg7[%swap3A_481, %swap3A_482, %swap3A_483], %swap3A_486 {strides = array<i32>} : memref<3x80x128xf32, #tpu.memory_space<vmem>>, vector<1x1x16xf32>,
      %get3A_487 = arith.constant 1 : i32
      %get3A_488 = arith.index_cast %get3A_487 : i32 to index
      %get3A_489 = arith.index_cast %scan3A_366 : i32 to index
      %get3A_490 = arith.constant 80 : index
      %get3A_491 = tpu.vector_load %arg7[%get3A_488, %get3A_489, %get3A_490] {strides = array<i32>} : memref<3x80x128xf32, #tpu.memory_space<vmem>>, vector<1x1x16xf32>,
      %get3A_492 = vector.shape_cast %get3A_491 : vector<1x1x16xf32> to vector<16xf32>
      %add3A_493 = arith.addf %get3A_492, %bitcast_convert_type3A_469 : vector<16xf32>
      %max3A_494 = arith.constant 0.000000e+00 : f32
      %max3A_495 = vector.broadcast %max3A_494 : f32 to vector<16xf32>
      %max3A_496 = arith.maximumf %add3A_493, %max3A_495 : vector<16xf32>
      %swap3A_497 = arith.constant 1 : i32
      %swap3A_498 = arith.index_cast %swap3A_497 : i32 to index
      %swap3A_499 = arith.index_cast %scan3A_366 : i32 to index
      %swap3A_500 = arith.constant 80 : index
      %swap3A_501 = tpu.vector_load %arg7[%swap3A_498, %swap3A_499, %swap3A_500] {strides = array<i32>} : memref<3x80x128xf32, #tpu.memory_space<vmem>>, vector<1x1x16xf32>,
      %swap3A_502 = vector.shape_cast %swap3A_501 : vector<1x1x16xf32> to vector<16xf32>
      %swap3A_503 = vector.shape_cast %max3A_496 : vector<16xf32> to vector<1x1x16xf32>
      tpu.vector_store %arg7[%swap3A_498, %swap3A_499, %swap3A_500], %swap3A_503 {strides = array<i32>} : memref<3x80x128xf32, #tpu.memory_space<vmem>>, vector<1x1x16xf32>,
      %add3A_504 = arith.constant 48 : i32
      %add3A_505 = arith.addi %mul3A_368, %add3A_504 : i32
      %get3A_506 = arith.index_cast %add3A_505 : i32 to index
      %get3A_507 = tpu.vector_load %arg9[%get3A_506] {strides = array<i32>} : memref<5120xi32, #tpu.memory_space<vmem>>, vector<16xi32>,
      %get3A_508 = vector.shape_cast %get3A_507 : vector<16xi32> to vector<16xi32>
      %shift_left3A_509 = arith.constant 16 : i32
      %shift_left3A_510 = vector.broadcast %shift_left3A_509 : i32 to vector<16xi32>
      %shift_left3A_511 = arith.shli %get3A_508, %shift_left3A_510 : vector<16xi32>
      %bitcast_convert_type3A_512 = tpu.bitcast %shift_left3A_511 : vector<16xi32> -> vector<16xf32>
      %and3A_513 = arith.constant -65536 : i32
      %and3A_514 = vector.broadcast %and3A_513 : i32 to vector<16xi32>
      %and3A_515 = arith.andi %get3A_508, %and3A_514 : vector<16xi32>
      %bitcast_convert_type3A_516 = tpu.bitcast %and3A_515 : vector<16xi32> -> vector<16xf32>
      %get3A_517 = arith.constant 1 : i32
      %get3A_518 = arith.index_cast %get3A_517 : i32 to index
      %get3A_519 = arith.index_cast %scan3A_366 : i32 to index
      %get3A_520 = arith.constant 96 : index
      %get3A_521 = tpu.vector_load %arg7[%get3A_518, %get3A_519, %get3A_520] {strides = array<i32>} : memref<3x80x128xf32, #tpu.memory_space<vmem>>, vector<1x1x16xf32>,
      %get3A_522 = vector.shape_cast %get3A_521 : vector<1x1x16xf32> to vector<16xf32>
      %add3A_523 = arith.addf %get3A_522, %bitcast_convert_type3A_512 : vector<16xf32>
      %max3A_524 = arith.constant 0.000000e+00 : f32
      %max3A_525 = vector.broadcast %max3A_524 : f32 to vector<16xf32>
      %max3A_526 = arith.maximumf %add3A_523, %max3A_525 : vector<16xf32>
      %swap3A_527 = arith.constant 1 : i32
      %swap3A_528 = arith.index_cast %swap3A_527 : i32 to index
      %swap3A_529 = arith.index_cast %scan3A_366 : i32 to index
      %swap3A_530 = arith.constant 96 : index
      %swap3A_531 = tpu.vector_load %arg7[%swap3A_528, %swap3A_529, %swap3A_530] {strides = array<i32>} : memref<3x80x128xf32, #tpu.memory_space<vmem>>, vector<1x1x16xf32>,
      %swap3A_532 = vector.shape_cast %swap3A_531 : vector<1x1x16xf32> to vector<16xf32>
      %swap3A_533 = vector.shape_cast %max3A_526 : vector<16xf32> to vector<1x1x16xf32>
      tpu.vector_store %arg7[%swap3A_528, %swap3A_529, %swap3A_530], %swap3A_533 {strides = array<i32>} : memref<3x80x128xf32, #tpu.memory_space<vmem>>, vector<1x1x16xf32>,
      %get3A_534 = arith.constant 1 : i32
      %get3A_535 = arith.index_cast %get3A_534 : i32 to index
      %get3A_536 = arith.index_cast %scan3A_366 : i32 to index
      %get3A_537 = arith.constant 112 : index
      %get3A_538 = tpu.vector_load %arg7[%get3A_535, %get3A_536, %get3A_537] {strides = array<i32>} : memref<3x80x128xf32, #tpu.memory_space<vmem>>, vector<1x1x16xf32>,
      %get3A_539 = vector.shape_cast %get3A_538 : vector<1x1x16xf32> to vector<16xf32>
      %add3A_540 = arith.addf %get3A_539, %bitcast_convert_type3A_516 : vector<16xf32>
      %max3A_541 = arith.constant 0.000000e+00 : f32
      %max3A_542 = vector.broadcast %max3A_541 : f32 to vector<16xf32>
      %max3A_543 = arith.maximumf %add3A_540, %max3A_542 : vector<16xf32>
      %swap3A_544 = arith.constant 1 : i32
      %swap3A_545 = arith.index_cast %swap3A_544 : i32 to index
      %swap3A_546 = arith.index_cast %scan3A_366 : i32 to index
      %swap3A_547 = arith.constant 112 : index
      %swap3A_548 = tpu.vector_load %arg7[%swap3A_545, %swap3A_546, %swap3A_547] {strides = array<i32>} : memref<3x80x128xf32, #tpu.memory_space<vmem>>, vector<1x1x16xf32>,
      %swap3A_549 = vector.shape_cast %swap3A_548 : vector<1x1x16xf32> to vector<16xf32>
      %swap3A_550 = vector.shape_cast %max3A_543 : vector<16xf32> to vector<1x1x16xf32>
      tpu.vector_store %arg7[%swap3A_545, %swap3A_546, %swap3A_547], %swap3A_550 {strides = array<i32>} : memref<3x80x128xf32, #tpu.memory_space<vmem>>, vector<1x1x16xf32>,
    }
    %scan3A_273 = arith.constant 80 : i32
    %run_scoped3A_274 = arith.constant 1 : i32
    %run_scoped3A_275 = arith.constant 1 : i32
    %run_scoped3A_276 = arith.constant 1 : i32
    "tpu.region"() ({
      %run_scoped3A_366 = tpu.sem_alloc : memref<!tpu.dma_semaphore, #tpu.memory_space<semaphore_mem>>
      %dma_start3A_367 = arith.constant 0 : i32
      %dma_start3A_368 = arith.constant 0 : i32
      %dma_start3A_369 = tpu.memref_slice %arg7[%run_scoped3A_274, %dma_start3A_367, %dma_start3A_368] : memref<3x80x128xf32, #tpu.memory_space<vmem>> -> memref<1x80x128xf32, #tpu.memory_space<vmem>>
      %dma_start3A_370 = tpu.memref_squeeze %dma_start3A_369 : memref<1x80x128xf32, #tpu.memory_space<vmem>> -> memref<80x128xf32, #tpu.memory_space<vmem>>
      %dma_start3A_371 = arith.constant 0 : i32
      %dma_start3A_372 = tpu.memref_slice %arg6[%run_scoped3A_275, %run_scoped3A_276, %dma_start3A_371] : memref<3x2x80xi32, #tpu.memory_space<vmem>> -> memref<1x1x80xi32, #tpu.memory_space<vmem>>
      %dma_start3A_373 = tpu.memref_squeeze %dma_start3A_372 : memref<1x1x80xi32, #tpu.memory_space<vmem>> -> memref<80xi32, #tpu.memory_space<vmem>>
      %dma_start3A_374 = arith.constant 0 : i32
      %dma_start3A_375 = arith.constant 0 : i32
      %dma_start3A_376 = tpu.memref_slice %arg11[%dma_start3A_374, %dma_start3A_375] : memref<10000x128xf32, #tpu.memory_space<vmem_shared>> -> memref<10000x128xf32, #tpu.memory_space<vmem_shared>>
      tpu.enqueue_indirect_dma source(%dma_start3A_370 : memref<80x128xf32, #tpu.memory_space<vmem>>) target(%dma_start3A_376 : memref<10000x128xf32, #tpu.memory_space<vmem_shared>>) offsets(%dma_start3A_373 : memref<80xi32, #tpu.memory_space<vmem>>) semaphore(%run_scoped3A_366 : memref<!tpu.dma_semaphore, #tpu.memory_space<semaphore_mem>>) {add = true}
      %dma_wait3A_377 = arith.constant 0 : i32
      %dma_wait3A_378 = arith.constant 0 : i32
      %dma_wait3A_379 = tpu.memref_slice %arg7[%run_scoped3A_274, %dma_wait3A_377, %dma_wait3A_378] : memref<3x80x128xf32, #tpu.memory_space<vmem>> -> memref<1x80x128xf32, #tpu.memory_space<vmem>>
      %dma_wait3A_380 = tpu.memref_squeeze %dma_wait3A_379 : memref<1x80x128xf32, #tpu.memory_space<vmem>> -> memref<80x128xf32, #tpu.memory_space<vmem>>
      %dma_wait3A_381 = arith.constant 0 : i32
      %dma_wait3A_382 = tpu.memref_slice %arg6[%run_scoped3A_275, %run_scoped3A_276, %dma_wait3A_381] : memref<3x2x80xi32, #tpu.memory_space<vmem>> -> memref<1x1x80xi32, #tpu.memory_space<vmem>>
      %dma_wait3A_383 = tpu.memref_squeeze %dma_wait3A_382 : memref<1x1x80xi32, #tpu.memory_space<vmem>> -> memref<80xi32, #tpu.memory_space<vmem>>
      %dma_wait3A_384 = arith.constant 0 : i32
      %dma_wait3A_385 = arith.constant 0 : i32
      %dma_wait3A_386 = tpu.memref_slice %arg11[%dma_wait3A_384, %dma_wait3A_385] : memref<10000x128xf32, #tpu.memory_space<vmem_shared>> -> memref<10000x128xf32, #tpu.memory_space<vmem_shared>>
      tpu.wait_indirect_dma semaphore(%run_scoped3A_366 : memref<!tpu.dma_semaphore, #tpu.memory_space<semaphore_mem>>) src(%dma_wait3A_380 : memref<80x128xf32, #tpu.memory_space<vmem>>) dst(%dma_wait3A_386 : memref<10000x128xf32, #tpu.memory_space<vmem_shared>>)
      tpu.yield
    }) : () -> ()
    %barrier3A_277 = arith.constant 0 : index
    tpu.barrier barrier_id(%barrier3A_277)
    %mul3A_278 = arith.constant 640 : i32
    %mul3A_279 = arith.muli %arg1, %mul3A_278 : i32
    %add3A_280 = arith.constant 0 : i32
    %add3A_281 = arith.addi %mul3A_279, %add3A_280 : i32
    %add3A_282 = arith.constant 80 : i32
    %add3A_283 = arith.addi %add3A_281, %add3A_282 : i32
    %le3A_284 = arith.constant 10000 : i32
    %le3A_285 = arith.cmpi sle, %add3A_283, %le3A_284 : i32
    %convert_element_type3A_286 = arith.extui %le3A_285 : i1 to i32
    %cond3A_287 = arith.constant 0 : i32
    %cond3A_288 = arith.cmpi ne, %convert_element_type3A_286, %cond3A_287 : i32
    scf.if %cond3A_288 {
      "tpu.region"() ({
        %run_scoped3A_366 = tpu.sem_alloc : memref<!tpu.dma_semaphore, #tpu.memory_space<semaphore_mem>>
        %dma_start3A_367 = arith.constant 0 : i32
        %dma_start3A_368 = tpu.memref_slice %arg5[%arg0, %add3A_281, %dma_start3A_367] : memref<2x10000x128xf32, #tpu.memory_space<hbm>> -> memref<1x80x128xf32, #tpu.memory_space<hbm>>
        %dma_start3A_369 = tpu.memref_squeeze %dma_start3A_368 : memref<1x80x128xf32, #tpu.memory_space<hbm>> -> memref<80x128xf32, #tpu.memory_space<hbm>>
        %dma_start3A_370 = arith.constant 0 : i32
        %dma_start3A_371 = tpu.memref_slice %arg11[%add3A_281, %dma_start3A_370] : memref<10000x128xf32, #tpu.memory_space<vmem_shared>> -> memref<80x128xf32, #tpu.memory_space<vmem_shared>>
        tpu.enqueue_dma source(%dma_start3A_371 : memref<80x128xf32, #tpu.memory_space<vmem_shared>>) target(%dma_start3A_369 : memref<80x128xf32, #tpu.memory_space<hbm>>) target_semaphore(%run_scoped3A_366 : memref<!tpu.dma_semaphore, #tpu.memory_space<semaphore_mem>>)
        %dma_wait3A_372 = arith.constant 0 : i32
        %dma_wait3A_373 = tpu.memref_slice %arg5[%arg0, %add3A_281, %dma_wait3A_372] : memref<2x10000x128xf32, #tpu.memory_space<hbm>> -> memref<1x80x128xf32, #tpu.memory_space<hbm>>
        %dma_wait3A_374 = tpu.memref_squeeze %dma_wait3A_373 : memref<1x80x128xf32, #tpu.memory_space<hbm>> -> memref<80x128xf32, #tpu.memory_space<hbm>>
        %dma_wait3A_375 = arith.constant 0 : i32
        %dma_wait3A_376 = tpu.memref_slice %arg11[%add3A_281, %dma_wait3A_375] : memref<10000x128xf32, #tpu.memory_space<vmem_shared>> -> memref<80x128xf32, #tpu.memory_space<vmem_shared>>
        tpu.wait_dma2 semaphore(%run_scoped3A_366 : memref<!tpu.dma_semaphore, #tpu.memory_space<semaphore_mem>>) src(%dma_wait3A_376 : memref<80x128xf32, #tpu.memory_space<vmem_shared>>) dst(%dma_wait3A_374 : memref<80x128xf32, #tpu.memory_space<hbm>>)
        tpu.yield
      }) : () -> ()
    } else {
    }
    %mul3A_289 = arith.constant 640 : i32
    %mul3A_290 = arith.muli %arg1, %mul3A_289 : i32
    %add3A_291 = arith.constant 80 : i32
    %add3A_292 = arith.addi %mul3A_290, %add3A_291 : i32
    %add3A_293 = arith.constant 80 : i32
    %add3A_294 = arith.addi %add3A_292, %add3A_293 : i32
    %le3A_295 = arith.constant 10000 : i32
    %le3A_296 = arith.cmpi sle, %add3A_294, %le3A_295 : i32
    %convert_element_type3A_297 = arith.extui %le3A_296 : i1 to i32
    %cond3A_298 = arith.constant 0 : i32
    %cond3A_299 = arith.cmpi ne, %convert_element_type3A_297, %cond3A_298 : i32
    scf.if %cond3A_299 {
      "tpu.region"() ({
        %run_scoped3A_366 = tpu.sem_alloc : memref<!tpu.dma_semaphore, #tpu.memory_space<semaphore_mem>>
        %dma_start3A_367 = arith.constant 0 : i32
        %dma_start3A_368 = tpu.memref_slice %arg5[%arg0, %add3A_292, %dma_start3A_367] : memref<2x10000x128xf32, #tpu.memory_space<hbm>> -> memref<1x80x128xf32, #tpu.memory_space<hbm>>
        %dma_start3A_369 = tpu.memref_squeeze %dma_start3A_368 : memref<1x80x128xf32, #tpu.memory_space<hbm>> -> memref<80x128xf32, #tpu.memory_space<hbm>>
        %dma_start3A_370 = arith.constant 0 : i32
        %dma_start3A_371 = tpu.memref_slice %arg11[%add3A_292, %dma_start3A_370] : memref<10000x128xf32, #tpu.memory_space<vmem_shared>> -> memref<80x128xf32, #tpu.memory_space<vmem_shared>>
        tpu.enqueue_dma source(%dma_start3A_371 : memref<80x128xf32, #tpu.memory_space<vmem_shared>>) target(%dma_start3A_369 : memref<80x128xf32, #tpu.memory_space<hbm>>) target_semaphore(%run_scoped3A_366 : memref<!tpu.dma_semaphore, #tpu.memory_space<semaphore_mem>>)
        %dma_wait3A_372 = arith.constant 0 : i32
        %dma_wait3A_373 = tpu.memref_slice %arg5[%arg0, %add3A_292, %dma_wait3A_372] : memref<2x10000x128xf32, #tpu.memory_space<hbm>> -> memref<1x80x128xf32, #tpu.memory_space<hbm>>
        %dma_wait3A_374 = tpu.memref_squeeze %dma_wait3A_373 : memref<1x80x128xf32, #tpu.memory_space<hbm>> -> memref<80x128xf32, #tpu.memory_space<hbm>>
        %dma_wait3A_375 = arith.constant 0 : i32
        %dma_wait3A_376 = tpu.memref_slice %arg11[%add3A_292, %dma_wait3A_375] : memref<10000x128xf32, #tpu.memory_space<vmem_shared>> -> memref<80x128xf32, #tpu.memory_space<vmem_shared>>
        tpu.wait_dma2 semaphore(%run_scoped3A_366 : memref<!tpu.dma_semaphore, #tpu.memory_space<semaphore_mem>>) src(%dma_wait3A_376 : memref<80x128xf32, #tpu.memory_space<vmem_shared>>) dst(%dma_wait3A_374 : memref<80x128xf32, #tpu.memory_space<hbm>>)
        tpu.yield
      }) : () -> ()
    } else {
    }
    %mul3A_300 = arith.constant 640 : i32
    %mul3A_301 = arith.muli %arg1, %mul3A_300 : i32
    %add3A_302 = arith.constant 160 : i32
    %add3A_303 = arith.addi %mul3A_301, %add3A_302 : i32
    %add3A_304 = arith.constant 80 : i32
    %add3A_305 = arith.addi %add3A_303, %add3A_304 : i32
    %le3A_306 = arith.constant 10000 : i32
    %le3A_307 = arith.cmpi sle, %add3A_305, %le3A_306 : i32
    %convert_element_type3A_308 = arith.extui %le3A_307 : i1 to i32
    %cond3A_309 = arith.constant 0 : i32
    %cond3A_310 = arith.cmpi ne, %convert_element_type3A_308, %cond3A_309 : i32
    scf.if %cond3A_310 {
      "tpu.region"() ({
        %run_scoped3A_366 = tpu.sem_alloc : memref<!tpu.dma_semaphore, #tpu.memory_space<semaphore_mem>>
        %dma_start3A_367 = arith.constant 0 : i32
        %dma_start3A_368 = tpu.memref_slice %arg5[%arg0, %add3A_303, %dma_start3A_367] : memref<2x10000x128xf32, #tpu.memory_space<hbm>> -> memref<1x80x128xf32, #tpu.memory_space<hbm>>
        %dma_start3A_369 = tpu.memref_squeeze %dma_start3A_368 : memref<1x80x128xf32, #tpu.memory_space<hbm>> -> memref<80x128xf32, #tpu.memory_space<hbm>>
        %dma_start3A_370 = arith.constant 0 : i32
        %dma_start3A_371 = tpu.memref_slice %arg11[%add3A_303, %dma_start3A_370] : memref<10000x128xf32, #tpu.memory_space<vmem_shared>> -> memref<80x128xf32, #tpu.memory_space<vmem_shared>>
        tpu.enqueue_dma source(%dma_start3A_371 : memref<80x128xf32, #tpu.memory_space<vmem_shared>>) target(%dma_start3A_369 : memref<80x128xf32, #tpu.memory_space<hbm>>) target_semaphore(%run_scoped3A_366 : memref<!tpu.dma_semaphore, #tpu.memory_space<semaphore_mem>>)
        %dma_wait3A_372 = arith.constant 0 : i32
        %dma_wait3A_373 = tpu.memref_slice %arg5[%arg0, %add3A_303, %dma_wait3A_372] : memref<2x10000x128xf32, #tpu.memory_space<hbm>> -> memref<1x80x128xf32, #tpu.memory_space<hbm>>
        %dma_wait3A_374 = tpu.memref_squeeze %dma_wait3A_373 : memref<1x80x128xf32, #tpu.memory_space<hbm>> -> memref<80x128xf32, #tpu.memory_space<hbm>>
        %dma_wait3A_375 = arith.constant 0 : i32
        %dma_wait3A_376 = tpu.memref_slice %arg11[%add3A_303, %dma_wait3A_375] : memref<10000x128xf32, #tpu.memory_space<vmem_shared>> -> memref<80x128xf32, #tpu.memory_space<vmem_shared>>
        tpu.wait_dma2 semaphore(%run_scoped3A_366 : memref<!tpu.dma_semaphore, #tpu.memory_space<semaphore_mem>>) src(%dma_wait3A_376 : memref<80x128xf32, #tpu.memory_space<vmem_shared>>) dst(%dma_wait3A_374 : memref<80x128xf32, #tpu.memory_space<hbm>>)
        tpu.yield
      }) : () -> ()
    } else {
    }
    %mul3A_311 = arith.constant 640 : i32
    %mul3A_312 = arith.muli %arg1, %mul3A_311 : i32
    %add3A_313 = arith.constant 240 : i32
    %add3A_314 = arith.addi %mul3A_312, %add3A_313 : i32
    %add3A_315 = arith.constant 80 : i32
    %add3A_316 = arith.addi %add3A_314, %add3A_315 : i32
    %le3A_317 = arith.constant 10000 : i32
    %le3A_318 = arith.cmpi sle, %add3A_316, %le3A_317 : i32
    %convert_element_type3A_319 = arith.extui %le3A_318 : i1 to i32
    %cond3A_320 = arith.constant 0 : i32
    %cond3A_321 = arith.cmpi ne, %convert_element_type3A_319, %cond3A_320 : i32
    scf.if %cond3A_321 {
      "tpu.region"() ({
        %run_scoped3A_366 = tpu.sem_alloc : memref<!tpu.dma_semaphore, #tpu.memory_space<semaphore_mem>>
        %dma_start3A_367 = arith.constant 0 : i32
        %dma_start3A_368 = tpu.memref_slice %arg5[%arg0, %add3A_314, %dma_start3A_367] : memref<2x10000x128xf32, #tpu.memory_space<hbm>> -> memref<1x80x128xf32, #tpu.memory_space<hbm>>
        %dma_start3A_369 = tpu.memref_squeeze %dma_start3A_368 : memref<1x80x128xf32, #tpu.memory_space<hbm>> -> memref<80x128xf32, #tpu.memory_space<hbm>>
        %dma_start3A_370 = arith.constant 0 : i32
        %dma_start3A_371 = tpu.memref_slice %arg11[%add3A_314, %dma_start3A_370] : memref<10000x128xf32, #tpu.memory_space<vmem_shared>> -> memref<80x128xf32, #tpu.memory_space<vmem_shared>>
        tpu.enqueue_dma source(%dma_start3A_371 : memref<80x128xf32, #tpu.memory_space<vmem_shared>>) target(%dma_start3A_369 : memref<80x128xf32, #tpu.memory_space<hbm>>) target_semaphore(%run_scoped3A_366 : memref<!tpu.dma_semaphore, #tpu.memory_space<semaphore_mem>>)
        %dma_wait3A_372 = arith.constant 0 : i32
        %dma_wait3A_373 = tpu.memref_slice %arg5[%arg0, %add3A_314, %dma_wait3A_372] : memref<2x10000x128xf32, #tpu.memory_space<hbm>> -> memref<1x80x128xf32, #tpu.memory_space<hbm>>
        %dma_wait3A_374 = tpu.memref_squeeze %dma_wait3A_373 : memref<1x80x128xf32, #tpu.memory_space<hbm>> -> memref<80x128xf32, #tpu.memory_space<hbm>>
        %dma_wait3A_375 = arith.constant 0 : i32
        %dma_wait3A_376 = tpu.memref_slice %arg11[%add3A_314, %dma_wait3A_375] : memref<10000x128xf32, #tpu.memory_space<vmem_shared>> -> memref<80x128xf32, #tpu.memory_space<vmem_shared>>
        tpu.wait_dma2 semaphore(%run_scoped3A_366 : memref<!tpu.dma_semaphore, #tpu.memory_space<semaphore_mem>>) src(%dma_wait3A_376 : memref<80x128xf32, #tpu.memory_space<vmem_shared>>) dst(%dma_wait3A_374 : memref<80x128xf32, #tpu.memory_space<hbm>>)
        tpu.yield
      }) : () -> ()
    } else {
    }
    %mul3A_322 = arith.constant 640 : i32
    %mul3A_323 = arith.muli %arg1, %mul3A_322 : i32
    %add3A_324 = arith.constant 320 : i32
    %add3A_325 = arith.addi %mul3A_323, %add3A_324 : i32
    %add3A_326 = arith.constant 80 : i32
    %add3A_327 = arith.addi %add3A_325, %add3A_326 : i32
    %le3A_328 = arith.constant 10000 : i32
    %le3A_329 = arith.cmpi sle, %add3A_327, %le3A_328 : i32
    %convert_element_type3A_330 = arith.extui %le3A_329 : i1 to i32
    %cond3A_331 = arith.constant 0 : i32
    %cond3A_332 = arith.cmpi ne, %convert_element_type3A_330, %cond3A_331 : i32
    scf.if %cond3A_332 {
      "tpu.region"() ({
        %run_scoped3A_366 = tpu.sem_alloc : memref<!tpu.dma_semaphore, #tpu.memory_space<semaphore_mem>>
        %dma_start3A_367 = arith.constant 0 : i32
        %dma_start3A_368 = tpu.memref_slice %arg5[%arg0, %add3A_325, %dma_start3A_367] : memref<2x10000x128xf32, #tpu.memory_space<hbm>> -> memref<1x80x128xf32, #tpu.memory_space<hbm>>
        %dma_start3A_369 = tpu.memref_squeeze %dma_start3A_368 : memref<1x80x128xf32, #tpu.memory_space<hbm>> -> memref<80x128xf32, #tpu.memory_space<hbm>>
        %dma_start3A_370 = arith.constant 0 : i32
        %dma_start3A_371 = tpu.memref_slice %arg11[%add3A_325, %dma_start3A_370] : memref<10000x128xf32, #tpu.memory_space<vmem_shared>> -> memref<80x128xf32, #tpu.memory_space<vmem_shared>>
        tpu.enqueue_dma source(%dma_start3A_371 : memref<80x128xf32, #tpu.memory_space<vmem_shared>>) target(%dma_start3A_369 : memref<80x128xf32, #tpu.memory_space<hbm>>) target_semaphore(%run_scoped3A_366 : memref<!tpu.dma_semaphore, #tpu.memory_space<semaphore_mem>>)
        %dma_wait3A_372 = arith.constant 0 : i32
        %dma_wait3A_373 = tpu.memref_slice %arg5[%arg0, %add3A_325, %dma_wait3A_372] : memref<2x10000x128xf32, #tpu.memory_space<hbm>> -> memref<1x80x128xf32, #tpu.memory_space<hbm>>
        %dma_wait3A_374 = tpu.memref_squeeze %dma_wait3A_373 : memref<1x80x128xf32, #tpu.memory_space<hbm>> -> memref<80x128xf32, #tpu.memory_space<hbm>>
        %dma_wait3A_375 = arith.constant 0 : i32
        %dma_wait3A_376 = tpu.memref_slice %arg11[%add3A_325, %dma_wait3A_375] : memref<10000x128xf32, #tpu.memory_space<vmem_shared>> -> memref<80x128xf32, #tpu.memory_space<vmem_shared>>
        tpu.wait_dma2 semaphore(%run_scoped3A_366 : memref<!tpu.dma_semaphore, #tpu.memory_space<semaphore_mem>>) src(%dma_wait3A_376 : memref<80x128xf32, #tpu.memory_space<vmem_shared>>) dst(%dma_wait3A_374 : memref<80x128xf32, #tpu.memory_space<hbm>>)
        tpu.yield
      }) : () -> ()
    } else {
    }
    %mul3A_333 = arith.constant 640 : i32
    %mul3A_334 = arith.muli %arg1, %mul3A_333 : i32
    %add3A_335 = arith.constant 400 : i32
    %add3A_336 = arith.addi %mul3A_334, %add3A_335 : i32
    %add3A_337 = arith.constant 80 : i32
    %add3A_338 = arith.addi %add3A_336, %add3A_337 : i32
    %le3A_339 = arith.constant 10000 : i32
    %le3A_340 = arith.cmpi sle, %add3A_338, %le3A_339 : i32
    %convert_element_type3A_341 = arith.extui %le3A_340 : i1 to i32
    %cond3A_342 = arith.constant 0 : i32
    %cond3A_343 = arith.cmpi ne, %convert_element_type3A_341, %cond3A_342 : i32
    scf.if %cond3A_343 {
      "tpu.region"() ({
        %run_scoped3A_366 = tpu.sem_alloc : memref<!tpu.dma_semaphore, #tpu.memory_space<semaphore_mem>>
        %dma_start3A_367 = arith.constant 0 : i32
        %dma_start3A_368 = tpu.memref_slice %arg5[%arg0, %add3A_336, %dma_start3A_367] : memref<2x10000x128xf32, #tpu.memory_space<hbm>> -> memref<1x80x128xf32, #tpu.memory_space<hbm>>
        %dma_start3A_369 = tpu.memref_squeeze %dma_start3A_368 : memref<1x80x128xf32, #tpu.memory_space<hbm>> -> memref<80x128xf32, #tpu.memory_space<hbm>>
        %dma_start3A_370 = arith.constant 0 : i32
        %dma_start3A_371 = tpu.memref_slice %arg11[%add3A_336, %dma_start3A_370] : memref<10000x128xf32, #tpu.memory_space<vmem_shared>> -> memref<80x128xf32, #tpu.memory_space<vmem_shared>>
        tpu.enqueue_dma source(%dma_start3A_371 : memref<80x128xf32, #tpu.memory_space<vmem_shared>>) target(%dma_start3A_369 : memref<80x128xf32, #tpu.memory_space<hbm>>) target_semaphore(%run_scoped3A_366 : memref<!tpu.dma_semaphore, #tpu.memory_space<semaphore_mem>>)
        %dma_wait3A_372 = arith.constant 0 : i32
        %dma_wait3A_373 = tpu.memref_slice %arg5[%arg0, %add3A_336, %dma_wait3A_372] : memref<2x10000x128xf32, #tpu.memory_space<hbm>> -> memref<1x80x128xf32, #tpu.memory_space<hbm>>
        %dma_wait3A_374 = tpu.memref_squeeze %dma_wait3A_373 : memref<1x80x128xf32, #tpu.memory_space<hbm>> -> memref<80x128xf32, #tpu.memory_space<hbm>>
        %dma_wait3A_375 = arith.constant 0 : i32
        %dma_wait3A_376 = tpu.memref_slice %arg11[%add3A_336, %dma_wait3A_375] : memref<10000x128xf32, #tpu.memory_space<vmem_shared>> -> memref<80x128xf32, #tpu.memory_space<vmem_shared>>
        tpu.wait_dma2 semaphore(%run_scoped3A_366 : memref<!tpu.dma_semaphore, #tpu.memory_space<semaphore_mem>>) src(%dma_wait3A_376 : memref<80x128xf32, #tpu.memory_space<vmem_shared>>) dst(%dma_wait3A_374 : memref<80x128xf32, #tpu.memory_space<hbm>>)
        tpu.yield
      }) : () -> ()
    } else {
    }
    %mul3A_344 = arith.constant 640 : i32
    %mul3A_345 = arith.muli %arg1, %mul3A_344 : i32
    %add3A_346 = arith.constant 480 : i32
    %add3A_347 = arith.addi %mul3A_345, %add3A_346 : i32
    %add3A_348 = arith.constant 80 : i32
    %add3A_349 = arith.addi %add3A_347, %add3A_348 : i32
    %le3A_350 = arith.constant 10000 : i32
    %le3A_351 = arith.cmpi sle, %add3A_349, %le3A_350 : i32
    %convert_element_type3A_352 = arith.extui %le3A_351 : i1 to i32
    %cond3A_353 = arith.constant 0 : i32
    %cond3A_354 = arith.cmpi ne, %convert_element_type3A_352, %cond3A_353 : i32
    scf.if %cond3A_354 {
      "tpu.region"() ({
        %run_scoped3A_366 = tpu.sem_alloc : memref<!tpu.dma_semaphore, #tpu.memory_space<semaphore_mem>>
        %dma_start3A_367 = arith.constant 0 : i32
        %dma_start3A_368 = tpu.memref_slice %arg5[%arg0, %add3A_347, %dma_start3A_367] : memref<2x10000x128xf32, #tpu.memory_space<hbm>> -> memref<1x80x128xf32, #tpu.memory_space<hbm>>
        %dma_start3A_369 = tpu.memref_squeeze %dma_start3A_368 : memref<1x80x128xf32, #tpu.memory_space<hbm>> -> memref<80x128xf32, #tpu.memory_space<hbm>>
        %dma_start3A_370 = arith.constant 0 : i32
        %dma_start3A_371 = tpu.memref_slice %arg11[%add3A_347, %dma_start3A_370] : memref<10000x128xf32, #tpu.memory_space<vmem_shared>> -> memref<80x128xf32, #tpu.memory_space<vmem_shared>>
        tpu.enqueue_dma source(%dma_start3A_371 : memref<80x128xf32, #tpu.memory_space<vmem_shared>>) target(%dma_start3A_369 : memref<80x128xf32, #tpu.memory_space<hbm>>) target_semaphore(%run_scoped3A_366 : memref<!tpu.dma_semaphore, #tpu.memory_space<semaphore_mem>>)
        %dma_wait3A_372 = arith.constant 0 : i32
        %dma_wait3A_373 = tpu.memref_slice %arg5[%arg0, %add3A_347, %dma_wait3A_372] : memref<2x10000x128xf32, #tpu.memory_space<hbm>> -> memref<1x80x128xf32, #tpu.memory_space<hbm>>
        %dma_wait3A_374 = tpu.memref_squeeze %dma_wait3A_373 : memref<1x80x128xf32, #tpu.memory_space<hbm>> -> memref<80x128xf32, #tpu.memory_space<hbm>>
        %dma_wait3A_375 = arith.constant 0 : i32
        %dma_wait3A_376 = tpu.memref_slice %arg11[%add3A_347, %dma_wait3A_375] : memref<10000x128xf32, #tpu.memory_space<vmem_shared>> -> memref<80x128xf32, #tpu.memory_space<vmem_shared>>
        tpu.wait_dma2 semaphore(%run_scoped3A_366 : memref<!tpu.dma_semaphore, #tpu.memory_space<semaphore_mem>>) src(%dma_wait3A_376 : memref<80x128xf32, #tpu.memory_space<vmem_shared>>) dst(%dma_wait3A_374 : memref<80x128xf32, #tpu.memory_space<hbm>>)
        tpu.yield
      }) : () -> ()
    } else {
    }
    %mul3A_355 = arith.constant 640 : i32
    %mul3A_356 = arith.muli %arg1, %mul3A_355 : i32
    %add3A_357 = arith.constant 560 : i32
    %add3A_358 = arith.addi %mul3A_356, %add3A_357 : i32
    %add3A_359 = arith.constant 80 : i32
    %add3A_360 = arith.addi %add3A_358, %add3A_359 : i32
    %le3A_361 = arith.constant 10000 : i32
    %le3A_362 = arith.cmpi sle, %add3A_360, %le3A_361 : i32
    %convert_element_type3A_363 = arith.extui %le3A_362 : i1 to i32
    %cond3A_364 = arith.constant 0 : i32
    %cond3A_365 = arith.cmpi ne, %convert_element_type3A_363, %cond3A_364 : i32
    scf.if %cond3A_365 {
      "tpu.region"() ({
        %run_scoped3A_366 = tpu.sem_alloc : memref<!tpu.dma_semaphore, #tpu.memory_space<semaphore_mem>>
        %dma_start3A_367 = arith.constant 0 : i32
        %dma_start3A_368 = tpu.memref_slice %arg5[%arg0, %add3A_358, %dma_start3A_367] : memref<2x10000x128xf32, #tpu.memory_space<hbm>> -> memref<1x80x128xf32, #tpu.memory_space<hbm>>
        %dma_start3A_369 = tpu.memref_squeeze %dma_start3A_368 : memref<1x80x128xf32, #tpu.memory_space<hbm>> -> memref<80x128xf32, #tpu.memory_space<hbm>>
        %dma_start3A_370 = arith.constant 0 : i32
        %dma_start3A_371 = tpu.memref_slice %arg11[%add3A_358, %dma_start3A_370] : memref<10000x128xf32, #tpu.memory_space<vmem_shared>> -> memref<80x128xf32, #tpu.memory_space<vmem_shared>>
        tpu.enqueue_dma source(%dma_start3A_371 : memref<80x128xf32, #tpu.memory_space<vmem_shared>>) target(%dma_start3A_369 : memref<80x128xf32, #tpu.memory_space<hbm>>) target_semaphore(%run_scoped3A_366 : memref<!tpu.dma_semaphore, #tpu.memory_space<semaphore_mem>>)
        %dma_wait3A_372 = arith.constant 0 : i32
        %dma_wait3A_373 = tpu.memref_slice %arg5[%arg0, %add3A_358, %dma_wait3A_372] : memref<2x10000x128xf32, #tpu.memory_space<hbm>> -> memref<1x80x128xf32, #tpu.memory_space<hbm>>
        %dma_wait3A_374 = tpu.memref_squeeze %dma_wait3A_373 : memref<1x80x128xf32, #tpu.memory_space<hbm>> -> memref<80x128xf32, #tpu.memory_space<hbm>>
        %dma_wait3A_375 = arith.constant 0 : i32
        %dma_wait3A_376 = tpu.memref_slice %arg11[%add3A_358, %dma_wait3A_375] : memref<10000x128xf32, #tpu.memory_space<vmem_shared>> -> memref<80x128xf32, #tpu.memory_space<vmem_shared>>
        tpu.wait_dma2 semaphore(%run_scoped3A_366 : memref<!tpu.dma_semaphore, #tpu.memory_space<semaphore_mem>>) src(%dma_wait3A_376 : memref<80x128xf32, #tpu.memory_space<vmem_shared>>) dst(%dma_wait3A_374 : memref<80x128xf32, #tpu.memory_space<hbm>>)
        tpu.yield
      }) : () -> ()
    } else {
    }
    return
  }
}

module attributes {stable_mosaic.version = 14 : i64} {
  func.func @_he_body(%arg0: i32, %arg1: memref<2000x16xf32, #tpu.memory_space<vmem>>, %arg2: memref<16x128xf32, #tpu.memory_space<vmem>>, %arg3: memref<1x128xf32, #tpu.memory_space<vmem>>, %arg4: memref<2000x128xbf16, #tpu.memory_space<vmem>>) attributes {dimension_semantics = [#tpu.dimension_semantics<arbitrary>], iteration_bounds = array<i64: 160>, scalar_prefetch = 0 : i64, scratch_operands = 0 : i64, tpu.core_type = #tpu.core_type<tc>, window_params = [{transform_indices = @transform_0, window_bounds = array<i64: 2000, 16>}, {pipeline_mode = #tpu.pipeline_mode<synchronous>, transform_indices = @transform_1, window_bounds = array<i64: 16, 128>}, {pipeline_mode = #tpu.pipeline_mode<synchronous>, transform_indices = @transform_2, window_bounds = array<i64: 1, 128>}, {transform_indices = @transform_3, window_bounds = array<i64: 2000, 128>}]} {
    %get3A = arith.constant 0 : index
    %get3A_0 = arith.constant 0 : index
    %get3A_1 = vector.load %arg1[%get3A, %get3A_0] : memref<2000x16xf32, #tpu.memory_space<vmem>>, vector<2000x16xf32>
    %get3A_2 = arith.constant 0 : index
    %get3A_3 = arith.constant 0 : index
    %get3A_4 = vector.load %arg2[%get3A_2, %get3A_3] : memref<16x128xf32, #tpu.memory_space<vmem>>, vector<16x128xf32>
    %dot_general3A = arith.constant dense<0.000000e+00> : vector<2000x128xf32>
    %dot_general3A_5 = tpu.matmul %get3A_1, %get3A_4, %dot_general3A {dimension_numbers = #tpu.dot_dimension_numbers<[1], [0], [0], [1], [0, 0, 1, 1], [], []>, transpose_lhs_hint = false} : vector<2000x16xf32>, vector<16x128xf32>, vector<2000x128xf32> -> vector<2000x128xf32>
    %get3A_6 = arith.constant 0 : index
    %get3A_7 = arith.constant 0 : index
    %get3A_8 = vector.load %arg3[%get3A_6, %get3A_7] : memref<1x128xf32, #tpu.memory_space<vmem>>, vector<1x128xf32>
    %add3A = vector.broadcast %get3A_8 : vector<1x128xf32> to vector<2000x128xf32>
    %add3A_9 = arith.addf %dot_general3A_5, %add3A : vector<2000x128xf32>
    %convert_element_type3A = arith.truncf %add3A_9 : vector<2000x128xf32> to vector<2000x128xbf16>
    %swap3A = arith.constant 0 : index
    %swap3A_10 = arith.constant 0 : index
    %swap3A_11 = vector.load %arg4[%swap3A, %swap3A_10] : memref<2000x128xbf16, #tpu.memory_space<vmem>>, vector<2000x128xbf16>
    tpu.vector_store %arg4[%swap3A, %swap3A_10], %convert_element_type3A {strides = array<i32>} : memref<2000x128xbf16, #tpu.memory_space<vmem>>, vector<2000x128xbf16>,
    return
  }
  func.func @transform_0(%arg0: i32) -> (i32, i32) {
    %c0_i32 = arith.constant 0 : i32
    %c0_i32_0 = arith.constant 0 : i32
    return %arg0, %c0_i32 : i32, i32
  }
  func.func @transform_1(%arg0: i32) -> (i32, i32) {
    %c0_i32 = arith.constant 0 : i32
    %c0_i32_0 = arith.constant 0 : i32
    %c0_i32_1 = arith.constant 0 : i32
    return %c0_i32, %c0_i32_0 : i32, i32
  }
  func.func @transform_2(%arg0: i32) -> (i32, i32) {
    %c0_i32 = arith.constant 0 : i32
    %c0_i32_0 = arith.constant 0 : i32
    %c0_i32_1 = arith.constant 0 : i32
    return %c0_i32, %c0_i32_0 : i32, i32
  }
  func.func @transform_3(%arg0: i32) -> (i32, i32) {
    %c0_i32 = arith.constant 0 : i32
    %c0_i32_0 = arith.constant 0 : i32
    return %arg0, %c0_i32 : i32, i32
  }
}

module attributes {stable_mosaic.version = 14 : i64} {
  func.func @_node_body(%arg0: i32, %arg1: memref<1x1xf32, #tpu.memory_space<smem>>, %arg2: memref<2000x128xf32, #tpu.memory_space<vmem>>, %arg3: memref<2x2000x128xf32, #tpu.memory_space<vmem>>, %arg4: memref<128x256xf32, #tpu.memory_space<vmem>>, %arg5: memref<1x256xf32, #tpu.memory_space<vmem>>, %arg6: memref<256x128xf32, #tpu.memory_space<vmem>>, %arg7: memref<1x128xf32, #tpu.memory_space<vmem>>, %arg8: memref<2000x128xf32, #tpu.memory_space<vmem>>) attributes {dimension_semantics = [#tpu.dimension_semantics<arbitrary>], iteration_bounds = array<i64: 5>, scalar_prefetch = 0 : i64, scratch_operands = 0 : i64, tpu.core_type = #tpu.core_type<tc>, window_params = [{transform_indices = @transform_0, window_bounds = array<i64: 1, 1>}, {transform_indices = @transform_1, window_bounds = array<i64: 2000, 128>}, {transform_indices = @transform_2, window_bounds = array<i64: 2, 2000, 128>}, {pipeline_mode = #tpu.pipeline_mode<synchronous>, transform_indices = @transform_3, window_bounds = array<i64: 128, 256>}, {pipeline_mode = #tpu.pipeline_mode<synchronous>, transform_indices = @transform_4, window_bounds = array<i64: 1, 256>}, {pipeline_mode = #tpu.pipeline_mode<synchronous>, transform_indices = @transform_5, window_bounds = array<i64: 256, 128>}, {pipeline_mode = #tpu.pipeline_mode<synchronous>, transform_indices = @transform_6, window_bounds = array<i64: 1, 128>}, {transform_indices = @transform_7, window_bounds = array<i64: 2000, 128>}]} {
    %get3A = arith.constant 0 : index
    %get3A_0 = arith.constant 0 : index
    %get3A_1 = memref.load %arg1[%get3A, %get3A_0] : memref<1x1xf32, #tpu.memory_space<smem>>
    %get3A_2 = arith.constant 0 : index
    %get3A_3 = arith.constant 0 : index
    %get3A_4 = vector.load %arg2[%get3A_2, %get3A_3] : memref<2000x128xf32, #tpu.memory_space<vmem>>, vector<2000x128xf32>
    %mul3A = vector.broadcast %get3A_1 : f32 to vector<2000x128xf32>
    %mul3A_5 = arith.mulf %mul3A, %get3A_4 : vector<2000x128xf32>
    %get3A_6 = arith.constant 0 : index
    %get3A_7 = arith.constant 0 : index
    %get3A_8 = arith.constant 0 : index
    %get3A_9 = vector.load %arg3[%get3A_6, %get3A_7, %get3A_8] : memref<2x2000x128xf32, #tpu.memory_space<vmem>>, vector<1x2000x128xf32>
    %get3A_10 = vector.shape_cast %get3A_9 : vector<1x2000x128xf32> to vector<2000x128xf32>
    %add3A = arith.addf %mul3A_5, %get3A_10 : vector<2000x128xf32>
    %get3A_11 = arith.constant 1 : index
    %get3A_12 = arith.constant 0 : index
    %get3A_13 = arith.constant 0 : index
    %get3A_14 = vector.load %arg3[%get3A_11, %get3A_12, %get3A_13] : memref<2x2000x128xf32, #tpu.memory_space<vmem>>, vector<1x2000x128xf32>
    %get3A_15 = vector.shape_cast %get3A_14 : vector<1x2000x128xf32> to vector<2000x128xf32>
    %add3A_16 = arith.addf %add3A, %get3A_15 : vector<2000x128xf32>
    %get3A_17 = arith.constant 0 : index
    %get3A_18 = arith.constant 0 : index
    %get3A_19 = vector.load %arg4[%get3A_17, %get3A_18] : memref<128x256xf32, #tpu.memory_space<vmem>>, vector<128x256xf32>
    %dot_general3A = arith.constant dense<0.000000e+00> : vector<2000x256xf32>
    %dot_general3A_20 = tpu.matmul %add3A_16, %get3A_19, %dot_general3A {dimension_numbers = #tpu.dot_dimension_numbers<[1], [0], [0], [1], [0, 0, 1, 1], [], []>, transpose_lhs_hint = false} : vector<2000x128xf32>, vector<128x256xf32>, vector<2000x256xf32> -> vector<2000x256xf32>
    %get3A_21 = arith.constant 0 : index
    %get3A_22 = arith.constant 0 : index
    %get3A_23 = vector.load %arg5[%get3A_21, %get3A_22] : memref<1x256xf32, #tpu.memory_space<vmem>>, vector<1x256xf32>
    %add3A_24 = vector.broadcast %get3A_23 : vector<1x256xf32> to vector<2000x256xf32>
    %add3A_25 = arith.addf %dot_general3A_20, %add3A_24 : vector<2000x256xf32>
    %max3A = arith.constant 0.000000e+00 : f32
    %max3A_26 = vector.broadcast %max3A : f32 to vector<2000x256xf32>
    %max3A_27 = arith.maximumf %add3A_25, %max3A_26 : vector<2000x256xf32>
    %get3A_28 = arith.constant 0 : index
    %get3A_29 = arith.constant 0 : index
    %get3A_30 = vector.load %arg6[%get3A_28, %get3A_29] : memref<256x128xf32, #tpu.memory_space<vmem>>, vector<256x128xf32>
    %dot_general3A_31 = arith.constant dense<0.000000e+00> : vector<2000x128xf32>
    %dot_general3A_32 = tpu.matmul %max3A_27, %get3A_30, %dot_general3A_31 {dimension_numbers = #tpu.dot_dimension_numbers<[1], [0], [0], [1], [0, 0, 1, 1], [], []>, transpose_lhs_hint = false} : vector<2000x256xf32>, vector<256x128xf32>, vector<2000x128xf32> -> vector<2000x128xf32>
    %get3A_33 = arith.constant 0 : index
    %get3A_34 = arith.constant 0 : index
    %get3A_35 = vector.load %arg7[%get3A_33, %get3A_34] : memref<1x128xf32, #tpu.memory_space<vmem>>, vector<1x128xf32>
    %add3A_36 = vector.broadcast %get3A_35 : vector<1x128xf32> to vector<2000x128xf32>
    %add3A_37 = arith.addf %dot_general3A_32, %add3A_36 : vector<2000x128xf32>
    %swap3A = arith.constant 0 : index
    %swap3A_38 = arith.constant 0 : index
    %swap3A_39 = vector.load %arg8[%swap3A, %swap3A_38] : memref<2000x128xf32, #tpu.memory_space<vmem>>, vector<2000x128xf32>
    tpu.vector_store %arg8[%swap3A, %swap3A_38], %add3A_37 {strides = array<i32>} : memref<2000x128xf32, #tpu.memory_space<vmem>>, vector<2000x128xf32>,
    return
  }
  func.func @transform_0(%arg0: i32) -> (i32, i32) {
    %c0_i32 = arith.constant 0 : i32
    %c0_i32_0 = arith.constant 0 : i32
    %c0_i32_1 = arith.constant 0 : i32
    return %c0_i32, %c0_i32_0 : i32, i32
  }
  func.func @transform_1(%arg0: i32) -> (i32, i32) {
    %c0_i32 = arith.constant 0 : i32
    %c0_i32_0 = arith.constant 0 : i32
    return %arg0, %c0_i32 : i32, i32
  }
  func.func @transform_2(%arg0: i32) -> (i32, i32, i32) {
    %c0_i32 = arith.constant 0 : i32
    %c0_i32_0 = arith.constant 0 : i32
    %c0_i32_1 = arith.constant 0 : i32
    return %c0_i32, %arg0, %c0_i32_0 : i32, i32, i32
  }
  func.func @transform_3(%arg0: i32) -> (i32, i32) {
    %c0_i32 = arith.constant 0 : i32
    %c0_i32_0 = arith.constant 0 : i32
    %c0_i32_1 = arith.constant 0 : i32
    return %c0_i32, %c0_i32_0 : i32, i32
  }
  func.func @transform_4(%arg0: i32) -> (i32, i32) {
    %c0_i32 = arith.constant 0 : i32
    %c0_i32_0 = arith.constant 0 : i32
    %c0_i32_1 = arith.constant 0 : i32
    return %c0_i32, %c0_i32_0 : i32, i32
  }
  func.func @transform_5(%arg0: i32) -> (i32, i32) {
    %c0_i32 = arith.constant 0 : i32
    %c0_i32_0 = arith.constant 0 : i32
    %c0_i32_1 = arith.constant 0 : i32
    return %c0_i32, %c0_i32_0 : i32, i32
  }
  func.func @transform_6(%arg0: i32) -> (i32, i32) {
    %c0_i32 = arith.constant 0 : i32
    %c0_i32_0 = arith.constant 0 : i32
    %c0_i32_1 = arith.constant 0 : i32
    return %c0_i32, %c0_i32_0 : i32, i32
  }
  func.func @transform_7(%arg0: i32) -> (i32, i32) {
    %c0_i32 = arith.constant 0 : i32
    %c0_i32_0 = arith.constant 0 : i32
    return %arg0, %c0_i32 : i32, i32
  }
}

</mosaic_0001>

<sc_bundles>
// kernel: kernel.5.cloned.1.call-start
scs
__scs_entry_jumppad:
0x0: {  	(pc) =	sbr.rel $0x88, $3  }
0x1: {  	(tag) =	ssettag $0x0;
	lr =	simm.s32 $0x1  }
0x2: {  	[smem:$0x3F8D] =	sst lr;
	_ =	strace $0xD0000000  }
0x3: {  	_ = 	snop  }
0x4: {  	_ = 	snop  }
0x5: {  	_ = 	snop  }
0x6: {  	_ = 	snop  }
0x7: {  	_ = 	snop  }
__scs_overlays_trampoline_lowered:
0x8: {  	[smem:$0x3F9C] =	sst s0  }
0x9: {  	[smem:$0x3F9D] =	sst s1  }
0xa: {  	[smem:$0x3F9E] =	sst s2  }
0xb: {  	[smem:$0x3F9F] =	sst s3  }
0xc: {  	[smem:$0x3FA0] =	sst s4  }
0xd: {  	[smem:$0x3FA1] =	sst s5  }
0xe: {  	[smem:$0x3FA2] =	sst s6  }
0xf: {  	[smem:$0x3FA3] =	sst s7  }
0x10: {  	[smem:$0x3FA4] =	sst s8  }
0x11: {  	[smem:$0x3FA5] =	sst s9;
	s0 =	simm.s32 @!p0 $0x0  }
0x12: {  	s1 =	sld [smem:$0x3F8B];
	s0 =	simm.s32 @p0 $0x1  }
0x13: {  	[smem:$0x3FA6] =	sst s0;
	s0 =	simm.s32 @!p1 $0x0  }
0x14: {  	s2 =	sld [smem:$0x3F8A];
	s0 =	simm.s32 @p1 $0x1  }
0x15: {  	[smem:$0x3FA7] =	sst s0;
	s0 =	simm.s32 @!p2 $0x0  }
0x16: {  	s3 =	sld [smem:$0x3FDB];
	s0 =	simm.s32 @p2 $0x1  }
0x17: {  	s4 =	simm.s32 $0x1BF5;
	[smem:$0x3FA9] =	sst s0  }
0x18: {  	s0 =	sld [smem:$0x3F8C];
	_ =	swait.ge [sflag:s4], $0x0  }
0x19: {  	s7 =	sld [smem:$0x3F8D]  }
0x1a: {  	s8 =	sadd.s32 $0xFFFFE003, lr  }
0x1b: {  	s9 =	sadd.s32 $0xFFFFFEF7, lr;
	s5 =	simm.s32 $0xFFFFFFFF;
	p2 =	slt.u32 s8, $0xFFFFF086  }
0x1c: {  	p1 =	slt.u32 s9, $0xF7A;
	s5 =	simm.s32 @!p2 $0x0  }
0x1d: {  	s5 =	simm.s32 @p1 $0x1;
	p0 =	seq.s32 s7, s2  }
0x1e: {  	s7 =	smul.u32 @!p0 $0xF7A, s2;
	p2 =	seq.s32 @!p0 s5, $0x0  }
0x1f: {  	s9 =	smul.u32 $0xF7A, s1;
	s8 =	simm.s32 @!p0 $0x1BF5;
	p2 =	por !p2, p0  }
0x20: {  	[sflag:s8] =	ssyncset.s32 @!p0 $0xFFFFF086;
	s6 =	sadd.s32 @!p0 s3, s7;
	s7 =	simm.s32 @!p0 $0x108  }
0x21: {  	s3 =	sadd.s32 s3, s9;
	s6 =	sadd.s32 @!p0 $0x88, s6;
	s7 =	simm.s32 @p2 $0x1082  }
0x22: {  	[simem:s7], [sflag:s8] =	dma.local @!p0 [hbm:s6], $0xF7A  }
0x23: {  	s9 =	sor.u32 $0xD0000000, s2;
	s6 =	simm.s32 $0x108;
	_ =	swait.ge @!p0 [sflag:s8], $0x0  }
0x24: {  	s3 =	sadd.s32 $0x88, s3;
	s6 =	simm.s32 @!p1 $0x1082;
	[sflag:s4] =	ssyncset.s32 $0xFFFFF086  }
0x25: {  	[simem:s6], [sflag:s4] =	dma.local [hbm:s3], $0xF7A  }
0x26: {  	[smem:$0x3F8D] =	sst s1;
	(tag) =	ssettag s2;
	_ =	strace s9  }
0x27: {  	s1 =	sld [smem:$0x3F9D]  }
0x28: {  	s2 =	sld [smem:$0x3F9E]  }
0x29: {  	s4 =	sld [smem:$0x3FA0]  }
0x2a: {  	p0 =	seq.s32 s5, $0x0;
	s5 =	sld [smem:$0x3FA1]  }
0x2b: {  	s6 =	sld [smem:$0x3FA2]  }
0x2c: {  	s7 =	sld [smem:$0x3FA3]  }
0x2d: {  	s3 =	simm.s32 $0x108;
	s8 =	sld [smem:$0x3FA4]  }
0x2e: {  	s3 =	simm.s32 @!p0 $0x1082;
	s9 =	sld [smem:$0x3FA5]  }
0x2f: {  	lr =	sadd.s32 s0, s3;
	s0 =	sld [smem:$0x3F9C]  }
0x30: {  	s3 =	sld [smem:$0x3F9F]  }
0x31: {  	[smem:$0x3FA8] =	sst s10  }
0x32: {  	s10 =	sld [smem:$0x3FA6];
	_ =	sdelay $0x3  }
0x33: {  	p0 =	seq.s32 s10, $0x1;
	s10 =	sld [smem:$0x3FA8];
	_ =	sdelay $0x3  }
0x34: {  	[smem:$0x3FA8] =	sst s10  }
0x35: {  	s10 =	sld [smem:$0x3FA7];
	_ =	sdelay $0x3  }
0x36: {  	p1 =	seq.s32 s10, $0x1;
	s10 =	sld [smem:$0x3FA8];
	_ =	sdelay $0x3  }
0x37: {  	[smem:$0x3FA8] =	sst s10  }
0x38: {  	s10 =	sld [smem:$0x3FA9]  }
0x39: {  	_ = 	snop;
	(pc) =	sbr.ind lr, $3  }
0x3a: {  	_ = 	snop  }
0x3b: {  	_ = 	snop  }
0x3c: {  	p2 =	seq.s32 s10, $0x1;
	s10 =	sld [smem:$0x3FA8]  }
0x3d: {  	_ =	shalt  }
0x3e: {  	_ =	shalt  }
0x3f: {  	_ =	shalt  }
0x40: {  	_ =	shalt  }
0x41: {  	_ =	shalt  }
0x42: {  	_ =	shalt  }
0x43: {  	_ =	shalt  }
0x44: {  	_ =	shalt  }
0x45: {  	_ =	shalt  }
0x46: {  	_ =	shalt  }
0x47: {  	_ =	shalt  }
0x48: {  	_ =	shalt  }
0x49: {  	_ =	shalt  }
0x4a: {  	_ =	shalt  }
0x4b: {  	_ =	shalt  }
0x4c: {  	_ =	shalt  }
0x4d: {  	_ =	shalt  }
0x4e: {  	_ =	shalt  }
0x4f: {  	_ =	shalt  }
0x50: {  	_ =	shalt  }
0x51: {  	_ =	shalt  }
0x52: {  	_ =	shalt  }
0x53: {  	_ =	shalt  }
0x54: {  	_ =	shalt  }
0x55: {  	_ =	shalt  }
0x56: {  	_ =	shalt  }
0x57: {  	_ =	shalt  }
0x58: {  	_ =	shalt  }
0x59: {  	_ =	shalt  }
0x5a: {  	_ =	shalt  }
0x5b: {  	_ =	shalt  }
0x5c: {  	_ =	shalt  }
0x5d: {  	_ =	shalt  }
0x5e: {  	_ =	shalt  }
0x5f: {  	_ =	shalt  }
0x60: {  	_ =	shalt  }
0x61: {  	_ =	shalt  }
0x62: {  	_ =	shalt  }
0x63: {  	_ =	shalt  }
0x64: {  	_ =	shalt  }
0x65: {  	_ =	shalt  }
0x66: {  	_ =	shalt  }
0x67: {  	_ =	shalt  }
0x68: {  	_ =	shalt  }
0x69: {  	_ =	shalt  }
0x6a: {  	_ =	shalt  }
0x6b: {  	_ =	shalt  }
0x6c: {  	_ =	shalt  }
0x6d: {  	_ =	shalt  }
0x6e: {  	_ =	shalt  }
0x6f: {  	_ =	shalt  }
0x70: {  	_ =	shalt  }
0x71: {  	_ =	shalt  }
0x72: {  	_ =	shalt  }
0x73: {  	_ =	shalt  }
0x74: {  	_ =	shalt  }
0x75: {  	_ =	shalt  }
0x76: {  	_ =	shalt  }
0x77: {  	_ =	shalt  }
0x78: {  	_ =	shalt  }
0x79: {  	_ =	shalt  }
0x7a: {  	_ =	shalt  }
0x7b: {  	_ =	shalt  }
0x7c: {  	_ =	shalt  }
0x7d: {  	_ =	shalt  }
0x7e: {  	_ =	shalt  }
0x7f: {  	_ =	shalt  }
0x80: {  	_ =	shalt  }
0x81: {  	_ =	shalt  }
0x82: {  	_ =	shalt  }
0x83: {  	_ =	shalt  }
0x84: {  	_ =	shalt  }
0x85: {  	_ =	shalt  }
0x86: {  	_ =	shalt  }
0x87: {  	_ =	shalt  }
.Lfunc_end0:
.L_simem_size_0:
called_computation_lowered:
.L_overlay_start_0:
0x88: {  	s2 =	sld [smem:$0x3FD9]  }
0x89: {  	s3 =	sld [smem:$0x3FFE];
	_ =	sdelay $0x1  }
0x8a: {  	s1 =	srdreg.scid  }
0x8b: {  	s0 =	sand.u32 $0x1, s1  }
0x8c: {  	s17 =	sshll.u32 s0, $0xA;
	s2 =	sadd.s32 s3, s2  }
0x8d: {  	s2 =	sadd.s32 s2, s17  }
0x8e: {  	[smem:$0x3FB4] =	sst s2  }
0x8f: {  	_ = 	snop  }
0x90: {  	s2 =	sld [smem:$0x3FC9]  }
0x91: {  	s18 =	sld [smem:$0x3FD0];
	(tm) =	ssettm $0x1  }
0x92: {  	s4 =	sld [smem:$0x3FFB];
	_ =	sdelay $0x3  }
0x93: {  	_ =	strace s4  }
0x94: {  	s4 =	sld [smem:$0x3FFC];
	_ =	sdelay $0x3  }
0x95: {  	_ =	strace s4  }
0x96: {  	s4 =	sld [smem:$0x3FFD];
	_ =	sdelay $0x3  }
0x97: {  	_ =	strace s4  }
0x98: {  	_ =	strace $0x8FFFFFFF  }
0x99: {  	s19 =	sld [smem:$0x3FDB];
	_ =	sdelay $0x1  }
0x9a: {  	s5 =	simm.s32 $_scs_section_size  }
0x9b: {  	s6 =	simm.s32 $_size__tile_overlayer_lowered;
	s7 =	simm.s32 $_tile_overlayer_lowered  }
0x9c: {  	s22 =	simm.s32 $0x1BFF;
	s21 =	sshll.u32 s7, $0x1;
	s4 =	sadd.s32 s5, s19  }
0x9d: {  	s8 =	simm.s32 $0x0;
	s20 =	sshll.u32 s6, $0x1;
	s6 =	sadd.s32 s21, s4  }
0x9e: {  	[timem:s8], [sflag:s22] =	dma.local [hbm:s6], s20  }
0x9f: {  	_ =	swait.ge [sflag:s22], s20  }
0xa0: {  	s5 =	ssub.s32 $0x0, s20;
	[sflag:s22] =	ssyncset.done $0x0  }
0xa1: {  	[sflag:s22] =	ssyncadd.s32 s5;
	_ =	sdelay $0x1  }
0xa2: {  	s23 =	simm.s32 $0x1B8B  }
0xa3: {  	_ =	swait.ge [sflag:s23], $0x1  }
0xa4: {  	[sflag:s23] =	ssyncset.done $0x0  }
0xa5: {  	s25 =	simm.s32 $0x1B8E;
	s24 =	sld [smem:$0x3FFE];
	[sflag:s23] =	ssyncadd.s32 $0xFFFFFFFF  }
0xa6: {  	s26 =	simm.s32 $execute0_lowered;
	[smem:$0x3FD2] =	sst s25  }
0xa7: {  	s6 =	sshll.u32 s26, $0x1;
	_ =	strace $0x80000046;
	[dreg:$0x1] =	wrdreg $0xFFFFFFFF  }
0xa8: {  	s28 =	simm.s32 $_size_execute0_lowered;
	s4 =	sadd.s32 s4, s6;
	[dreg:$0x0] =	wrdreg $0x0  }
0xa9: {  	s6 =	sshll.u32 s28, $0x1;
	[dreg:$0x2] =	wrdreg s4  }
0xaa: {  	[dreg:$0x3] =	wrdreg s6  }
0xab: {  	[dreg:$0x4] =	wrdreg $0xC0  }
0xac: {  	_ =	task [dreg:s8], $0x5FFFF  }
0xad: {  	[dreg:$0x1] =	wrdreg $0xFFFFFFFF  }
0xae: {  	[dreg:$0x0] =	wrdreg $0x60  }
0xaf: {  	[dreg:$0x2] =	wrdreg s18  }
0xb0: {  	[dreg:$0x3] =	wrdreg s24  }
0xb1: {  	[dreg:$0x4] =	wrdreg s2  }
0xb2: {  	[dreg:$0x5] =	wrdreg $0xB7000  }
0xb3: {  	[dreg:$0x6] =	wrdreg $0x9  }
0xb4: {  	_ =	task.clear_ibuf [dreg:s8], $0x7FFFF;
	_ =	strace $0x90000046  }
0xb5: {  	s29 =	simm.s32 $0x9;
	_ =	strace $0x80000048  }
0xb6: {  	_ =	swait.ge [sflag:s29], $0x1  }
0xb7: {  	[sflag:s29] =	ssyncadd.s32 $0xFFFFFFFF  }
0xb8: {  	_ =	strace $0x90000048  }
0xb9: {  	_ =	sfence  }
0xba: {  	s30 =	sld [smem:$0x0];
	_ =	sdelay $0x2  }
0xbb: {  	s31 =	sshll.u32 s1, $0xD;
	s1 =	sshrl.u32 s1, $0x2  }
0xbc: {  	s3 =	sand.u32 $0x4000, s31;
	s1 =	sadd.s32 s1, s30  }
0xbd: {  	s0 =	sor.u32 s3, s0;
	s1 =	sshll.u32 s1, $0x11  }
0xbe: {  	s0 =	sor.u32 s1, s0  }
0xbf: {  	s0 =	sadd.s32 $0x8F2B, s0  }
0xc0: {  	[sflag:s0] =	ssyncadd.remote.s32 $0x1  }
0xc1: {  	_ =	sfence.sel $0xFFFF  }
0xc2: {  	[dreg:$0x0] =	wrdreg $0xFFFFFFFF;
	(pc) =	sbr.abs _section_cstart, $3  }
0xc3: {  	[dreg:$0x1] =	wrdreg $0xFFFFFFFF  }
0xc4: {  	_ =	task.clear_ibuf [dreg:s8], $0x2FFFF;
	_ =	strace $0x9FFFFFFF  }
0xc5: {  	(tm) =	ssettm $0x7FFFFFFF  }
tec
execute0_lowered:
.L_overlay_start_1:
0x0: {  	(tag) =	ssettag $0x1  }
0x1: {  	s1 =	rddreg [dreg:$0x0]  }
0x2: {  	s0 =	rddreg [dreg:$0x1]  }
0x3: {  	s2 =	rddreg [dreg:$0x2]  }
0x4: {  	s3 =	rddreg [dreg:$0x3]  }
0x5: {  	s5 =	simm.s32 $0x0;
	s4 =	srdreg.scid;
	s21 =	stileid.u32  }
0x6: {  	s28 =	simm.s32 $0x2;
	s29 =	simm.s32 $0x2B00;
	s30 =	simm.s32 $0x6  }
0x7: {  	s31 =	simm.s32 $0x9;
	[smem:$0x7FF] =	sst s5;
	s7 =	smul.u32 $0x280, s21  }
0x8: {  	s4 =	sand.u32 $0x1, s4;
	s6 =	sadd.s32 $0x273000, s0;
	s9 =	smul.u32 $0x50000, s21  }
0x9: {  	s22 =	sadd.s32 $0x2000, s0;
	s19 =	sshll.u32 s21, $0x1;
	s25 =	smul.u32 $0x14000, s21  }
0xa: {  	p0 =	seq.s32 s21, $0xF;
	s21 =	simm.s32 $0x1;
	s5 =	sor.u32 s4, s19  }
0xb: {  	_ =	strace $0x80000047;
	s18 =	ssub.s32 $0x2, s4;
	s10 =	smul.u32 $0x7D, s5  }
0xc: {  	[dreg:$0x5] =	wrdreg s22;
	s8 =	sshrl.u32 s18, $0x1;
	s13 =	smul.u32 $0xFA0, s5  }
0xd: {  	s20 =	sshrl.u32 s9, $0x2;
	s23 =	sshll.u32 s7, $0x7;
	s16 =	smul.u32 $0x7D00, s5  }
0xe: {  	s7 =	sadd.s32 $0x230, s7;
	s5 =	smul.u32 $0x13880, s5;
	s0 =	ssub.s32 s18, s8  }
0xf: {  	s26 =	sadd.s32 s20, s3;
	s8 =	sor.u32 $0x2800, s23;
	s11 =	sadd.s32 $0x5000, s23  }
0x10: {  	s12 =	sadd.s32 $0x7800, s23;
	s14 =	sadd.s32 $0xA000, s23;
	s15 =	sadd.s32 $0xC800, s23  }
0x11: {  	s9 =	sadd.s32 $0xF000, s23;
	s18 =	sshll.u32 s7, $0x7;
	s23 =	smul.u32 $0x138800, s4  }
0x12: {  	s7 =	simm.s32 @p0 $0x27B0;
	s17 =	sadd.s32 $0x1, s10;
	s18 =	sadd.s32 s18, s3  }
0x13: {  	s16 =	sshrl.u32 s16, $0x3;
	s13 =	sadd.s32 s1, s13;
	[dreg:$0x6] =	wrdreg s26  }
0x14: {  	s0 =	smax.u32 s0, $0x1;
	s19 =	smul.u32 $0x280, s17;
	[dreg:$0x7] =	wrdreg s18  }
0x15: {  	s24 =	sshll.u32 s17, $0x5;
	s16 =	sadd.s32 s1, s16;
	[dreg:$0x9] =	wrdreg s13  }
0x16: {  	s18 =	sadd.s32 s6, s5;
	s17 =	sadd.s32 $0x2, s10;
	[dreg:$0x8] =	wrdreg s23  }
0x17: {  	[dreg:$0x1b] =	wrdreg s0;
	s0 =	sshll.u32 @!p0 s7, $0x7;
	s7 =	simm.s32 $0x3  }
0x18: {  	s4 =	sadd.s32 s1, s24;
	s16 =	sadd.s32 $0x40, s16;
	[dreg:$0xc] =	wrdreg s18  }
0x19: {  	s24 =	sadd.s32 s25, s23;
	s25 =	sadd.s32 s8, s3;
	[dreg:$0x1c] =	wrdreg s0  }
0x1a: {  	s8 =	sadd.s32 s23, s8;
	s18 =	sadd.s32 $0x3, s10;
	[dreg:$0xa] =	wrdreg s4  }
0x1b: {  	[dreg:$0xb] =	wrdreg s16;
	s20 =	sadd.s32 s6, s19;
	s4 =	sshrl.u32 s24, $0x3  }
0x1c: {  	[dreg:$0xe] =	wrdreg s25;
	s19 =	sadd.s32 $0x4, s10;
	s13 =	sshrl.u32 s8, $0x3  }
0x1d: {  	s16 =	sadd.s32 s11, s3;
	s24 =	sadd.s32 s23, s11;
	s25 =	sadd.s32 s12, s3  }
0x1e: {  	s8 =	sadd.s32 s23, s12;
	s11 =	sadd.s32 s23, s14;
	[dreg:$0xd] =	wrdreg s20  }
0x1f: {  	s20 =	sadd.s32 $0x5, s10;
	s4 =	sadd.s32 s22, s4;
	[dreg:$0x11] =	wrdreg s16  }
0x20: {  	[dreg:$0x12] =	wrdreg s25;
	s5 =	sshrl.u32 s8, $0x3;
	s10 =	sadd.s32 s14, s3  }
0x21: {  	s14 =	sadd.s32 s15, s3;
	s15 =	sadd.s32 s23, s15;
	[dreg:$0xf] =	wrdreg s4  }
0x22: {  	s16 =	sadd.s32 s9, s3;
	s8 =	simm.s32 $0x0;
	[dreg:$0x13] =	wrdreg s10  }
0x23: {  	s4 =	sadd.s32 s22, s13;
	s12 =	sadd.s32 s22, s5;
	[dreg:$0x17] =	wrdreg s14  }
0x24: {  	s13 =	sshrl.u32 s11, $0x3;
	[dreg:$0x18] =	wrdreg s16;
	s14 =	simm.s32 $0x100  }
0x25: {  	s10 =	simm.s32 $0x5300;
	[dreg:$0x10] =	wrdreg s4;
	s4 =	sshrl.u32 s24, $0x3  }
0x26: {  	[dreg:$0x15] =	wrdreg s12;
	s24 =	sadd.s32 s23, s9;
	s12 =	simm.s32 $0x300  }
0x27: {  	s9 =	simm.s32 $0x7;
	s23 =	simm.s32 $0x5;
	s4 =	sadd.s32 s22, s4  }
0x28: {  	s25 =	sshrl.u32 s24, $0x3;
	[dreg:$0x14] =	wrdreg s4;
	s4 =	sadd.s32 s22, s13  }
0x29: {  	s24 =	simm.s32 $0x8;
	[dreg:$0x16] =	wrdreg s4;
	s4 =	sshrl.u32 s15, $0x3  }
0x2a: {  	s13 =	simm.s32 $0xA;
	s15 =	simm.s32 $0x200;
	s4 =	sadd.s32 s22, s4  }
0x2b: {  	[dreg:$0x19] =	wrdreg s4;
	s4 =	sadd.s32 s22, s25;
	s22 =	simm.s32 $0x50  }
0x2c: {  	v0 =	vimm.f32 $0.0e+00;
	s25 =	simm.s32 $0x180;
	[dreg:$0x1a] =	wrdreg s4;
	s4 =	simm.s32 $0x4  }
.LBB2_1:
0x2d: {  	[dreg:$0x1d] =	wrdreg s8;
	s0 =	simm.s32 $0x0;
	s5 =	simm.s32 $0x200  }
.LBB2_2:
0x2e: {  	p1 =	sne.s32 s5, $0x9E00;
	[tilespmem:s0+$0x370] =	vst v0  }
0x2f: {  	[tilespmem:s0+$0x300] =	vst v0  }
0x30: {  	[tilespmem:s0+$0x310] =	vst v0  }
.Ltmp0:
0x31: {  	[tilespmem:s0+$0x320] =	vst v0;
	(pc) =	sbr.rel @p1 .LBB2_2-.Ltmp0, $4  }
0x32: {  	[tilespmem:s0+$0x330] =	vst v0  }
0x33: {  	[tilespmem:s0+$0x340] =	vst v0  }
0x34: {  	[tilespmem:s0+$0x350] =	vst v0  }
0x35: {  	[tilespmem:s0+$0x360] =	vst v0;
	s0 =	sshra.s32 s5, $0x2;
	s5 =	sadd.s32 $0x200, s5  }
0x36: {  	[tilespmem:s0+$0x370] =	vst v0  }
0x37: {  	[tilespmem:s0+$0x300] =	vst v0  }
0x38: {  	[tilespmem:s0+$0x310] =	vst v0  }
0x39: {  	[tilespmem:s0+$0x320] =	vst v0  }
0x3a: {  	[tilespmem:s0+$0x330] =	vst v0  }
0x3b: {  	[tilespmem:s0+$0x340] =	vst v0  }
0x3c: {  	[tilespmem:s0+$0x350] =	vst v0  }
0x3d: {  	[tilespmem:s0+$0x360] =	vst v0  }
0x3e: {  	[spmem:s26] =	stream.linear.scatter [tilespmem:s12], [sflag:$0xA], $0x2800, $0x38;
	[tilespmem:$0x1EF80] =	vst v63  }
0x3f: {  	_ =	swait.ge [sflag:s13], $0x2800  }
0x40: {  	[sflag:s13] =	ssyncset.done $0x0  }
0x41: {  	s16 =	rddreg [dreg:$0xe];
	[sflag:s13] =	ssyncadd.s32 $0xFFFFD800  }
0x42: {  	[spmem:s16] =	stream.linear.scatter [tilespmem:s12], [sflag:$0xA], $0x2800, $0x38;
	[tilespmem:$0x1EF80] =	vst v63  }
0x43: {  	_ =	swait.ge [sflag:s13], $0x2800  }
0x44: {  	[sflag:s13] =	ssyncset.done $0x0  }
0x45: {  	s26 =	rddreg [dreg:$0x11];
	[sflag:s13] =	ssyncadd.s32 $0xFFFFD800  }
0x46: {  	[spmem:s26] =	stream.linear.scatter [tilespmem:s12], [sflag:$0xA], $0x2800, $0x38;
	[tilespmem:$0x1EF80] =	vst v63  }
0x47: {  	_ =	swait.ge [sflag:s13], $0x2800  }
0x48: {  	[sflag:s13] =	ssyncset.done $0x0  }
0x49: {  	s5 =	rddreg [dreg:$0x12];
	[sflag:s13] =	ssyncadd.s32 $0xFFFFD800  }
0x4a: {  	[spmem:s5] =	stream.linear.scatter [tilespmem:s12], [sflag:$0xA], $0x2800, $0x38;
	[tilespmem:$0x1EF80] =	vst v63  }
0x4b: {  	_ =	swait.ge [sflag:s13], $0x2800  }
0x4c: {  	[sflag:s13] =	ssyncset.done $0x0  }
0x4d: {  	s8 =	rddreg [dreg:$0x13];
	[sflag:s13] =	ssyncadd.s32 $0xFFFFD800  }
0x4e: {  	[spmem:s8] =	stream.linear.scatter [tilespmem:s12], [sflag:$0xA], $0x2800, $0x38;
	[tilespmem:$0x1EF80] =	vst v63  }
0x4f: {  	_ =	swait.ge [sflag:s13], $0x2800  }
0x50: {  	[sflag:s13] =	ssyncset.done $0x0  }
0x51: {  	s0 =	simm.s32 @!p0 $0x300;
	s5 =	rddreg [dreg:$0x17];
	[sflag:s13] =	ssyncadd.s32 $0xFFFFD800  }
0x52: {  	[spmem:s5] =	stream.linear.scatter @!p0 [tilespmem:s0], [sflag:$0xA], $0x2800, $0x38;
	[tilespmem:$0x1EF80] =	vst v63  }
0x53: {  	s5 =	simm.s32 @!p0 $0xA  }
0x54: {  	_ =	swait.ge @!p0 [sflag:s5], $0x2800  }
0x55: {  	[sflag:s5] =	ssyncset.done @!p0 $0x0  }
0x56: {  	s8 =	rddreg [dreg:$0x18];
	[sflag:s5] =	ssyncadd.s32 @!p0 $0xFFFFD800  }
0x57: {  	[spmem:s8] =	stream.linear.scatter @!p0 [tilespmem:s0], [sflag:$0xA], $0x2800, $0x38;
	[tilespmem:$0x1EF80] =	vst v63  }
0x58: {  	_ =	swait.ge @!p0 [sflag:s5], $0x2800  }
0x59: {  	[sflag:s5] =	ssyncset.done @!p0 $0x0  }
0x5a: {  	s8 =	rddreg [dreg:$0x7];
	[sflag:s5] =	ssyncadd.s32 @!p0 $0xFFFFD800  }
0x5b: {  	[spmem:s8] =	stream.linear.scatter @!p0 [tilespmem:s0], [sflag:$0xA], $0x2800, $0x38;
	[tilespmem:$0x1EF80] =	vst v63  }
0x5c: {  	_ =	swait.ge @!p0 [sflag:s5], $0x2800  }
0x5d: {  	[sflag:s5] =	ssyncset.done @!p0 $0x0  }
0x5e: {  	[sflag:s5] =	ssyncadd.s32 @!p0 $0xFFFFD800  }
0x5f: {  	[bflag:$0x0] =	sbarrier.arrive $0xFFFF  }
0x60: {  	s5 =	simm.s32 $0x0;
	s11 =	rddreg [dreg:$0x9]  }
0x61: {  	[tilespmem:s5], [sflag:$0x1] =	stream.linear.gather [hbm4b:s11+s5], $0x100, $0x38;
	[tilespmem:$0x1EF80] =	vst v63  }
0x62: {  	s16 =	rddreg [dreg:$0xa]  }
0x63: {  	[tilespmem:s14], [sflag:$0x2] =	stream.linear.gather [hbm4b:s16+s5], $0x100, $0x38;
	[tilespmem:$0x1EF80] =	vst v63  }
0x64: {  	s26 =	rddreg [dreg:$0xb]  }
0x65: {  	[tilespmem:s15], [sflag:$0x3] =	stream.linear.gather [hbm4b:s26+s5], $0x100, $0x38;
	[tilespmem:$0x1EF80] =	vst v63  }
0x66: {  	_ =	swait.ge [sflag:s21], $0x100  }
0x67: {  	[sflag:s21] =	ssyncset.done $0x0  }
0x68: {  	[sflag:s21] =	ssyncadd.s32 $0xFFFFFF00  }
0x69: {  	[tilespmem:s12], [sflag:$0x4] =	stream.indirect.gather [hbm4b:s2+s22], $0x80, s5, s22, $0xb8;
	[tilespmem:$0x1EF80] =	vst v63  }
0x6a: {  	s11 =	simm.s32 $0x7B00;
	s8 =	rddreg [dreg:$0xc]  }
0x6b: {  	[tilespmem:s11], [sflag:$0x7] =	stream.linear.gather [hbm4b:s8+s5], $0x1400, $0x38;
	[tilespmem:$0x1EF80] =	vst v63  }
0x6c: {  	_ =	swait.ge [sflag:s28], $0x100  }
0x6d: {  	[sflag:s28] =	ssyncset.done $0x0  }
0x6e: {  	[sflag:s28] =	ssyncadd.s32 $0xFFFFFF00  }
0x6f: {  	[tilespmem:s29], [sflag:$0x5] =	stream.indirect.gather [hbm4b:s2+s22], $0x80, s14, s22, $0xb8;
	[tilespmem:$0x1EF80] =	vst v63  }
0x70: {  	s26 =	simm.s32 $0x8F00;
	s8 =	simm.s32 $0x0;
	s16 =	rddreg [dreg:$0xd]  }
0x71: {  	[tilespmem:s26], [sflag:$0x8] =	stream.linear.gather [hbm4b:s16+s5], $0x1400, $0x38;
	[tilespmem:$0x1EF80] =	vst v63  }
.LBB2_4:
0x72: {  	_ =	swait.ge [sflag:s4], $0x2800  }
0x73: {  	[sflag:s4] =	ssyncset.done $0x0  }
0x74: {  	[sflag:s4] =	ssyncadd.s32 $0xFFFFD800  }
0x75: {  	_ =	swait.ge [sflag:s9], $0x1400  }
0x76: {  	[sflag:s9] =	ssyncset.done $0x0  }
0x77: {  	s11 =	smul.u32 $0x3, s8;
	[sflag:s9] =	ssyncadd.s32 $0xFFFFEC00  }
0x78: {  	_ =	swait.ge [sflag:s7], $0x100  }
0x79: {  	s0 =	sadd.s32 s11, s17;
	[sflag:s7] =	ssyncset.done $0x0  }
0x7a: {  	s0 =	smul.u32 $0x280, s0;
	[sflag:s7] =	ssyncadd.s32 $0xFFFFFF00  }
0x7b: {  	[tilespmem:s10], [sflag:$0x6] =	stream.indirect.gather [hbm4b:s2+s22], $0x80, s15, s22, $0xb8;
	[tilespmem:$0x1EF80] =	vst v63  }
0x7c: {  	s16 =	simm.s32 $0xA300;
	s0 =	sadd.s32 s6, s0  }
0x7d: {  	[tilespmem:s16], [sflag:$0x9] =	stream.linear.gather [hbm4b:s0+s5], $0x1400, $0x38;
	[tilespmem:$0x1EF80] =	vst v63  }
0x7e: {  	s0 =	simm.s32 $0x0  }
0x7f: {  	s26 =	simm.s32 $0x340;
	v1 =	vld [tilespmem:s0+$0x7B00]  }
0x80: {  	s16 =	simm.s32 $0x100;
	v2 =	vld [tilespmem:s26+$0xFFFFFFC0]  }
.LBB2_5:
0x81: {  	p1 =	sne.s32 s16, $0x4F00;
	v3 =	vld [tilespmem:s26+$0xFFFFFFD0];
	_ =	sdelay $0x2  }
0x82: {  	v4 =	vshll.u32 v1, $0x10  }
0x83: {  	v1 =	vand.u32 $0xFFFF0000, v1;
	v2 =	vadd.f32 v4, v2  }
0x84: {  	v1 =	vadd.f32 v1, v3  }
0x85: {  	v2 =	vmax.f32 v2, $0.0e+00  }
0x86: {  	[tilespmem:s26+$0xFFFFFFC0] =	vst v2;
	v1 =	vmax.f32 v1, $0.0e+00  }
0x87: {  	[tilespmem:s26+$0xFFFFFFD0] =	vst v1  }
0x88: {  	v1 =	vld [tilespmem:s0+$0x7B10]  }
0x89: {  	v2 =	vld [tilespmem:s26+$0xFFFFFFE0]  }
0x8a: {  	v3 =	vld [tilespmem:s26+$0xFFFFFFF0];
	_ =	sdelay $0x2  }
0x8b: {  	v4 =	vshll.u32 v1, $0x10  }
0x8c: {  	v1 =	vand.u32 $0xFFFF0000, v1;
	v2 =	vadd.f32 v4, v2  }
0x8d: {  	v1 =	vadd.f32 v1, v3  }
0x8e: {  	v2 =	vmax.f32 v2, $0.0e+00  }
0x8f: {  	[tilespmem:s26+$0xFFFFFFE0] =	vst v2;
	v1 =	vmax.f32 v1, $0.0e+00  }
0x90: {  	[tilespmem:s26+$0xFFFFFFF0] =	vst v1;
	v1 =	vld [tilespmem:s26+$0x10]  }
0x91: {  	v2 =	vld [tilespmem:s0+$0x7B20]  }
0x92: {  	v3 =	vld [tilespmem:s26+$0x0];
	_ =	sdelay $0x3  }
0x93: {  	v4 =	vshll.u32 v2, $0x10;
	v2 =	vand.u32 $0xFFFF0000, v2  }
0x94: {  	v3 =	vadd.f32 v4, v3;
	v1 =	vadd.f32 v2, v1;
	_ =	sdelay $0x1  }
0x95: {  	v2 =	vmax.f32 v3, $0.0e+00;
	v1 =	vmax.f32 v1, $0.0e+00  }
0x96: {  	[tilespmem:s26+$0x10] =	vst v1  }
0x97: {  	[tilespmem:s26+$0x0] =	vst v2;
	v1 =	vld [tilespmem:s26+$0x30]  }
0x98: {  	v2 =	vld [tilespmem:s0+$0x7B30]  }
0x99: {  	v3 =	vld [tilespmem:s26+$0x20];
	_ =	sdelay $0x3  }
0x9a: {  	v4 =	vshll.u32 v2, $0x10;
	v2 =	vand.u32 $0xFFFF0000, v2  }
0x9b: {  	v3 =	vadd.f32 v4, v3;
	v1 =	vadd.f32 v2, v1;
	_ =	sdelay $0x1  }
.Ltmp1:
0x9c: {  	v2 =	vmax.f32 v3, $0.0e+00;
	v1 =	vmax.f32 v1, $0.0e+00;
	(pc) =	sbr.rel @p1 .LBB2_5-.Ltmp1, $4  }
0x9d: {  	[tilespmem:s26+$0x20] =	vst v2  }
0x9e: {  	s0 =	sshra.s32 s16, $0x2;
	[tilespmem:s26+$0x30] =	vst v1  }
0x9f: {  	s26 =	sadd.s32 $0x80, s26;
	v1 =	vld [tilespmem:s0+$0x7B00]  }
0xa0: {  	s16 =	sadd.s32 $0x100, s16;
	v2 =	vld [tilespmem:s26+$0xFFFFFFC0]  }
0xa1: {  	v3 =	vld [tilespmem:s26+$0xFFFFFFD0];
	_ =	sdelay $0x2  }
0xa2: {  	v4 =	vshll.u32 v1, $0x10  }
0xa3: {  	v1 =	vand.u32 $0xFFFF0000, v1;
	v2 =	vadd.f32 v4, v2  }
0xa4: {  	v1 =	vadd.f32 v1, v3  }
0xa5: {  	v2 =	vmax.f32 v2, $0.0e+00  }
0xa6: {  	[tilespmem:s26+$0xFFFFFFC0] =	vst v2;
	v1 =	vmax.f32 v1, $0.0e+00  }
0xa7: {  	[tilespmem:s26+$0xFFFFFFD0] =	vst v1  }
0xa8: {  	v1 =	vld [tilespmem:s0+$0x7B10]  }
0xa9: {  	v2 =	vld [tilespmem:s26+$0xFFFFFFE0]  }
0xaa: {  	v3 =	vld [tilespmem:s26+$0xFFFFFFF0];
	_ =	sdelay $0x2  }
0xab: {  	v61 =	vshll.u32 v1, $0x10  }
0xac: {  	v1 =	vand.u32 $0xFFFF0000, v1;
	v2 =	vadd.f32 v61, v2  }
0xad: {  	v1 =	vadd.f32 v1, v3  }
0xae: {  	v2 =	vmax.f32 v2, $0.0e+00  }
0xaf: {  	v1 =	vmax.f32 v1, $0.0e+00;
	[tilespmem:s26+$0xFFFFFFE0] =	vst v2  }
0xb0: {  	[tilespmem:s26+$0xFFFFFFF0] =	vst v1  }
0xb1: {  	v1 =	vld [tilespmem:s0+$0x7B20]  }
0xb2: {  	v2 =	vld [tilespmem:s26+$0x10]  }
0xb3: {  	v3 =	vld [tilespmem:s26+$0x0];
	_ =	sdelay $0x2  }
0xb4: {  	v62 =	vand.u32 $0xFFFF0000, v1  }
0xb5: {  	v1 =	vshll.u32 v1, $0x10;
	v2 =	vadd.f32 v62, v2  }
0xb6: {  	v1 =	vadd.f32 v1, v3  }
0xb7: {  	v2 =	vmax.f32 v2, $0.0e+00  }
0xb8: {  	v1 =	vmax.f32 v1, $0.0e+00;
	[tilespmem:s26+$0x10] =	vst v2  }
0xb9: {  	[tilespmem:s26+$0x0] =	vst v1  }
0xba: {  	v1 =	vld [tilespmem:s0+$0x7B30]  }
0xbb: {  	v2 =	vld [tilespmem:s26+$0x20]  }
0xbc: {  	v3 =	vld [tilespmem:s26+$0x30];
	_ =	sdelay $0x2  }
0xbd: {  	v63 =	vshll.u32 v1, $0x10  }
0xbe: {  	v1 =	vand.u32 $0xFFFF0000, v1;
	v2 =	vadd.f32 v63, v2  }
0xbf: {  	v1 =	vadd.f32 v1, v3  }
0xc0: {  	v2 =	vmax.f32 v2, $0.0e+00  }
0xc1: {  	v1 =	vmax.f32 v1, $0.0e+00;
	[tilespmem:s26+$0x20] =	vst v2  }
0xc2: {  	s0 =	sadd.s32 s11, s18;
	[tilespmem:s26+$0x30] =	vst v1;
	s26 =	simm.s32 $0x80  }
0xc3: {  	[spmem:s3] =	stream.indirect.scatter.add.f32 [tilespmem:s12], [sflag:$0xA], $0x80, s26, s22, $0xb8;
	[tilespmem:$0x1EF80] =	vst v63  }
0xc4: {  	s16 =	sshll.u32 s0, $0x5;
	_ =	swait.ge [sflag:s13], $0x2800  }
0xc5: {  	s16 =	sand.u32 $0x1FFFFFE0, s16;
	[sflag:s13] =	ssyncset.done $0x0  }
0xc6: {  	s16 =	sadd.s32 s1, s16;
	s26 =	simm.s32 $0x0;
	[sflag:s13] =	ssyncadd.s32 $0xFFFFD800  }
0xc7: {  	[tilespmem:s26], [sflag:$0x1] =	stream.linear.gather [hbm4b:s16+s26], $0x100, $0x38;
	[tilespmem:$0x1EF80] =	vst v63  }
0xc8: {  	_ =	swait.ge [sflag:s23], $0x2800  }
0xc9: {  	[sflag:s23] =	ssyncset.done $0x0  }
0xca: {  	[sflag:s23] =	ssyncadd.s32 $0xFFFFD800  }
0xcb: {  	_ =	swait.ge [sflag:s24], $0x1400  }
0xcc: {  	[sflag:s24] =	ssyncset.done $0x0  }
0xcd: {  	[sflag:s24] =	ssyncadd.s32 $0xFFFFEC00  }
0xce: {  	_ =	swait.ge [sflag:s21], $0x100  }
0xcf: {  	[sflag:s21] =	ssyncset.done $0x0  }
0xd0: {  	s0 =	smul.u32 $0x280, s0;
	[sflag:s21] =	ssyncadd.s32 $0xFFFFFF00  }
0xd1: {  	[tilespmem:s12], [sflag:$0x4] =	stream.indirect.gather [hbm4b:s2+s22], $0x80, s26, s22, $0xb8;
	[tilespmem:$0x1EF80] =	vst v63  }
0xd2: {  	s0 =	sadd.s32 s6, s0;
	s16 =	simm.s32 $0x7B00  }
0xd3: {  	[tilespmem:s16], [sflag:$0x7] =	stream.linear.gather [hbm4b:s0+s26], $0x1400, $0x38;
	[tilespmem:$0x1EF80] =	vst v63  }
0xd4: {  	s0 =	simm.s32 $0x0  }
0xd5: {  	s26 =	simm.s32 $0x2B70;
	v1 =	vld [tilespmem:s0+$0x8F00]  }
0xd6: {  	s16 =	simm.s32 $0x100;
	v2 =	vld [tilespmem:s26+$0xFFFFFF90]  }
.LBB2_7:
0xd7: {  	p1 =	sne.s32 s16, $0x4F00;
	v3 =	vld [tilespmem:s26+$0xFFFFFFA0];
	_ =	sdelay $0x2  }
0xd8: {  	v4 =	vshll.u32 v1, $0x10  }
0xd9: {  	v1 =	vand.u32 $0xFFFF0000, v1;
	v2 =	vadd.f32 v4, v2  }
0xda: {  	v1 =	vadd.f32 v1, v3  }
0xdb: {  	v2 =	vmax.f32 v2, $0.0e+00  }
0xdc: {  	[tilespmem:s26+$0xFFFFFF90] =	vst v2;
	v1 =	vmax.f32 v1, $0.0e+00  }
0xdd: {  	[tilespmem:s26+$0xFFFFFFA0] =	vst v1  }
0xde: {  	v1 =	vld [tilespmem:s0+$0x8F10]  }
0xdf: {  	v2 =	vld [tilespmem:s26+$0xFFFFFFB0]  }
0xe0: {  	v3 =	vld [tilespmem:s26+$0xFFFFFFC0];
	_ =	sdelay $0x2  }
0xe1: {  	v4 =	vshll.u32 v1, $0x10  }
0xe2: {  	v1 =	vand.u32 $0xFFFF0000, v1;
	v2 =	vadd.f32 v4, v2  }
0xe3: {  	v1 =	vadd.f32 v1, v3  }
0xe4: {  	v2 =	vmax.f32 v2, $0.0e+00  }
0xe5: {  	[tilespmem:s26+$0xFFFFFFB0] =	vst v2;
	v1 =	vmax.f32 v1, $0.0e+00  }
0xe6: {  	[tilespmem:s26+$0xFFFFFFC0] =	vst v1;
	v1 =	vld [tilespmem:s26+$0xFFFFFFE0]  }
0xe7: {  	v2 =	vld [tilespmem:s0+$0x8F20]  }
0xe8: {  	v3 =	vld [tilespmem:s26+$0xFFFFFFD0];
	_ =	sdelay $0x3  }
0xe9: {  	v4 =	vshll.u32 v2, $0x10;
	v2 =	vand.u32 $0xFFFF0000, v2  }
0xea: {  	v3 =	vadd.f32 v4, v3;
	v1 =	vadd.f32 v2, v1;
	_ =	sdelay $0x1  }
0xeb: {  	v2 =	vmax.f32 v3, $0.0e+00;
	v1 =	vmax.f32 v1, $0.0e+00  }
0xec: {  	[tilespmem:s26+$0xFFFFFFE0] =	vst v1  }
0xed: {  	[tilespmem:s26+$0xFFFFFFD0] =	vst v2;
	v1 =	vld [tilespmem:s26+$0xFFFFFFF0]  }
0xee: {  	v2 =	vld [tilespmem:s0+$0x8F30]  }
0xef: {  	v3 =	vld [tilespmem:s26+$0x0];
	_ =	sdelay $0x3  }
0xf0: {  	v4 =	vshll.u32 v2, $0x10;
	v2 =	vand.u32 $0xFFFF0000, v2  }
0xf1: {  	v1 =	vadd.f32 v4, v1;
	v2 =	vadd.f32 v2, v3;
	_ =	sdelay $0x1  }
.Ltmp2:
0xf2: {  	v1 =	vmax.f32 v1, $0.0e+00;
	v2 =	vmax.f32 v2, $0.0e+00;
	(pc) =	sbr.rel @p1 .LBB2_7-.Ltmp2, $4  }
0xf3: {  	[tilespmem:s26+$0xFFFFFFF0] =	vst v1  }
0xf4: {  	s0 =	sshra.s32 s16, $0x2;
	[tilespmem:s26+$0x0] =	vst v2  }
0xf5: {  	s26 =	sadd.s32 $0x80, s26;
	v1 =	vld [tilespmem:s0+$0x8F00]  }
0xf6: {  	s16 =	sadd.s32 $0x100, s16;
	v2 =	vld [tilespmem:s26+$0xFFFFFF90]  }
0xf7: {  	v3 =	vld [tilespmem:s26+$0xFFFFFFA0];
	_ =	sdelay $0x2  }
0xf8: {  	v4 =	vshll.u32 v1, $0x10  }
0xf9: {  	v1 =	vand.u32 $0xFFFF0000, v1;
	v2 =	vadd.f32 v4, v2  }
0xfa: {  	v1 =	vadd.f32 v1, v3  }
0xfb: {  	v2 =	vmax.f32 v2, $0.0e+00  }
0xfc: {  	[tilespmem:s26+$0xFFFFFF90] =	vst v2;
	v1 =	vmax.f32 v1, $0.0e+00  }
0xfd: {  	[tilespmem:s26+$0xFFFFFFA0] =	vst v1  }
0xfe: {  	v1 =	vld [tilespmem:s0+$0x8F10]  }
0xff: {  	v2 =	vld [tilespmem:s26+$0xFFFFFFB0]  }
0x100: {  	v3 =	vld [tilespmem:s26+$0xFFFFFFC0];
	_ =	sdelay $0x2  }
0x101: {  	v4 =	vshll.u32 v1, $0x10  }
0x102: {  	v1 =	vand.u32 $0xFFFF0000, v1;
	v2 =	vadd.f32 v4, v2  }
0x103: {  	v1 =	vadd.f32 v1, v3  }
0x104: {  	v2 =	vmax.f32 v2, $0.0e+00  }
0x105: {  	v1 =	vmax.f32 v1, $0.0e+00;
	[tilespmem:s26+$0xFFFFFFB0] =	vst v2  }
0x106: {  	[tilespmem:s26+$0xFFFFFFC0] =	vst v1  }
0x107: {  	v1 =	vld [tilespmem:s0+$0x8F20]  }
0x108: {  	v2 =	vld [tilespmem:s26+$0xFFFFFFE0]  }
0x109: {  	v3 =	vld [tilespmem:s26+$0xFFFFFFD0];
	_ =	sdelay $0x2  }
0x10a: {  	v4 =	vand.u32 $0xFFFF0000, v1  }
0x10b: {  	v1 =	vshll.u32 v1, $0x10;
	v2 =	vadd.f32 v4, v2  }
0x10c: {  	v1 =	vadd.f32 v1, v3  }
0x10d: {  	v2 =	vmax.f32 v2, $0.0e+00  }
0x10e: {  	v1 =	vmax.f32 v1, $0.0e+00;
	[tilespmem:s26+$0xFFFFFFE0] =	vst v2  }
0x10f: {  	[tilespmem:s26+$0xFFFFFFD0] =	vst v1  }
0x110: {  	v1 =	vld [tilespmem:s0+$0x8F30]  }
0x111: {  	v2 =	vld [tilespmem:s26+$0xFFFFFFF0]  }
0x112: {  	v3 =	vld [tilespmem:s26+$0x0];
	_ =	sdelay $0x2  }
0x113: {  	v4 =	vshll.u32 v1, $0x10  }
0x114: {  	v1 =	vand.u32 $0xFFFF0000, v1;
	v2 =	vadd.f32 v4, v2  }
0x115: {  	v1 =	vadd.f32 v1, v3  }
0x116: {  	v2 =	vmax.f32 v2, $0.0e+00  }
0x117: {  	v1 =	vmax.f32 v1, $0.0e+00;
	[tilespmem:s26+$0xFFFFFFF0] =	vst v2  }
0x118: {  	s0 =	sadd.s32 s11, s19;
	[tilespmem:s26+$0x0] =	vst v1  }
0x119: {  	[spmem:s3] =	stream.indirect.scatter.add.f32 [tilespmem:s29], [sflag:$0xA], $0x80, s25, s22, $0xb8;
	[tilespmem:$0x1EF80] =	vst v63  }
0x11a: {  	s16 =	sshll.u32 s0, $0x5;
	_ =	swait.ge [sflag:s13], $0x2800  }
0x11b: {  	s16 =	sand.u32 $0x1FFFFFE0, s16;
	[sflag:s13] =	ssyncset.done $0x0  }
0x11c: {  	s16 =	sadd.s32 s1, s16;
	s26 =	simm.s32 $0x0;
	[sflag:s13] =	ssyncadd.s32 $0xFFFFD800  }
0x11d: {  	[tilespmem:s14], [sflag:$0x2] =	stream.linear.gather [hbm4b:s16+s26], $0x100, $0x38;
	[tilespmem:$0x1EF80] =	vst v63  }
0x11e: {  	_ =	swait.ge [sflag:s30], $0x2800  }
0x11f: {  	[sflag:s30] =	ssyncset.done $0x0  }
0x120: {  	[sflag:s30] =	ssyncadd.s32 $0xFFFFD800  }
0x121: {  	_ =	swait.ge [sflag:s31], $0x1400  }
0x122: {  	[sflag:s31] =	ssyncset.done $0x0  }
0x123: {  	[sflag:s31] =	ssyncadd.s32 $0xFFFFEC00  }
0x124: {  	_ =	swait.ge [sflag:s28], $0x100  }
0x125: {  	[sflag:s28] =	ssyncset.done $0x0  }
0x126: {  	s0 =	smul.u32 $0x280, s0;
	[sflag:s28] =	ssyncadd.s32 $0xFFFFFF00  }
0x127: {  	[tilespmem:s29], [sflag:$0x5] =	stream.indirect.gather [hbm4b:s2+s22], $0x80, s14, s22, $0xb8;
	[tilespmem:$0x1EF80] =	vst v63  }
0x128: {  	s0 =	sadd.s32 s6, s0;
	s16 =	simm.s32 $0x8F00  }
0x129: {  	[tilespmem:s16], [sflag:$0x8] =	stream.linear.gather [hbm4b:s0+s26], $0x1400, $0x38;
	[tilespmem:$0x1EF80] =	vst v63  }
0x12a: {  	s0 =	simm.s32 $0xA320  }
0x12b: {  	s26 =	simm.s32 $0x0;
	v1 =	vld [tilespmem:s0+$0xFFFFFFE0]  }
0x12c: {  	v2 =	vld [tilespmem:s26+$0x5300]  }
0x12d: {  	s16 =	simm.s32 $0x200;
	v3 =	vld [tilespmem:s26+$0x5310]  }
.LBB2_9:
0x12e: {  	p1 =	sne.s32 s16, $0x9E00;
	_ =	sdelay $0x1  }
0x12f: {  	v4 =	vshll.u32 v1, $0x10  }
0x130: {  	v1 =	vand.u32 $0xFFFF0000, v1;
	v2 =	vadd.f32 v4, v2  }
0x131: {  	v1 =	vadd.f32 v1, v3  }
0x132: {  	v2 =	vmax.f32 v2, $0.0e+00  }
0x133: {  	[tilespmem:s26+$0x5300] =	vst v2;
	v1 =	vmax.f32 v1, $0.0e+00  }
0x134: {  	[tilespmem:s26+$0x5310] =	vst v1  }
0x135: {  	v1 =	vld [tilespmem:s0+$0xFFFFFFF0]  }
0x136: {  	v2 =	vld [tilespmem:s26+$0x5320]  }
0x137: {  	v3 =	vld [tilespmem:s26+$0x5330];
	_ =	sdelay $0x2  }
0x138: {  	v4 =	vshll.u32 v1, $0x10  }
0x139: {  	v1 =	vand.u32 $0xFFFF0000, v1;
	v2 =	vadd.f32 v4, v2  }
0x13a: {  	v1 =	vadd.f32 v1, v3  }
0x13b: {  	v2 =	vmax.f32 v2, $0.0e+00  }
0x13c: {  	[tilespmem:s26+$0x5320] =	vst v2;
	v1 =	vmax.f32 v1, $0.0e+00  }
0x13d: {  	[tilespmem:s26+$0x5330] =	vst v1;
	v1 =	vld [tilespmem:s26+$0x5350]  }
0x13e: {  	v2 =	vld [tilespmem:s0+$0x0]  }
0x13f: {  	v3 =	vld [tilespmem:s26+$0x5340];
	_ =	sdelay $0x3  }
0x140: {  	v4 =	vshll.u32 v2, $0x10;
	v2 =	vand.u32 $0xFFFF0000, v2  }
0x141: {  	v3 =	vadd.f32 v4, v3;
	v1 =	vadd.f32 v2, v1;
	_ =	sdelay $0x1  }
0x142: {  	v2 =	vmax.f32 v3, $0.0e+00;
	v1 =	vmax.f32 v1, $0.0e+00  }
0x143: {  	[tilespmem:s26+$0x5350] =	vst v1  }
0x144: {  	[tilespmem:s26+$0x5340] =	vst v2;
	v1 =	vld [tilespmem:s26+$0x5370]  }
0x145: {  	v2 =	vld [tilespmem:s0+$0x10]  }
0x146: {  	v3 =	vld [tilespmem:s26+$0x5360];
	_ =	sdelay $0x3  }
0x147: {  	v4 =	vshll.u32 v2, $0x10;
	v2 =	vand.u32 $0xFFFF0000, v2  }
0x148: {  	v3 =	vadd.f32 v4, v3;
	v1 =	vadd.f32 v2, v1;
	_ =	sdelay $0x1  }
0x149: {  	v2 =	vmax.f32 v3, $0.0e+00;
	v1 =	vmax.f32 v1, $0.0e+00  }
.Ltmp3:
0x14a: {  	[tilespmem:s26+$0x5360] =	vst v2;
	(pc) =	sbr.rel @p1 .LBB2_9-.Ltmp3, $4  }
0x14b: {  	s0 =	sadd.s32 $0x40, s0;
	[tilespmem:s26+$0x5370] =	vst v1  }
0x14c: {  	s26 =	sshra.s32 s16, $0x2;
	v1 =	vld [tilespmem:s0+$0xFFFFFFE0]  }
0x14d: {  	v2 =	vld [tilespmem:s26+$0x5300]  }
0x14e: {  	s16 =	sadd.s32 $0x200, s16;
	v3 =	vld [tilespmem:s26+$0x5310]  }
0x14f: {  	_ =	sdelay $0x1  }
0x150: {  	v4 =	vshll.u32 v1, $0x10  }
0x151: {  	v1 =	vand.u32 $0xFFFF0000, v1;
	v2 =	vadd.f32 v4, v2  }
0x152: {  	v1 =	vadd.f32 v1, v3  }
0x153: {  	v2 =	vmax.f32 v2, $0.0e+00  }
0x154: {  	[tilespmem:s26+$0x5300] =	vst v2;
	v1 =	vmax.f32 v1, $0.0e+00  }
0x155: {  	[tilespmem:s26+$0x5310] =	vst v1  }
0x156: {  	v1 =	vld [tilespmem:s0+$0xFFFFFFF0]  }
0x157: {  	v2 =	vld [tilespmem:s26+$0x5320]  }
0x158: {  	v3 =	vld [tilespmem:s26+$0x5330];
	_ =	sdelay $0x2  }
0x159: {  	v61 =	vshll.u32 v1, $0x10  }
0x15a: {  	v1 =	vand.u32 $0xFFFF0000, v1;
	v2 =	vadd.f32 v61, v2  }
0x15b: {  	v1 =	vadd.f32 v1, v3  }
0x15c: {  	v2 =	vmax.f32 v2, $0.0e+00  }
0x15d: {  	v1 =	vmax.f32 v1, $0.0e+00;
	[tilespmem:s26+$0x5320] =	vst v2  }
0x15e: {  	[tilespmem:s26+$0x5330] =	vst v1  }
0x15f: {  	v1 =	vld [tilespmem:s0+$0x0]  }
0x160: {  	v2 =	vld [tilespmem:s26+$0x5350]  }
0x161: {  	v3 =	vld [tilespmem:s26+$0x5340];
	_ =	sdelay $0x2  }
0x162: {  	v62 =	vand.u32 $0xFFFF0000, v1  }
0x163: {  	v1 =	vshll.u32 v1, $0x10;
	v2 =	vadd.f32 v62, v2  }
0x164: {  	v1 =	vadd.f32 v1, v3  }
0x165: {  	v2 =	vmax.f32 v2, $0.0e+00  }
0x166: {  	v1 =	vmax.f32 v1, $0.0e+00;
	[tilespmem:s26+$0x5350] =	vst v2  }
0x167: {  	[tilespmem:s26+$0x5340] =	vst v1  }
0x168: {  	v1 =	vld [tilespmem:s0+$0x10]  }
0x169: {  	v2 =	vld [tilespmem:s26+$0x5360]  }
0x16a: {  	v3 =	vld [tilespmem:s26+$0x5370];
	_ =	sdelay $0x2  }
0x16b: {  	v63 =	vshll.u32 v1, $0x10  }
0x16c: {  	v1 =	vand.u32 $0xFFFF0000, v1;
	v2 =	vadd.f32 v63, v2  }
0x16d: {  	v1 =	vadd.f32 v1, v3  }
0x16e: {  	v2 =	vmax.f32 v2, $0.0e+00  }
0x16f: {  	p1 =	seq.s32 s8, $0x28;
	v1 =	vmax.f32 v1, $0.0e+00;
	[tilespmem:s26+$0x5360] =	vst v2  }
.Ltmp4:
0x170: {  	[tilespmem:s26+$0x5370] =	vst v1;
	s26 =	simm.s32 $0x280;
	(pc) =	sbr.rel @p1 .LBB2_12-.Ltmp4, $4  }
0x171: {  	[spmem:s3] =	stream.indirect.scatter.add.f32 [tilespmem:s10], [sflag:$0xA], $0x80, s26, s22, $0xb8;
	[tilespmem:$0x1EF80] =	vst v63  }
0x172: {  	_ =	swait.ge [sflag:s13], $0x2800  }
0x173: {  	[sflag:s13] =	ssyncset.done $0x0  }
0x174: {  	[sflag:s13] =	ssyncadd.s32 $0xFFFFD800  }
.Ltmp5:
0x175: {  	s0 =	sadd.s32 s11, s20;
	(pc) =	sbr.rel .LBB2_4-.Ltmp5, $4  }
0x176: {  	s0 =	sshll.u32 s0, $0x5  }
0x177: {  	s0 =	sand.u32 $0x1FFFFFE0, s0  }
0x178: {  	s26 =	simm.s32 $0x0;
	s8 =	sadd.s32 $0x1, s8;
	s0 =	sadd.s32 s1, s0  }
0x179: {  	[tilespmem:s15], [sflag:$0x3] =	stream.linear.gather [hbm4b:s0+s26], $0x100, $0x38;
	[tilespmem:$0x1EF80] =	vst v63  }
.LBB2_12:
0x17a: {  	_ =	swait.ge [sflag:s4], $0x2800  }
0x17b: {  	[sflag:s4] =	ssyncset.done $0x0  }
0x17c: {  	[sflag:s4] =	ssyncadd.s32 $0xFFFFD800  }
0x17d: {  	_ =	swait.ge [sflag:s9], $0x1400  }
0x17e: {  	[sflag:s9] =	ssyncset.done $0x0  }
0x17f: {  	s0 =	simm.s32 $0x0;
	[sflag:s9] =	ssyncadd.s32 $0xFFFFEC00  }
0x180: {  	s5 =	simm.s32 $0x340;
	v1 =	vld [tilespmem:s0+$0x7B00]  }
0x181: {  	s8 =	simm.s32 $0x100;
	s26 =	rddreg [dreg:$0x6];
	v2 =	vld [tilespmem:s5+$0xFFFFFFC0]  }
.LBB2_13:
0x182: {  	p1 =	sne.s32 s8, $0x4F00;
	v3 =	vld [tilespmem:s5+$0xFFFFFFD0];
	_ =	sdelay $0x2  }
0x183: {  	v4 =	vshll.u32 v1, $0x10  }
0x184: {  	v1 =	vand.u32 $0xFFFF0000, v1;
	v2 =	vadd.f32 v4, v2  }
0x185: {  	v1 =	vadd.f32 v1, v3  }
0x186: {  	v2 =	vmax.f32 v2, $0.0e+00  }
0x187: {  	[tilespmem:s5+$0xFFFFFFC0] =	vst v2;
	v1 =	vmax.f32 v1, $0.0e+00  }
0x188: {  	[tilespmem:s5+$0xFFFFFFD0] =	vst v1  }
0x189: {  	v1 =	vld [tilespmem:s0+$0x7B10]  }
0x18a: {  	v2 =	vld [tilespmem:s5+$0xFFFFFFE0]  }
0x18b: {  	v3 =	vld [tilespmem:s5+$0xFFFFFFF0];
	_ =	sdelay $0x2  }
0x18c: {  	v4 =	vshll.u32 v1, $0x10  }
0x18d: {  	v1 =	vand.u32 $0xFFFF0000, v1;
	v2 =	vadd.f32 v4, v2  }
0x18e: {  	v1 =	vadd.f32 v1, v3  }
0x18f: {  	v2 =	vmax.f32 v2, $0.0e+00  }
0x190: {  	[tilespmem:s5+$0xFFFFFFE0] =	vst v2;
	v1 =	vmax.f32 v1, $0.0e+00  }
0x191: {  	[tilespmem:s5+$0xFFFFFFF0] =	vst v1;
	v1 =	vld [tilespmem:s5+$0x10]  }
0x192: {  	v2 =	vld [tilespmem:s0+$0x7B20]  }
0x193: {  	v3 =	vld [tilespmem:s5+$0x0];
	_ =	sdelay $0x3  }
0x194: {  	v4 =	vshll.u32 v2, $0x10;
	v2 =	vand.u32 $0xFFFF0000, v2  }
0x195: {  	v3 =	vadd.f32 v4, v3;
	v1 =	vadd.f32 v2, v1;
	_ =	sdelay $0x1  }
0x196: {  	v2 =	vmax.f32 v3, $0.0e+00;
	v1 =	vmax.f32 v1, $0.0e+00  }
0x197: {  	[tilespmem:s5+$0x10] =	vst v1  }
0x198: {  	[tilespmem:s5+$0x0] =	vst v2;
	v1 =	vld [tilespmem:s5+$0x30]  }
0x199: {  	v2 =	vld [tilespmem:s0+$0x7B30]  }
0x19a: {  	v3 =	vld [tilespmem:s5+$0x20];
	_ =	sdelay $0x3  }
0x19b: {  	v4 =	vshll.u32 v2, $0x10;
	v2 =	vand.u32 $0xFFFF0000, v2  }
0x19c: {  	v3 =	vadd.f32 v4, v3;
	v1 =	vadd.f32 v2, v1;
	_ =	sdelay $0x1  }
.Ltmp6:
0x19d: {  	v2 =	vmax.f32 v3, $0.0e+00;
	v1 =	vmax.f32 v1, $0.0e+00;
	(pc) =	sbr.rel @p1 .LBB2_13-.Ltmp6, $4  }
0x19e: {  	[tilespmem:s5+$0x20] =	vst v2  }
0x19f: {  	s0 =	sshra.s32 s8, $0x2;
	[tilespmem:s5+$0x30] =	vst v1  }
0x1a0: {  	s5 =	sadd.s32 $0x80, s5;
	v1 =	vld [tilespmem:s0+$0x7B00]  }
0x1a1: {  	s8 =	sadd.s32 $0x100, s8;
	v2 =	vld [tilespmem:s5+$0xFFFFFFC0]  }
0x1a2: {  	v3 =	vld [tilespmem:s5+$0xFFFFFFD0];
	_ =	sdelay $0x2  }
0x1a3: {  	v4 =	vshll.u32 v1, $0x10  }
0x1a4: {  	v1 =	vand.u32 $0xFFFF0000, v1;
	v2 =	vadd.f32 v4, v2  }
0x1a5: {  	v1 =	vadd.f32 v1, v3  }
0x1a6: {  	v2 =	vmax.f32 v2, $0.0e+00  }
0x1a7: {  	[tilespmem:s5+$0xFFFFFFC0] =	vst v2;
	v1 =	vmax.f32 v1, $0.0e+00  }
0x1a8: {  	[tilespmem:s5+$0xFFFFFFD0] =	vst v1  }
0x1a9: {  	v1 =	vld [tilespmem:s0+$0x7B10]  }
0x1aa: {  	v2 =	vld [tilespmem:s5+$0xFFFFFFE0]  }
0x1ab: {  	v3 =	vld [tilespmem:s5+$0xFFFFFFF0];
	_ =	sdelay $0x2  }
0x1ac: {  	v61 =	vshll.u32 v1, $0x10  }
0x1ad: {  	v1 =	vand.u32 $0xFFFF0000, v1;
	v2 =	vadd.f32 v61, v2  }
0x1ae: {  	v1 =	vadd.f32 v1, v3  }
0x1af: {  	v2 =	vmax.f32 v2, $0.0e+00  }
0x1b0: {  	v1 =	vmax.f32 v1, $0.0e+00;
	[tilespmem:s5+$0xFFFFFFE0] =	vst v2  }
0x1b1: {  	[tilespmem:s5+$0xFFFFFFF0] =	vst v1  }
0x1b2: {  	v1 =	vld [tilespmem:s0+$0x7B20]  }
0x1b3: {  	v2 =	vld [tilespmem:s5+$0x10]  }
0x1b4: {  	v3 =	vld [tilespmem:s5+$0x0];
	_ =	sdelay $0x2  }
0x1b5: {  	v62 =	vand.u32 $0xFFFF0000, v1  }
0x1b6: {  	v1 =	vshll.u32 v1, $0x10;
	v2 =	vadd.f32 v62, v2  }
0x1b7: {  	v1 =	vadd.f32 v1, v3  }
0x1b8: {  	v2 =	vmax.f32 v2, $0.0e+00  }
0x1b9: {  	v1 =	vmax.f32 v1, $0.0e+00;
	[tilespmem:s5+$0x10] =	vst v2  }
0x1ba: {  	[tilespmem:s5+$0x0] =	vst v1  }
0x1bb: {  	v1 =	vld [tilespmem:s0+$0x7B30]  }
0x1bc: {  	v2 =	vld [tilespmem:s5+$0x20]  }
0x1bd: {  	v3 =	vld [tilespmem:s5+$0x30];
	_ =	sdelay $0x2  }
0x1be: {  	v63 =	vshll.u32 v1, $0x10  }
0x1bf: {  	v1 =	vand.u32 $0xFFFF0000, v1;
	v2 =	vadd.f32 v63, v2  }
0x1c0: {  	v1 =	vadd.f32 v1, v3  }
0x1c1: {  	v2 =	vmax.f32 v2, $0.0e+00  }
0x1c2: {  	v1 =	vmax.f32 v1, $0.0e+00;
	[tilespmem:s5+$0x20] =	vst v2  }
0x1c3: {  	s16 =	simm.s32 $0x80;
	[tilespmem:s5+$0x30] =	vst v1  }
0x1c4: {  	[spmem:s3] =	stream.indirect.scatter.add.f32 [tilespmem:s12], [sflag:$0xA], $0x80, s16, s22, $0xb8;
	[tilespmem:$0x1EF80] =	vst v63  }
0x1c5: {  	_ =	swait.ge [sflag:s13], $0x2800  }
0x1c6: {  	[sflag:s13] =	ssyncset.done $0x0  }
0x1c7: {  	[sflag:s13] =	ssyncadd.s32 $0xFFFFD800  }
0x1c8: {  	_ =	swait.ge [sflag:s23], $0x2800  }
0x1c9: {  	[sflag:s23] =	ssyncset.done $0x0  }
0x1ca: {  	[sflag:s23] =	ssyncadd.s32 $0xFFFFD800  }
0x1cb: {  	_ =	swait.ge [sflag:s24], $0x1400  }
0x1cc: {  	[sflag:s24] =	ssyncset.done $0x0  }
0x1cd: {  	s0 =	simm.s32 $0x0;
	[sflag:s24] =	ssyncadd.s32 $0xFFFFEC00  }
0x1ce: {  	s5 =	simm.s32 $0x2B70;
	v1 =	vld [tilespmem:s0+$0x8F00]  }
0x1cf: {  	s8 =	simm.s32 $0x100;
	v2 =	vld [tilespmem:s5+$0xFFFFFF90]  }
.LBB2_15:
0x1d0: {  	p1 =	sne.s32 s8, $0x4F00;
	v3 =	vld [tilespmem:s5+$0xFFFFFFA0];
	_ =	sdelay $0x2  }
0x1d1: {  	v4 =	vshll.u32 v1, $0x10  }
0x1d2: {  	v1 =	vand.u32 $0xFFFF0000, v1;
	v2 =	vadd.f32 v4, v2  }
0x1d3: {  	v1 =	vadd.f32 v1, v3  }
0x1d4: {  	v2 =	vmax.f32 v2, $0.0e+00  }
0x1d5: {  	[tilespmem:s5+$0xFFFFFF90] =	vst v2;
	v1 =	vmax.f32 v1, $0.0e+00  }
0x1d6: {  	[tilespmem:s5+$0xFFFFFFA0] =	vst v1  }
0x1d7: {  	v1 =	vld [tilespmem:s0+$0x8F10]  }
0x1d8: {  	v2 =	vld [tilespmem:s5+$0xFFFFFFB0]  }
0x1d9: {  	v3 =	vld [tilespmem:s5+$0xFFFFFFC0];
	_ =	sdelay $0x2  }
0x1da: {  	v4 =	vshll.u32 v1, $0x10  }
0x1db: {  	v1 =	vand.u32 $0xFFFF0000, v1;
	v2 =	vadd.f32 v4, v2  }
0x1dc: {  	v1 =	vadd.f32 v1, v3  }
0x1dd: {  	v2 =	vmax.f32 v2, $0.0e+00  }
0x1de: {  	[tilespmem:s5+$0xFFFFFFB0] =	vst v2;
	v1 =	vmax.f32 v1, $0.0e+00  }
0x1df: {  	[tilespmem:s5+$0xFFFFFFC0] =	vst v1;
	v1 =	vld [tilespmem:s5+$0xFFFFFFE0]  }
0x1e0: {  	v2 =	vld [tilespmem:s0+$0x8F20]  }
0x1e1: {  	v3 =	vld [tilespmem:s5+$0xFFFFFFD0];
	_ =	sdelay $0x3  }
0x1e2: {  	v4 =	vshll.u32 v2, $0x10;
	v2 =	vand.u32 $0xFFFF0000, v2  }
0x1e3: {  	v3 =	vadd.f32 v4, v3;
	v1 =	vadd.f32 v2, v1;
	_ =	sdelay $0x1  }
0x1e4: {  	v2 =	vmax.f32 v3, $0.0e+00;
	v1 =	vmax.f32 v1, $0.0e+00  }
0x1e5: {  	[tilespmem:s5+$0xFFFFFFE0] =	vst v1  }
0x1e6: {  	[tilespmem:s5+$0xFFFFFFD0] =	vst v2;
	v1 =	vld [tilespmem:s5+$0xFFFFFFF0]  }
0x1e7: {  	v2 =	vld [tilespmem:s0+$0x8F30]  }
0x1e8: {  	v3 =	vld [tilespmem:s5+$0x0];
	_ =	sdelay $0x3  }
0x1e9: {  	v4 =	vshll.u32 v2, $0x10;
	v2 =	vand.u32 $0xFFFF0000, v2  }
0x1ea: {  	v1 =	vadd.f32 v4, v1;
	v2 =	vadd.f32 v2, v3;
	_ =	sdelay $0x1  }
.Ltmp7:
0x1eb: {  	v1 =	vmax.f32 v1, $0.0e+00;
	v2 =	vmax.f32 v2, $0.0e+00;
	(pc) =	sbr.rel @p1 .LBB2_15-.Ltmp7, $4  }
0x1ec: {  	[tilespmem:s5+$0xFFFFFFF0] =	vst v1  }
0x1ed: {  	s0 =	sshra.s32 s8, $0x2;
	[tilespmem:s5+$0x0] =	vst v2  }
0x1ee: {  	s5 =	sadd.s32 $0x80, s5;
	v1 =	vld [tilespmem:s0+$0x8F00]  }
0x1ef: {  	s8 =	sadd.s32 $0x100, s8;
	v2 =	vld [tilespmem:s5+$0xFFFFFF90]  }
0x1f0: {  	v3 =	vld [tilespmem:s5+$0xFFFFFFA0];
	_ =	sdelay $0x2  }
0x1f1: {  	v4 =	vshll.u32 v1, $0x10  }
0x1f2: {  	v1 =	vand.u32 $0xFFFF0000, v1;
	v2 =	vadd.f32 v4, v2  }
0x1f3: {  	v1 =	vadd.f32 v1, v3  }
0x1f4: {  	v2 =	vmax.f32 v2, $0.0e+00  }
0x1f5: {  	[tilespmem:s5+$0xFFFFFF90] =	vst v2;
	v1 =	vmax.f32 v1, $0.0e+00  }
0x1f6: {  	[tilespmem:s5+$0xFFFFFFA0] =	vst v1  }
0x1f7: {  	v1 =	vld [tilespmem:s0+$0x8F10]  }
0x1f8: {  	v2 =	vld [tilespmem:s5+$0xFFFFFFB0]  }
0x1f9: {  	v3 =	vld [tilespmem:s5+$0xFFFFFFC0];
	_ =	sdelay $0x2  }
0x1fa: {  	v61 =	vshll.u32 v1, $0x10  }
0x1fb: {  	v1 =	vand.u32 $0xFFFF0000, v1;
	v2 =	vadd.f32 v61, v2  }
0x1fc: {  	v1 =	vadd.f32 v1, v3  }
0x1fd: {  	v2 =	vmax.f32 v2, $0.0e+00  }
0x1fe: {  	v1 =	vmax.f32 v1, $0.0e+00;
	[tilespmem:s5+$0xFFFFFFB0] =	vst v2  }
0x1ff: {  	[tilespmem:s5+$0xFFFFFFC0] =	vst v1  }
0x200: {  	v1 =	vld [tilespmem:s0+$0x8F20]  }
0x201: {  	v2 =	vld [tilespmem:s5+$0xFFFFFFE0]  }
0x202: {  	v3 =	vld [tilespmem:s5+$0xFFFFFFD0];
	_ =	sdelay $0x2  }
0x203: {  	v62 =	vand.u32 $0xFFFF0000, v1  }
0x204: {  	v1 =	vshll.u32 v1, $0x10;
	v2 =	vadd.f32 v62, v2  }
0x205: {  	v1 =	vadd.f32 v1, v3  }
0x206: {  	v2 =	vmax.f32 v2, $0.0e+00  }
0x207: {  	v1 =	vmax.f32 v1, $0.0e+00;
	[tilespmem:s5+$0xFFFFFFE0] =	vst v2  }
0x208: {  	[tilespmem:s5+$0xFFFFFFD0] =	vst v1  }
0x209: {  	v1 =	vld [tilespmem:s0+$0x8F30]  }
0x20a: {  	v2 =	vld [tilespmem:s5+$0xFFFFFFF0]  }
0x20b: {  	v3 =	vld [tilespmem:s5+$0x0];
	_ =	sdelay $0x2  }
0x20c: {  	v63 =	vshll.u32 v1, $0x10  }
0x20d: {  	v1 =	vand.u32 $0xFFFF0000, v1;
	v2 =	vadd.f32 v63, v2  }
0x20e: {  	v1 =	vadd.f32 v1, v3  }
0x20f: {  	v2 =	vmax.f32 v2, $0.0e+00  }
0x210: {  	v1 =	vmax.f32 v1, $0.0e+00;
	[tilespmem:s5+$0xFFFFFFF0] =	vst v2  }
0x211: {  	[tilespmem:s5+$0x0] =	vst v1  }
0x212: {  	[spmem:s3] =	stream.indirect.scatter.add.f32 [tilespmem:s29], [sflag:$0xA], $0x80, s25, s22, $0xb8;
	[tilespmem:$0x1EF80] =	vst v63  }
0x213: {  	_ =	swait.ge [sflag:s13], $0x2800  }
0x214: {  	[sflag:s13] =	ssyncset.done $0x0  }
0x215: {  	s11 =	stileid.u32;
	[sflag:s13] =	ssyncadd.s32 $0xFFFFD800  }
0x216: {  	s0 =	sshll.u32 s11, $0x6;
	[bflag:$0x0] =	sbarrier.arrive $0xFFFF  }
0x217: {  	s16 =	sshrl.u32 s26, $0x3;
	s0 =	sor.u32 $0x1C0A, s0;
	s8 =	rddreg [dreg:$0xf]  }
0x218: {  	[hbm:s8], [sflag:s0] =	dma.local [spmem:s16], $0x500  }
0x219: {  	_ =	swait.ge [sflag:s13], $0x500  }
0x21a: {  	[sflag:s13] =	ssyncset.done $0x0;
	s11 =	rddreg [dreg:$0xe]  }
0x21b: {  	s16 =	rddreg [dreg:$0x10];
	[sflag:s13] =	ssyncadd.s32 $0xFFFFFB00;
	s5 =	sshrl.u32 s11, $0x3  }
0x21c: {  	[hbm:s16], [sflag:s0] =	dma.local [spmem:s5], $0x500  }
0x21d: {  	_ =	swait.ge [sflag:s13], $0x500  }
0x21e: {  	[sflag:s13] =	ssyncset.done $0x0;
	s11 =	rddreg [dreg:$0x11]  }
0x21f: {  	s16 =	rddreg [dreg:$0x14];
	[sflag:s13] =	ssyncadd.s32 $0xFFFFFB00;
	s5 =	sshrl.u32 s11, $0x3  }
0x220: {  	[hbm:s16], [sflag:s0] =	dma.local [spmem:s5], $0x500  }
0x221: {  	_ =	swait.ge [sflag:s13], $0x500  }
0x222: {  	[sflag:s13] =	ssyncset.done $0x0;
	s11 =	rddreg [dreg:$0x12]  }
0x223: {  	s16 =	rddreg [dreg:$0x15];
	[sflag:s13] =	ssyncadd.s32 $0xFFFFFB00;
	s5 =	sshrl.u32 s11, $0x3  }
0x224: {  	[hbm:s16], [sflag:s0] =	dma.local [spmem:s5], $0x500  }
0x225: {  	_ =	swait.ge [sflag:s13], $0x500  }
0x226: {  	[sflag:s13] =	ssyncset.done $0x0;
	s11 =	rddreg [dreg:$0x13]  }
0x227: {  	s16 =	rddreg [dreg:$0x16];
	[sflag:s13] =	ssyncadd.s32 $0xFFFFFB00;
	s5 =	sshrl.u32 s11, $0x3  }
0x228: {  	[hbm:s16], [sflag:s0] =	dma.local [spmem:s5], $0x500  }
0x229: {  	_ =	swait.ge [sflag:s13], $0x500  }
0x22a: {  	[sflag:s13] =	ssyncset.done $0x0;
	s5 =	rddreg [dreg:$0x17]  }
0x22b: {  	s8 =	rddreg [dreg:$0x19];
	[sflag:s13] =	ssyncadd.s32 $0xFFFFFB00;
	s5 =	sshrl.u32 @!p0 s5, $0x3  }
0x22c: {  	[hbm:s8], [sflag:s0] =	dma.local @!p0 [spmem:s5], $0x500  }
0x22d: {  	s5 =	simm.s32 @!p0 $0xA  }
0x22e: {  	_ =	swait.ge @!p0 [sflag:s5], $0x500  }
0x22f: {  	[sflag:s5] =	ssyncset.done @!p0 $0x0;
	s8 =	rddreg [dreg:$0x18]  }
0x230: {  	s11 =	rddreg [dreg:$0x1a];
	[sflag:s5] =	ssyncadd.s32 @!p0 $0xFFFFFB00;
	s8 =	sshrl.u32 @!p0 s8, $0x3  }
0x231: {  	[hbm:s11], [sflag:s0] =	dma.local @!p0 [spmem:s8], $0x500  }
0x232: {  	_ =	swait.ge @!p0 [sflag:s5], $0x500  }
0x233: {  	s8 =	rddreg [dreg:$0x8]  }
0x234: {  	s11 =	rddreg [dreg:$0x1c]  }
0x235: {  	[sflag:s5] =	ssyncset.done @!p0 $0x0;
	s8 =	sadd.s32 @!p0 s8, s11  }
0x236: {  	s16 =	rddreg [dreg:$0x5];
	s11 =	sadd.s32 @!p0 s11, s3;
	s8 =	sshrl.u32 @!p0 s8, $0x3  }
0x237: {  	[sflag:s5] =	ssyncadd.s32 @!p0 $0xFFFFFB00;
	s11 =	sshrl.u32 @!p0 s11, $0x3;
	s8 =	sadd.s32 @!p0 s16, s8  }
0x238: {  	[hbm:s8], [sflag:s0] =	dma.local @!p0 [spmem:s11], $0x500  }
0x239: {  	_ =	swait.ge @!p0 [sflag:s5], $0x500  }
0x23a: {  	s11 =	rddreg [dreg:$0x1d]  }
0x23b: {  	s16 =	rddreg [dreg:$0x1b];
	s8 =	sadd.s32 $0x1, s11  }
0x23c: {  	p1 =	sne.s32 s8, s16  }
.Ltmp8:
0x23d: {  	_ = 	snop;
	(pc) =	sbr.rel @p1 .LBB2_1-.Ltmp8, $3  }
0x23e: {  	_ =	sdelay $0x1  }
0x23f: {  	[sflag:s5] =	ssyncset.done @!p0 $0x0  }
0x240: {  	[sflag:s5] =	ssyncadd.s32 @!p0 $0xFFFFFB00  }
0x241: {  	_ =	sfence.sel $0x180000  }
0x242: {  	[bflag:$0x0] =	sbarrier.arrive $0xFFFF  }
0x243: {  	_ =	strace $0x90000047  }
0x244: {  	s0 =	stileid.u32;
	[bflag:$0x2] =	sbarrier.arrive $0xFFFF  }
0x245: {  	p0 =	sne.s32 s0, $0x0;
	s0 =	rddreg [dreg:$0x4]  }
0x246: {  	s0 =	sadd.s32 @!p0 $0x100000, s0  }
0x247: {  	[sflag:s0] =	ssyncadd.tile.s32 @!p0 $0x1;
	_ =	shalt  }
.Lfunc_end2:
_tile_overlayer_lowered:
.L_overlay_start_2:
0x248: {  	(tag) =	ssettag $0x2  }
0x249: {  	s0 =	rddreg [dreg:$0x0];
	s2 =	stileid.u32  }
0x24a: {  	s1 =	rddreg [dreg:$0x1];
	p0 =	sne.s32 s2, $0x0  }
0x24b: {  	s3 =	rddreg [dreg:$0x2];
	[bflag:$0x3] =	sbarrier.arrive $0xFFFF;
	s2 =	simm.s32 @!p0 $0x1C0A  }
0x24c: {  	[timem:s3], [sflag:s2] =	dma.local @!p0 [hbm:s0], s1  }
0x24d: {  	s0 =	simm.s32 @!p0 $0xA  }
0x24e: {  	_ =	swait.ge @!p0 [sflag:s0], s1  }
0x24f: {  	s1 =	ssub.s32 @!p0 $0x0, s1;
	[sflag:s0] =	ssyncset.done @!p0 $0x0  }
0x250: {  	[sflag:s0] =	ssyncadd.s32 @!p0 s1  }
0x251: {  	[bflag:$0x3] =	sbarrier.arrive $0xFFFF  }
0x252: {  	_ =	shalt  }

</sc_bundles>
